<compile_context>
chip_gen: v7x
topology: tpu7x:2x2x1
jax: 0.10.2.dev20260603
libtpu: 0.0.44.dev20260713+nightly
codegen_flags: <defaults>
</compile_context>

<pallas_src>
import functools

import jax
import jax.numpy as jnp
from jax import lax
from jax.experimental import pallas as pl
from jax.experimental.pallas import tpu as pltpu
from jax.experimental.pallas import tpu_sc as plsc

B = 2
N = 50000
K = 16
H = 128
NF = 10

NC = 2
NS = 16
NW = NC * NS

CHUNK = 1568
GROUPS = CHUNK // 16

NPAD = 51200
NB = 2048
NBLK = NPAD // NB
KP = K // 2


def _prep_body(*refs):
  idx_ref, dist_ref = refs[0], refs[1]
  idxp_refs = refs[2:2 + B * KP]
  dm_refs = refs[2 + B * KP:]
  x = idx_ref[...]
  d = dist_ref[...]
  for b in range(B):
    xt = jnp.transpose(x[b])
    w = jnp.bitwise_or(xt[0:KP], jnp.left_shift(xt[KP:K], 16))
    for t in range(KP):
      idxp_refs[b * KP + t][...] = w[t]
    dt = jnp.transpose(d[b])
    dm_refs[b][...] = jnp.max(dt, axis=0)


def _prep_call(neigh_idx, neigh_dist):
  blk_in = pl.BlockSpec((B, NB, K), lambda i: (0, i, 0))
  blk_row = pl.BlockSpec((NB,), lambda i: (i,))
  return pl.pallas_call(
      _prep_body,
      grid=(NBLK,),
      in_specs=[blk_in, blk_in],
      out_specs=[blk_row] * (B * KP + B),
      out_shape=[jax.ShapeDtypeStruct((NPAD,), jnp.int32)] * (B * KP) + [
          jax.ShapeDtypeStruct((NPAD,), jnp.float32)] * B,
  )(neigh_idx, neigh_dist)


def _pooled_body(*refs):
  pos_hbm = refs[0]
  idxp_hbm = refs[1:1 + B * KP]
  dm_hbm = refs[1 + B * KP:1 + B * KP + B]
  pooled_hbm = refs[1 + B * KP + B]
  (plane0_v, plane1_v, idxp_v, pooled_v,
   sem, sem_in, sem_out) = refs[2 + B * KP + B:]
  wid = lax.axis_index("s") * NC + lax.axis_index("c")
  start = jnp.minimum(wid * CHUNK, N - CHUNK).astype(jnp.int32)
  planes = (plane0_v, plane1_v)

  def plane_dma(p):
    b, c = divmod(p, 3)
    return pltpu.async_copy(
        pos_hbm.at[pl.ds((b * 3 + c) * N, N)], planes[p % 2], sem)

  pending = plane_dma(0)
  out_handles = []
  for b in range(B):
    stage = [
        pltpu.async_copy(
            idxp_hbm[b * KP + t].at[pl.ds(start, CHUNK)],
            idxp_v.at[pl.ds(t * CHUNK, CHUNK)], sem_in)
        for t in range(KP)
    ]
    for h in out_handles:
      h.wait()
    out_handles = []
    stage.append(
        pltpu.async_copy(dm_hbm[b].at[pl.ds(start, CHUNK)],
                         pooled_v.at[pl.ds(9 * CHUNK, CHUNK)], sem_in))
    for h in stage:
      h.wait()
    for c in range(3):
      p = b * 3 + c
      plane_v = planes[p % 2]
      pending.wait()
      if p + 1 < 6:
        pending = plane_dma(p + 1)

      def group_body(g, carry, plane_v=plane_v, c=c):
        selfv = plane_v[pl.ds(start + g * 16, 16)]
        amax = None
        for t in range(KP):
          w = idxp_v[pl.ds(t * CHUNK + g * 16, 16)]
          ia = jnp.bitwise_and(w, 0xFFFF)
          ib = lax.shift_right_logical(w, 16)
          va = plsc.load_gather(plane_v, [ia])
          vb = plsc.load_gather(plane_v, [ib])
          hi = jnp.maximum(va, vb)
          lo = jnp.minimum(va, vb)
          if t == 0:
            amax, amin = hi, lo
          else:
            amax = jnp.maximum(amax, hi)
            amin = jnp.minimum(amin, lo)
        pooled_v[pl.ds(c * CHUNK + g * 16, 16)] = selfv
        pooled_v[pl.ds((3 + c) * CHUNK + g * 16, 16)] = amax
        pooled_v[pl.ds((6 + c) * CHUNK + g * 16, 16)] = selfv - amin
        return carry

      lax.fori_loop(0, GROUPS, group_body, 0)
    out_handles = [
        pltpu.async_copy(
            pooled_v.at[pl.ds(f * CHUNK, CHUNK)],
            pooled_hbm.at[pl.ds(f * (B * NPAD) + b * NPAD + start, CHUNK)],
            sem_out)
        for f in range(NF)
    ]
  for h in out_handles:
    h.wait()


_pooled_call = functools.partial(
    pl.kernel,
    out_type=jax.ShapeDtypeStruct((NF * B * NPAD,), jnp.float32),
    mesh=plsc.VectorSubcoreMesh(core_axis_name="c", subcore_axis_name="s"),
    compiler_params=pltpu.CompilerParams(needs_layout_passes=False),
    scratch_types=[
        pltpu.VMEM((N,), jnp.float32),
        pltpu.VMEM((N,), jnp.float32),
        pltpu.VMEM((KP * CHUNK,), jnp.int32),
        pltpu.VMEM((NF * CHUNK,), jnp.float32),
        pltpu.SemaphoreType.DMA,
        pltpu.SemaphoreType.DMA,
        pltpu.SemaphoreType.DMA,
    ],
)(_pooled_body)


def _mlp_body(x_ref, w_ref, b_ref, o_ref):
  y = lax.dot_general(x_ref[...], w_ref[...], (((0,), (0,)), ((), ())),
                      preferred_element_type=jnp.float32)
  o_ref[0] = jnp.maximum(y + b_ref[...], 0.0)


def _mlp_call(xt, wt, b2):
  return pl.pallas_call(
      _mlp_body,
      grid=(B, NBLK),
      in_specs=[
          pl.BlockSpec((NF, NB), lambda b, i: (0, b * NBLK + i)),
          pl.BlockSpec((NF, H), lambda b, i: (0, 0)),
          pl.BlockSpec((1, H), lambda b, i: (0, 0)),
      ],
      out_specs=pl.BlockSpec((1, NB, H), lambda b, i: (b, i, 0)),
      out_shape=jax.ShapeDtypeStruct((B, N, H), jnp.float32),
  )(xt, wt, b2)


def kernel(pos, neigh_idx, neigh_dist, W1, b1):
  outs = _prep_call(neigh_idx, neigh_dist)
  pooled = _pooled_call(pos.reshape(B * 3 * N), *outs)
  xt = pooled.reshape(NF, B * NPAD)
  return _mlp_call(xt, W1.T, b1.reshape(1, H))

# --- scband reference (transcript-rebuilt; emitter-appended) ---
"""Pipeline reference for scband-point-embedding-76656576299158 (READ-ONLY COPY).

The authoritative reference and input builder live on the scoring server;
editing this copy changes nothing except your own understanding.
"""

import jax, jax.numpy as jnp
import numpy as np


def setup_inputs(seed: int = 0) -> dict:
    key = jax.random.key(seed)
    k1, k2, k3, k4 = jax.random.split(key, 4)
    B, N, K, H = 2, 50000, 16, 128
    pos = jax.random.normal(k1, (B, 3, N), dtype=jnp.float32)
    neigh_idx = jax.random.randint(k2, (B, N, K), 0, N, dtype=jnp.int32)
    neigh_dist = jax.random.uniform(k3, (B, N, K), dtype=jnp.float32)
    W1 = jax.random.normal(k4, (H, 10), dtype=jnp.float32) * (1.0 / np.sqrt(10.0))
    b1 = jnp.zeros((H,), dtype=jnp.float32)
    return {"pos": pos, "neigh_idx": neigh_idx, "neigh_dist": neigh_dist, "W1": W1, "b1": b1}


def reference(pos, neigh_idx, neigh_dist, W1, b1):
    xyz = pos[:, :3, :]
    B, N, K = neigh_idx.shape
    # extended_xyz: [B, 3, N, K]
    extended_xyz = jnp.broadcast_to(xyz[:, :, :, None], (B, 3, N, K))
    # torch.gather(extended_xyz, 2, extended_idx) -> take_along_axis on axis 2
    idx = jnp.broadcast_to(neigh_idx[:, None, :, :], (B, 3, N, K))
    neighbors = jnp.take_along_axis(extended_xyz, idx, axis=2)
    concat = jnp.concatenate(
        [extended_xyz, neighbors, extended_xyz - neighbors, neigh_dist[:, None, :, :]],
        axis=1,
    )  # [B, 10, N, K]
    pooled = jnp.max(concat, axis=-1)  # [B, 10, N]
    x = jnp.transpose(pooled, (0, 2, 1))  # [B, N, 10]
    pnt_emb = jax.nn.relu(jnp.einsum("bnf,hf->bnh", x, W1) + b1)  # [B, N, H]
    return pnt_emb

if __name__ == "__main__":
    import jax
    _d = setup_inputs()
    print(jax.jit(kernel)(*tuple(_d.values())))

</pallas_src>

<mosaic_0001>
#map = affine_map<(d0, d1) -> (0)>
module attributes {stable_mosaic.version = 14 : i64} {
  func.func @_pooled_body(%arg0: i32, %arg1: i32, %arg2: memref<300000xf32, #tpu.memory_space<hbm>>, %arg3: memref<51200xi32, #tpu.memory_space<hbm>>, %arg4: memref<51200xi32, #tpu.memory_space<hbm>>, %arg5: memref<51200xi32, #tpu.memory_space<hbm>>, %arg6: memref<51200xi32, #tpu.memory_space<hbm>>, %arg7: memref<51200xi32, #tpu.memory_space<hbm>>, %arg8: memref<51200xi32, #tpu.memory_space<hbm>>, %arg9: memref<51200xi32, #tpu.memory_space<hbm>>, %arg10: memref<51200xi32, #tpu.memory_space<hbm>>, %arg11: memref<51200xi32, #tpu.memory_space<hbm>>, %arg12: memref<51200xi32, #tpu.memory_space<hbm>>, %arg13: memref<51200xi32, #tpu.memory_space<hbm>>, %arg14: memref<51200xi32, #tpu.memory_space<hbm>>, %arg15: memref<51200xi32, #tpu.memory_space<hbm>>, %arg16: memref<51200xi32, #tpu.memory_space<hbm>>, %arg17: memref<51200xi32, #tpu.memory_space<hbm>>, %arg18: memref<51200xi32, #tpu.memory_space<hbm>>, %arg19: memref<51200xf32, #tpu.memory_space<hbm>>, %arg20: memref<51200xf32, #tpu.memory_space<hbm>>, %arg21: memref<1024000xf32, #tpu.memory_space<hbm>>, %arg22: memref<50000xf32, #tpu.memory_space<vmem>>, %arg23: memref<50000xf32, #tpu.memory_space<vmem>>, %arg24: memref<12544xi32, #tpu.memory_space<vmem>>, %arg25: memref<15680xf32, #tpu.memory_space<vmem>>, %arg26: memref<!tpu.dma_semaphore, #tpu.memory_space<semaphore_mem>>, %arg27: memref<!tpu.dma_semaphore, #tpu.memory_space<semaphore_mem>>, %arg28: memref<!tpu.dma_semaphore, #tpu.memory_space<semaphore_mem>>) attributes {dimension_semantics = [#tpu.dimension_semantics<core_parallel>, #tpu.dimension_semantics<subcore_parallel>], iteration_bounds = array<i64: 2, 16>, scalar_prefetch = 0 : i64, scratch_operands = 7 : i64, tpu.core_type = #tpu.core_type<sc_vector_subcore>, window_params = [{transform_indices = #map}, {transform_indices = #map}, {transform_indices = #map}, {transform_indices = #map}, {transform_indices = #map}, {transform_indices = #map}, {transform_indices = #map}, {transform_indices = #map}, {transform_indices = #map}, {transform_indices = #map}, {transform_indices = #map}, {transform_indices = #map}, {transform_indices = #map}, {transform_indices = #map}, {transform_indices = #map}, {transform_indices = #map}, {transform_indices = #map}, {transform_indices = #map}, {transform_indices = #map}, {transform_indices = #map}]} {
    %mul3A = arith.constant 2 : i32
    %mul3A_0 = arith.muli %arg1, %mul3A : i32
    %add3A = arith.addi %mul3A_0, %arg0 : i32
    %mul3A_1 = arith.constant 1568 : i32
    %mul3A_2 = arith.muli %add3A, %mul3A_1 : i32
    %min3A = arith.constant 48432 : i32
    %min3A_3 = arith.minsi %mul3A_2, %min3A : i32
    %dma_start3A = arith.constant 0 : i32
    %dma_start3A_4 = tpu.memref_slice %arg2[%dma_start3A] : memref<300000xf32, #tpu.memory_space<hbm>> -> memref<50000xf32, #tpu.memory_space<hbm>>
    %dma_start3A_5 = arith.constant 0 : i32
    %dma_start3A_6 = tpu.memref_slice %arg2[%dma_start3A_5] : memref<300000xf32, #tpu.memory_space<hbm>> -> memref<50000xf32, #tpu.memory_space<hbm>>
    tpu.enqueue_dma source(%dma_start3A_6 : memref<50000xf32, #tpu.memory_space<hbm>>) target(%arg22 : memref<50000xf32, #tpu.memory_space<vmem>>) target_semaphore(%arg26 : memref<!tpu.dma_semaphore, #tpu.memory_space<semaphore_mem>>)
    %dma_start3A_7 = arith.constant 0 : i32
    %dma_start3A_8 = tpu.memref_slice %arg24[%dma_start3A_7] : memref<12544xi32, #tpu.memory_space<vmem>> -> memref<1568xi32, #tpu.memory_space<vmem>>
    %dma_start3A_9 = tpu.memref_slice %arg3[%min3A_3] : memref<51200xi32, #tpu.memory_space<hbm>> -> memref<1568xi32, #tpu.memory_space<hbm>>
    %dma_start3A_10 = arith.constant 0 : i32
    %dma_start3A_11 = tpu.memref_slice %arg24[%dma_start3A_10] : memref<12544xi32, #tpu.memory_space<vmem>> -> memref<1568xi32, #tpu.memory_space<vmem>>
    %dma_start3A_12 = tpu.memref_slice %arg3[%min3A_3] : memref<51200xi32, #tpu.memory_space<hbm>> -> memref<1568xi32, #tpu.memory_space<hbm>>
    tpu.enqueue_dma source(%dma_start3A_12 : memref<1568xi32, #tpu.memory_space<hbm>>) target(%dma_start3A_11 : memref<1568xi32, #tpu.memory_space<vmem>>) target_semaphore(%arg27 : memref<!tpu.dma_semaphore, #tpu.memory_space<semaphore_mem>>)
    %dma_start3A_13 = arith.constant 1568 : i32
    %dma_start3A_14 = tpu.memref_slice %arg24[%dma_start3A_13] : memref<12544xi32, #tpu.memory_space<vmem>> -> memref<1568xi32, #tpu.memory_space<vmem>>
    %dma_start3A_15 = tpu.memref_slice %arg4[%min3A_3] : memref<51200xi32, #tpu.memory_space<hbm>> -> memref<1568xi32, #tpu.memory_space<hbm>>
    %dma_start3A_16 = arith.constant 1568 : i32
    %dma_start3A_17 = tpu.memref_slice %arg24[%dma_start3A_16] : memref<12544xi32, #tpu.memory_space<vmem>> -> memref<1568xi32, #tpu.memory_space<vmem>>
    %dma_start3A_18 = tpu.memref_slice %arg4[%min3A_3] : memref<51200xi32, #tpu.memory_space<hbm>> -> memref<1568xi32, #tpu.memory_space<hbm>>
    tpu.enqueue_dma source(%dma_start3A_18 : memref<1568xi32, #tpu.memory_space<hbm>>) target(%dma_start3A_17 : memref<1568xi32, #tpu.memory_space<vmem>>) target_semaphore(%arg27 : memref<!tpu.dma_semaphore, #tpu.memory_space<semaphore_mem>>)
    %dma_start3A_19 = arith.constant 3136 : i32
    %dma_start3A_20 = tpu.memref_slice %arg24[%dma_start3A_19] : memref<12544xi32, #tpu.memory_space<vmem>> -> memref<1568xi32, #tpu.memory_space<vmem>>
    %dma_start3A_21 = tpu.memref_slice %arg5[%min3A_3] : memref<51200xi32, #tpu.memory_space<hbm>> -> memref<1568xi32, #tpu.memory_space<hbm>>
    %dma_start3A_22 = arith.constant 3136 : i32
    %dma_start3A_23 = tpu.memref_slice %arg24[%dma_start3A_22] : memref<12544xi32, #tpu.memory_space<vmem>> -> memref<1568xi32, #tpu.memory_space<vmem>>
    %dma_start3A_24 = tpu.memref_slice %arg5[%min3A_3] : memref<51200xi32, #tpu.memory_space<hbm>> -> memref<1568xi32, #tpu.memory_space<hbm>>
    tpu.enqueue_dma source(%dma_start3A_24 : memref<1568xi32, #tpu.memory_space<hbm>>) target(%dma_start3A_23 : memref<1568xi32, #tpu.memory_space<vmem>>) target_semaphore(%arg27 : memref<!tpu.dma_semaphore, #tpu.memory_space<semaphore_mem>>)
    %dma_start3A_25 = arith.constant 4704 : i32
    %dma_start3A_26 = tpu.memref_slice %arg24[%dma_start3A_25] : memref<12544xi32, #tpu.memory_space<vmem>> -> memref<1568xi32, #tpu.memory_space<vmem>>
    %dma_start3A_27 = tpu.memref_slice %arg6[%min3A_3] : memref<51200xi32, #tpu.memory_space<hbm>> -> memref<1568xi32, #tpu.memory_space<hbm>>
    %dma_start3A_28 = arith.constant 4704 : i32
    %dma_start3A_29 = tpu.memref_slice %arg24[%dma_start3A_28] : memref<12544xi32, #tpu.memory_space<vmem>> -> memref<1568xi32, #tpu.memory_space<vmem>>
    %dma_start3A_30 = tpu.memref_slice %arg6[%min3A_3] : memref<51200xi32, #tpu.memory_space<hbm>> -> memref<1568xi32, #tpu.memory_space<hbm>>
    tpu.enqueue_dma source(%dma_start3A_30 : memref<1568xi32, #tpu.memory_space<hbm>>) target(%dma_start3A_29 : memref<1568xi32, #tpu.memory_space<vmem>>) target_semaphore(%arg27 : memref<!tpu.dma_semaphore, #tpu.memory_space<semaphore_mem>>)
    %dma_start3A_31 = arith.constant 6272 : i32
    %dma_start3A_32 = tpu.memref_slice %arg24[%dma_start3A_31] : memref<12544xi32, #tpu.memory_space<vmem>> -> memref<1568xi32, #tpu.memory_space<vmem>>
    %dma_start3A_33 = tpu.memref_slice %arg7[%min3A_3] : memref<51200xi32, #tpu.memory_space<hbm>> -> memref<1568xi32, #tpu.memory_space<hbm>>
    %dma_start3A_34 = arith.constant 6272 : i32
    %dma_start3A_35 = tpu.memref_slice %arg24[%dma_start3A_34] : memref<12544xi32, #tpu.memory_space<vmem>> -> memref<1568xi32, #tpu.memory_space<vmem>>
    %dma_start3A_36 = tpu.memref_slice %arg7[%min3A_3] : memref<51200xi32, #tpu.memory_space<hbm>> -> memref<1568xi32, #tpu.memory_space<hbm>>
    tpu.enqueue_dma source(%dma_start3A_36 : memref<1568xi32, #tpu.memory_space<hbm>>) target(%dma_start3A_35 : memref<1568xi32, #tpu.memory_space<vmem>>) target_semaphore(%arg27 : memref<!tpu.dma_semaphore, #tpu.memory_space<semaphore_mem>>)
    %dma_start3A_37 = arith.constant 7840 : i32
    %dma_start3A_38 = tpu.memref_slice %arg24[%dma_start3A_37] : memref<12544xi32, #tpu.memory_space<vmem>> -> memref<1568xi32, #tpu.memory_space<vmem>>
    %dma_start3A_39 = tpu.memref_slice %arg8[%min3A_3] : memref<51200xi32, #tpu.memory_space<hbm>> -> memref<1568xi32, #tpu.memory_space<hbm>>
    %dma_start3A_40 = arith.constant 7840 : i32
    %dma_start3A_41 = tpu.memref_slice %arg24[%dma_start3A_40] : memref<12544xi32, #tpu.memory_space<vmem>> -> memref<1568xi32, #tpu.memory_space<vmem>>
    %dma_start3A_42 = tpu.memref_slice %arg8[%min3A_3] : memref<51200xi32, #tpu.memory_space<hbm>> -> memref<1568xi32, #tpu.memory_space<hbm>>
    tpu.enqueue_dma source(%dma_start3A_42 : memref<1568xi32, #tpu.memory_space<hbm>>) target(%dma_start3A_41 : memref<1568xi32, #tpu.memory_space<vmem>>) target_semaphore(%arg27 : memref<!tpu.dma_semaphore, #tpu.memory_space<semaphore_mem>>)
    %dma_start3A_43 = arith.constant 9408 : i32
    %dma_start3A_44 = tpu.memref_slice %arg24[%dma_start3A_43] : memref<12544xi32, #tpu.memory_space<vmem>> -> memref<1568xi32, #tpu.memory_space<vmem>>
    %dma_start3A_45 = tpu.memref_slice %arg9[%min3A_3] : memref<51200xi32, #tpu.memory_space<hbm>> -> memref<1568xi32, #tpu.memory_space<hbm>>
    %dma_start3A_46 = arith.constant 9408 : i32
    %dma_start3A_47 = tpu.memref_slice %arg24[%dma_start3A_46] : memref<12544xi32, #tpu.memory_space<vmem>> -> memref<1568xi32, #tpu.memory_space<vmem>>
    %dma_start3A_48 = tpu.memref_slice %arg9[%min3A_3] : memref<51200xi32, #tpu.memory_space<hbm>> -> memref<1568xi32, #tpu.memory_space<hbm>>
    tpu.enqueue_dma source(%dma_start3A_48 : memref<1568xi32, #tpu.memory_space<hbm>>) target(%dma_start3A_47 : memref<1568xi32, #tpu.memory_space<vmem>>) target_semaphore(%arg27 : memref<!tpu.dma_semaphore, #tpu.memory_space<semaphore_mem>>)
    %dma_start3A_49 = arith.constant 10976 : i32
    %dma_start3A_50 = tpu.memref_slice %arg24[%dma_start3A_49] : memref<12544xi32, #tpu.memory_space<vmem>> -> memref<1568xi32, #tpu.memory_space<vmem>>
    %dma_start3A_51 = tpu.memref_slice %arg10[%min3A_3] : memref<51200xi32, #tpu.memory_space<hbm>> -> memref<1568xi32, #tpu.memory_space<hbm>>
    %dma_start3A_52 = arith.constant 10976 : i32
    %dma_start3A_53 = tpu.memref_slice %arg24[%dma_start3A_52] : memref<12544xi32, #tpu.memory_space<vmem>> -> memref<1568xi32, #tpu.memory_space<vmem>>
    %dma_start3A_54 = tpu.memref_slice %arg10[%min3A_3] : memref<51200xi32, #tpu.memory_space<hbm>> -> memref<1568xi32, #tpu.memory_space<hbm>>
    tpu.enqueue_dma source(%dma_start3A_54 : memref<1568xi32, #tpu.memory_space<hbm>>) target(%dma_start3A_53 : memref<1568xi32, #tpu.memory_space<vmem>>) target_semaphore(%arg27 : memref<!tpu.dma_semaphore, #tpu.memory_space<semaphore_mem>>)
    %dma_start3A_55 = arith.constant 14112 : i32
    %dma_start3A_56 = tpu.memref_slice %arg25[%dma_start3A_55] : memref<15680xf32, #tpu.memory_space<vmem>> -> memref<1568xf32, #tpu.memory_space<vmem>>
    %dma_start3A_57 = tpu.memref_slice %arg19[%min3A_3] : memref<51200xf32, #tpu.memory_space<hbm>> -> memref<1568xf32, #tpu.memory_space<hbm>>
    %dma_start3A_58 = arith.constant 14112 : i32
    %dma_start3A_59 = tpu.memref_slice %arg25[%dma_start3A_58] : memref<15680xf32, #tpu.memory_space<vmem>> -> memref<1568xf32, #tpu.memory_space<vmem>>
    %dma_start3A_60 = tpu.memref_slice %arg19[%min3A_3] : memref<51200xf32, #tpu.memory_space<hbm>> -> memref<1568xf32, #tpu.memory_space<hbm>>
    tpu.enqueue_dma source(%dma_start3A_60 : memref<1568xf32, #tpu.memory_space<hbm>>) target(%dma_start3A_59 : memref<1568xf32, #tpu.memory_space<vmem>>) target_semaphore(%arg27 : memref<!tpu.dma_semaphore, #tpu.memory_space<semaphore_mem>>)
    %dma_wait3A = arith.constant 0 : i32
    %dma_wait3A_61 = tpu.memref_slice %arg24[%dma_wait3A] : memref<12544xi32, #tpu.memory_space<vmem>> -> memref<1568xi32, #tpu.memory_space<vmem>>
    %dma_wait3A_62 = tpu.memref_slice %arg3[%min3A_3] : memref<51200xi32, #tpu.memory_space<hbm>> -> memref<1568xi32, #tpu.memory_space<hbm>>
    %dma_wait3A_63 = arith.constant 0 : i32
    %dma_wait3A_64 = tpu.memref_slice %arg24[%dma_wait3A_63] : memref<12544xi32, #tpu.memory_space<vmem>> -> memref<1568xi32, #tpu.memory_space<vmem>>
    %dma_wait3A_65 = tpu.memref_slice %arg3[%min3A_3] : memref<51200xi32, #tpu.memory_space<hbm>> -> memref<1568xi32, #tpu.memory_space<hbm>>
    tpu.wait_dma2 semaphore(%arg27 : memref<!tpu.dma_semaphore, #tpu.memory_space<semaphore_mem>>) src(%dma_wait3A_65 : memref<1568xi32, #tpu.memory_space<hbm>>) dst(%dma_wait3A_64 : memref<1568xi32, #tpu.memory_space<vmem>>)
    %dma_wait3A_66 = arith.constant 1568 : i32
    %dma_wait3A_67 = tpu.memref_slice %arg24[%dma_wait3A_66] : memref<12544xi32, #tpu.memory_space<vmem>> -> memref<1568xi32, #tpu.memory_space<vmem>>
    %dma_wait3A_68 = tpu.memref_slice %arg4[%min3A_3] : memref<51200xi32, #tpu.memory_space<hbm>> -> memref<1568xi32, #tpu.memory_space<hbm>>
    %dma_wait3A_69 = arith.constant 1568 : i32
    %dma_wait3A_70 = tpu.memref_slice %arg24[%dma_wait3A_69] : memref<12544xi32, #tpu.memory_space<vmem>> -> memref<1568xi32, #tpu.memory_space<vmem>>
    %dma_wait3A_71 = tpu.memref_slice %arg4[%min3A_3] : memref<51200xi32, #tpu.memory_space<hbm>> -> memref<1568xi32, #tpu.memory_space<hbm>>
    tpu.wait_dma2 semaphore(%arg27 : memref<!tpu.dma_semaphore, #tpu.memory_space<semaphore_mem>>) src(%dma_wait3A_71 : memref<1568xi32, #tpu.memory_space<hbm>>) dst(%dma_wait3A_70 : memref<1568xi32, #tpu.memory_space<vmem>>)
    %dma_wait3A_72 = arith.constant 3136 : i32
    %dma_wait3A_73 = tpu.memref_slice %arg24[%dma_wait3A_72] : memref<12544xi32, #tpu.memory_space<vmem>> -> memref<1568xi32, #tpu.memory_space<vmem>>
    %dma_wait3A_74 = tpu.memref_slice %arg5[%min3A_3] : memref<51200xi32, #tpu.memory_space<hbm>> -> memref<1568xi32, #tpu.memory_space<hbm>>
    %dma_wait3A_75 = arith.constant 3136 : i32
    %dma_wait3A_76 = tpu.memref_slice %arg24[%dma_wait3A_75] : memref<12544xi32, #tpu.memory_space<vmem>> -> memref<1568xi32, #tpu.memory_space<vmem>>
    %dma_wait3A_77 = tpu.memref_slice %arg5[%min3A_3] : memref<51200xi32, #tpu.memory_space<hbm>> -> memref<1568xi32, #tpu.memory_space<hbm>>
    tpu.wait_dma2 semaphore(%arg27 : memref<!tpu.dma_semaphore, #tpu.memory_space<semaphore_mem>>) src(%dma_wait3A_77 : memref<1568xi32, #tpu.memory_space<hbm>>) dst(%dma_wait3A_76 : memref<1568xi32, #tpu.memory_space<vmem>>)
    %dma_wait3A_78 = arith.constant 4704 : i32
    %dma_wait3A_79 = tpu.memref_slice %arg24[%dma_wait3A_78] : memref<12544xi32, #tpu.memory_space<vmem>> -> memref<1568xi32, #tpu.memory_space<vmem>>
    %dma_wait3A_80 = tpu.memref_slice %arg6[%min3A_3] : memref<51200xi32, #tpu.memory_space<hbm>> -> memref<1568xi32, #tpu.memory_space<hbm>>
    %dma_wait3A_81 = arith.constant 4704 : i32
    %dma_wait3A_82 = tpu.memref_slice %arg24[%dma_wait3A_81] : memref<12544xi32, #tpu.memory_space<vmem>> -> memref<1568xi32, #tpu.memory_space<vmem>>
    %dma_wait3A_83 = tpu.memref_slice %arg6[%min3A_3] : memref<51200xi32, #tpu.memory_space<hbm>> -> memref<1568xi32, #tpu.memory_space<hbm>>
    tpu.wait_dma2 semaphore(%arg27 : memref<!tpu.dma_semaphore, #tpu.memory_space<semaphore_mem>>) src(%dma_wait3A_83 : memref<1568xi32, #tpu.memory_space<hbm>>) dst(%dma_wait3A_82 : memref<1568xi32, #tpu.memory_space<vmem>>)
    %dma_wait3A_84 = arith.constant 6272 : i32
    %dma_wait3A_85 = tpu.memref_slice %arg24[%dma_wait3A_84] : memref<12544xi32, #tpu.memory_space<vmem>> -> memref<1568xi32, #tpu.memory_space<vmem>>
    %dma_wait3A_86 = tpu.memref_slice %arg7[%min3A_3] : memref<51200xi32, #tpu.memory_space<hbm>> -> memref<1568xi32, #tpu.memory_space<hbm>>
    %dma_wait3A_87 = arith.constant 6272 : i32
    %dma_wait3A_88 = tpu.memref_slice %arg24[%dma_wait3A_87] : memref<12544xi32, #tpu.memory_space<vmem>> -> memref<1568xi32, #tpu.memory_space<vmem>>
    %dma_wait3A_89 = tpu.memref_slice %arg7[%min3A_3] : memref<51200xi32, #tpu.memory_space<hbm>> -> memref<1568xi32, #tpu.memory_space<hbm>>
    tpu.wait_dma2 semaphore(%arg27 : memref<!tpu.dma_semaphore, #tpu.memory_space<semaphore_mem>>) src(%dma_wait3A_89 : memref<1568xi32, #tpu.memory_space<hbm>>) dst(%dma_wait3A_88 : memref<1568xi32, #tpu.memory_space<vmem>>)
    %dma_wait3A_90 = arith.constant 7840 : i32
    %dma_wait3A_91 = tpu.memref_slice %arg24[%dma_wait3A_90] : memref<12544xi32, #tpu.memory_space<vmem>> -> memref<1568xi32, #tpu.memory_space<vmem>>
    %dma_wait3A_92 = tpu.memref_slice %arg8[%min3A_3] : memref<51200xi32, #tpu.memory_space<hbm>> -> memref<1568xi32, #tpu.memory_space<hbm>>
    %dma_wait3A_93 = arith.constant 7840 : i32
    %dma_wait3A_94 = tpu.memref_slice %arg24[%dma_wait3A_93] : memref<12544xi32, #tpu.memory_space<vmem>> -> memref<1568xi32, #tpu.memory_space<vmem>>
    %dma_wait3A_95 = tpu.memref_slice %arg8[%min3A_3] : memref<51200xi32, #tpu.memory_space<hbm>> -> memref<1568xi32, #tpu.memory_space<hbm>>
    tpu.wait_dma2 semaphore(%arg27 : memref<!tpu.dma_semaphore, #tpu.memory_space<semaphore_mem>>) src(%dma_wait3A_95 : memref<1568xi32, #tpu.memory_space<hbm>>) dst(%dma_wait3A_94 : memref<1568xi32, #tpu.memory_space<vmem>>)
    %dma_wait3A_96 = arith.constant 9408 : i32
    %dma_wait3A_97 = tpu.memref_slice %arg24[%dma_wait3A_96] : memref<12544xi32, #tpu.memory_space<vmem>> -> memref<1568xi32, #tpu.memory_space<vmem>>
    %dma_wait3A_98 = tpu.memref_slice %arg9[%min3A_3] : memref<51200xi32, #tpu.memory_space<hbm>> -> memref<1568xi32, #tpu.memory_space<hbm>>
    %dma_wait3A_99 = arith.constant 9408 : i32
    %dma_wait3A_100 = tpu.memref_slice %arg24[%dma_wait3A_99] : memref<12544xi32, #tpu.memory_space<vmem>> -> memref<1568xi32, #tpu.memory_space<vmem>>
    %dma_wait3A_101 = tpu.memref_slice %arg9[%min3A_3] : memref<51200xi32, #tpu.memory_space<hbm>> -> memref<1568xi32, #tpu.memory_space<hbm>>
    tpu.wait_dma2 semaphore(%arg27 : memref<!tpu.dma_semaphore, #tpu.memory_space<semaphore_mem>>) src(%dma_wait3A_101 : memref<1568xi32, #tpu.memory_space<hbm>>) dst(%dma_wait3A_100 : memref<1568xi32, #tpu.memory_space<vmem>>)
    %dma_wait3A_102 = arith.constant 10976 : i32
    %dma_wait3A_103 = tpu.memref_slice %arg24[%dma_wait3A_102] : memref<12544xi32, #tpu.memory_space<vmem>> -> memref<1568xi32, #tpu.memory_space<vmem>>
    %dma_wait3A_104 = tpu.memref_slice %arg10[%min3A_3] : memref<51200xi32, #tpu.memory_space<hbm>> -> memref<1568xi32, #tpu.memory_space<hbm>>
    %dma_wait3A_105 = arith.constant 10976 : i32
    %dma_wait3A_106 = tpu.memref_slice %arg24[%dma_wait3A_105] : memref<12544xi32, #tpu.memory_space<vmem>> -> memref<1568xi32, #tpu.memory_space<vmem>>
    %dma_wait3A_107 = tpu.memref_slice %arg10[%min3A_3] : memref<51200xi32, #tpu.memory_space<hbm>> -> memref<1568xi32, #tpu.memory_space<hbm>>
    tpu.wait_dma2 semaphore(%arg27 : memref<!tpu.dma_semaphore, #tpu.memory_space<semaphore_mem>>) src(%dma_wait3A_107 : memref<1568xi32, #tpu.memory_space<hbm>>) dst(%dma_wait3A_106 : memref<1568xi32, #tpu.memory_space<vmem>>)
    %dma_wait3A_108 = arith.constant 14112 : i32
    %dma_wait3A_109 = tpu.memref_slice %arg25[%dma_wait3A_108] : memref<15680xf32, #tpu.memory_space<vmem>> -> memref<1568xf32, #tpu.memory_space<vmem>>
    %dma_wait3A_110 = tpu.memref_slice %arg19[%min3A_3] : memref<51200xf32, #tpu.memory_space<hbm>> -> memref<1568xf32, #tpu.memory_space<hbm>>
    %dma_wait3A_111 = arith.constant 14112 : i32
    %dma_wait3A_112 = tpu.memref_slice %arg25[%dma_wait3A_111] : memref<15680xf32, #tpu.memory_space<vmem>> -> memref<1568xf32, #tpu.memory_space<vmem>>
    %dma_wait3A_113 = tpu.memref_slice %arg19[%min3A_3] : memref<51200xf32, #tpu.memory_space<hbm>> -> memref<1568xf32, #tpu.memory_space<hbm>>
    tpu.wait_dma2 semaphore(%arg27 : memref<!tpu.dma_semaphore, #tpu.memory_space<semaphore_mem>>) src(%dma_wait3A_113 : memref<1568xf32, #tpu.memory_space<hbm>>) dst(%dma_wait3A_112 : memref<1568xf32, #tpu.memory_space<vmem>>)
    %dma_wait3A_114 = arith.constant 0 : i32
    %dma_wait3A_115 = tpu.memref_slice %arg2[%dma_wait3A_114] : memref<300000xf32, #tpu.memory_space<hbm>> -> memref<50000xf32, #tpu.memory_space<hbm>>
    %dma_wait3A_116 = arith.constant 0 : i32
    %dma_wait3A_117 = tpu.memref_slice %arg2[%dma_wait3A_116] : memref<300000xf32, #tpu.memory_space<hbm>> -> memref<50000xf32, #tpu.memory_space<hbm>>
    tpu.wait_dma2 semaphore(%arg26 : memref<!tpu.dma_semaphore, #tpu.memory_space<semaphore_mem>>) src(%dma_wait3A_117 : memref<50000xf32, #tpu.memory_space<hbm>>) dst(%arg22 : memref<50000xf32, #tpu.memory_space<vmem>>)
    %dma_start3A_118 = arith.constant 50000 : i32
    %dma_start3A_119 = tpu.memref_slice %arg2[%dma_start3A_118] : memref<300000xf32, #tpu.memory_space<hbm>> -> memref<50000xf32, #tpu.memory_space<hbm>>
    %dma_start3A_120 = arith.constant 50000 : i32
    %dma_start3A_121 = tpu.memref_slice %arg2[%dma_start3A_120] : memref<300000xf32, #tpu.memory_space<hbm>> -> memref<50000xf32, #tpu.memory_space<hbm>>
    tpu.enqueue_dma source(%dma_start3A_121 : memref<50000xf32, #tpu.memory_space<hbm>>) target(%arg23 : memref<50000xf32, #tpu.memory_space<vmem>>) target_semaphore(%arg26 : memref<!tpu.dma_semaphore, #tpu.memory_space<semaphore_mem>>)
    %scan3A = arith.constant 0 : i32
    %scan3A_122 = arith.constant 0 : i32
    %scan3A_123 = arith.constant 98 : i32
    %scan3A_124 = arith.addi %scan3A_122, %scan3A_123 : i32
    %scan3A_125 = arith.constant 1 : i32
    scf.for %scan3A_581 = %scan3A_122 to %scan3A_124 step %scan3A_125  : i32 {
      %mul3A_582 = arith.constant 16 : i32
      %mul3A_583 = arith.muli %scan3A_581, %mul3A_582 : i32
      %add3A_584 = arith.addi %min3A_3, %mul3A_583 : i32
      %get3A = arith.index_cast %add3A_584 : i32 to index
      %get3A_585 = tpu.vector_load %arg22[%get3A] {strides = array<i32>} : memref<50000xf32, #tpu.memory_space<vmem>>, vector<16xf32>,
      %mul3A_586 = arith.constant 16 : i32
      %mul3A_587 = arith.muli %scan3A_581, %mul3A_586 : i32
      %add3A_588 = arith.constant 0 : i32
      %add3A_589 = arith.addi %add3A_588, %mul3A_587 : i32
      %get3A_590 = arith.index_cast %add3A_589 : i32 to index
      %get3A_591 = tpu.vector_load %arg24[%get3A_590] {strides = array<i32>} : memref<12544xi32, #tpu.memory_space<vmem>>, vector<16xi32>,
      %and3A = arith.constant 65535 : i32
      %and3A_592 = vector.broadcast %and3A : i32 to vector<16xi32>
      %and3A_593 = arith.andi %get3A_591, %and3A_592 : vector<16xi32>
      %shift_right_logical3A = arith.constant 16 : i32
      %shift_right_logical3A_594 = vector.broadcast %shift_right_logical3A : i32 to vector<16xi32>
      %shift_right_logical3A_595 = arith.shrui %get3A_591, %shift_right_logical3A_594 : vector<16xi32>
      %gather3A = tpu.vector_load_idx %arg22[%and3A_593] : memref<50000xf32, #tpu.memory_space<vmem>>[vector<16xi32>], vector<16xf32>,
      %gather3A_596 = tpu.vector_load_idx %arg22[%shift_right_logical3A_595] : memref<50000xf32, #tpu.memory_space<vmem>>[vector<16xi32>], vector<16xf32>,
      %max3A = arith.maximumf %gather3A, %gather3A_596 : vector<16xf32>
      %min3A_597 = arith.minimumf %gather3A, %gather3A_596 : vector<16xf32>
      %mul3A_598 = arith.constant 16 : i32
      %mul3A_599 = arith.muli %scan3A_581, %mul3A_598 : i32
      %add3A_600 = arith.constant 1568 : i32
      %add3A_601 = arith.addi %add3A_600, %mul3A_599 : i32
      %get3A_602 = arith.index_cast %add3A_601 : i32 to index
      %get3A_603 = tpu.vector_load %arg24[%get3A_602] {strides = array<i32>} : memref<12544xi32, #tpu.memory_space<vmem>>, vector<16xi32>,
      %and3A_604 = arith.constant 65535 : i32
      %and3A_605 = vector.broadcast %and3A_604 : i32 to vector<16xi32>
      %and3A_606 = arith.andi %get3A_603, %and3A_605 : vector<16xi32>
      %shift_right_logical3A_607 = arith.constant 16 : i32
      %shift_right_logical3A_608 = vector.broadcast %shift_right_logical3A_607 : i32 to vector<16xi32>
      %shift_right_logical3A_609 = arith.shrui %get3A_603, %shift_right_logical3A_608 : vector<16xi32>
      %gather3A_610 = tpu.vector_load_idx %arg22[%and3A_606] : memref<50000xf32, #tpu.memory_space<vmem>>[vector<16xi32>], vector<16xf32>,
      %gather3A_611 = tpu.vector_load_idx %arg22[%shift_right_logical3A_609] : memref<50000xf32, #tpu.memory_space<vmem>>[vector<16xi32>], vector<16xf32>,
      %max3A_612 = arith.maximumf %gather3A_610, %gather3A_611 : vector<16xf32>
      %min3A_613 = arith.minimumf %gather3A_610, %gather3A_611 : vector<16xf32>
      %max3A_614 = arith.maximumf %max3A, %max3A_612 : vector<16xf32>
      %min3A_615 = arith.minimumf %min3A_597, %min3A_613 : vector<16xf32>
      %mul3A_616 = arith.constant 16 : i32
      %mul3A_617 = arith.muli %scan3A_581, %mul3A_616 : i32
      %add3A_618 = arith.constant 3136 : i32
      %add3A_619 = arith.addi %add3A_618, %mul3A_617 : i32
      %get3A_620 = arith.index_cast %add3A_619 : i32 to index
      %get3A_621 = tpu.vector_load %arg24[%get3A_620] {strides = array<i32>} : memref<12544xi32, #tpu.memory_space<vmem>>, vector<16xi32>,
      %and3A_622 = arith.constant 65535 : i32
      %and3A_623 = vector.broadcast %and3A_622 : i32 to vector<16xi32>
      %and3A_624 = arith.andi %get3A_621, %and3A_623 : vector<16xi32>
      %shift_right_logical3A_625 = arith.constant 16 : i32
      %shift_right_logical3A_626 = vector.broadcast %shift_right_logical3A_625 : i32 to vector<16xi32>
      %shift_right_logical3A_627 = arith.shrui %get3A_621, %shift_right_logical3A_626 : vector<16xi32>
      %gather3A_628 = tpu.vector_load_idx %arg22[%and3A_624] : memref<50000xf32, #tpu.memory_space<vmem>>[vector<16xi32>], vector<16xf32>,
      %gather3A_629 = tpu.vector_load_idx %arg22[%shift_right_logical3A_627] : memref<50000xf32, #tpu.memory_space<vmem>>[vector<16xi32>], vector<16xf32>,
      %max3A_630 = arith.maximumf %gather3A_628, %gather3A_629 : vector<16xf32>
      %min3A_631 = arith.minimumf %gather3A_628, %gather3A_629 : vector<16xf32>
      %max3A_632 = arith.maximumf %max3A_614, %max3A_630 : vector<16xf32>
      %min3A_633 = arith.minimumf %min3A_615, %min3A_631 : vector<16xf32>
      %mul3A_634 = arith.constant 16 : i32
      %mul3A_635 = arith.muli %scan3A_581, %mul3A_634 : i32
      %add3A_636 = arith.constant 4704 : i32
      %add3A_637 = arith.addi %add3A_636, %mul3A_635 : i32
      %get3A_638 = arith.index_cast %add3A_637 : i32 to index
      %get3A_639 = tpu.vector_load %arg24[%get3A_638] {strides = array<i32>} : memref<12544xi32, #tpu.memory_space<vmem>>, vector<16xi32>,
      %and3A_640 = arith.constant 65535 : i32
      %and3A_641 = vector.broadcast %and3A_640 : i32 to vector<16xi32>
      %and3A_642 = arith.andi %get3A_639, %and3A_641 : vector<16xi32>
      %shift_right_logical3A_643 = arith.constant 16 : i32
      %shift_right_logical3A_644 = vector.broadcast %shift_right_logical3A_643 : i32 to vector<16xi32>
      %shift_right_logical3A_645 = arith.shrui %get3A_639, %shift_right_logical3A_644 : vector<16xi32>
      %gather3A_646 = tpu.vector_load_idx %arg22[%and3A_642] : memref<50000xf32, #tpu.memory_space<vmem>>[vector<16xi32>], vector<16xf32>,
      %gather3A_647 = tpu.vector_load_idx %arg22[%shift_right_logical3A_645] : memref<50000xf32, #tpu.memory_space<vmem>>[vector<16xi32>], vector<16xf32>,
      %max3A_648 = arith.maximumf %gather3A_646, %gather3A_647 : vector<16xf32>
      %min3A_649 = arith.minimumf %gather3A_646, %gather3A_647 : vector<16xf32>
      %max3A_650 = arith.maximumf %max3A_632, %max3A_648 : vector<16xf32>
      %min3A_651 = arith.minimumf %min3A_633, %min3A_649 : vector<16xf32>
      %mul3A_652 = arith.constant 16 : i32
      %mul3A_653 = arith.muli %scan3A_581, %mul3A_652 : i32
      %add3A_654 = arith.constant 6272 : i32
      %add3A_655 = arith.addi %add3A_654, %mul3A_653 : i32
      %get3A_656 = arith.index_cast %add3A_655 : i32 to index
      %get3A_657 = tpu.vector_load %arg24[%get3A_656] {strides = array<i32>} : memref<12544xi32, #tpu.memory_space<vmem>>, vector<16xi32>,
      %and3A_658 = arith.constant 65535 : i32
      %and3A_659 = vector.broadcast %and3A_658 : i32 to vector<16xi32>
      %and3A_660 = arith.andi %get3A_657, %and3A_659 : vector<16xi32>
      %shift_right_logical3A_661 = arith.constant 16 : i32
      %shift_right_logical3A_662 = vector.broadcast %shift_right_logical3A_661 : i32 to vector<16xi32>
      %shift_right_logical3A_663 = arith.shrui %get3A_657, %shift_right_logical3A_662 : vector<16xi32>
      %gather3A_664 = tpu.vector_load_idx %arg22[%and3A_660] : memref<50000xf32, #tpu.memory_space<vmem>>[vector<16xi32>], vector<16xf32>,
      %gather3A_665 = tpu.vector_load_idx %arg22[%shift_right_logical3A_663] : memref<50000xf32, #tpu.memory_space<vmem>>[vector<16xi32>], vector<16xf32>,
      %max3A_666 = arith.maximumf %gather3A_664, %gather3A_665 : vector<16xf32>
      %min3A_667 = arith.minimumf %gather3A_664, %gather3A_665 : vector<16xf32>
      %max3A_668 = arith.maximumf %max3A_650, %max3A_666 : vector<16xf32>
      %min3A_669 = arith.minimumf %min3A_651, %min3A_667 : vector<16xf32>
      %mul3A_670 = arith.constant 16 : i32
      %mul3A_671 = arith.muli %scan3A_581, %mul3A_670 : i32
      %add3A_672 = arith.constant 7840 : i32
      %add3A_673 = arith.addi %add3A_672, %mul3A_671 : i32
      %get3A_674 = arith.index_cast %add3A_673 : i32 to index
      %get3A_675 = tpu.vector_load %arg24[%get3A_674] {strides = array<i32>} : memref<12544xi32, #tpu.memory_space<vmem>>, vector<16xi32>,
      %and3A_676 = arith.constant 65535 : i32
      %and3A_677 = vector.broadcast %and3A_676 : i32 to vector<16xi32>
      %and3A_678 = arith.andi %get3A_675, %and3A_677 : vector<16xi32>
      %shift_right_logical3A_679 = arith.constant 16 : i32
      %shift_right_logical3A_680 = vector.broadcast %shift_right_logical3A_679 : i32 to vector<16xi32>
      %shift_right_logical3A_681 = arith.shrui %get3A_675, %shift_right_logical3A_680 : vector<16xi32>
      %gather3A_682 = tpu.vector_load_idx %arg22[%and3A_678] : memref<50000xf32, #tpu.memory_space<vmem>>[vector<16xi32>], vector<16xf32>,
      %gather3A_683 = tpu.vector_load_idx %arg22[%shift_right_logical3A_681] : memref<50000xf32, #tpu.memory_space<vmem>>[vector<16xi32>], vector<16xf32>,
      %max3A_684 = arith.maximumf %gather3A_682, %gather3A_683 : vector<16xf32>
      %min3A_685 = arith.minimumf %gather3A_682, %gather3A_683 : vector<16xf32>
      %max3A_686 = arith.maximumf %max3A_668, %max3A_684 : vector<16xf32>
      %min3A_687 = arith.minimumf %min3A_669, %min3A_685 : vector<16xf32>
      %mul3A_688 = arith.constant 16 : i32
      %mul3A_689 = arith.muli %scan3A_581, %mul3A_688 : i32
      %add3A_690 = arith.constant 9408 : i32
      %add3A_691 = arith.addi %add3A_690, %mul3A_689 : i32
      %get3A_692 = arith.index_cast %add3A_691 : i32 to index
      %get3A_693 = tpu.vector_load %arg24[%get3A_692] {strides = array<i32>} : memref<12544xi32, #tpu.memory_space<vmem>>, vector<16xi32>,
      %and3A_694 = arith.constant 65535 : i32
      %and3A_695 = vector.broadcast %and3A_694 : i32 to vector<16xi32>
      %and3A_696 = arith.andi %get3A_693, %and3A_695 : vector<16xi32>
      %shift_right_logical3A_697 = arith.constant 16 : i32
      %shift_right_logical3A_698 = vector.broadcast %shift_right_logical3A_697 : i32 to vector<16xi32>
      %shift_right_logical3A_699 = arith.shrui %get3A_693, %shift_right_logical3A_698 : vector<16xi32>
      %gather3A_700 = tpu.vector_load_idx %arg22[%and3A_696] : memref<50000xf32, #tpu.memory_space<vmem>>[vector<16xi32>], vector<16xf32>,
      %gather3A_701 = tpu.vector_load_idx %arg22[%shift_right_logical3A_699] : memref<50000xf32, #tpu.memory_space<vmem>>[vector<16xi32>], vector<16xf32>,
      %max3A_702 = arith.maximumf %gather3A_700, %gather3A_701 : vector<16xf32>
      %min3A_703 = arith.minimumf %gather3A_700, %gather3A_701 : vector<16xf32>
      %max3A_704 = arith.maximumf %max3A_686, %max3A_702 : vector<16xf32>
      %min3A_705 = arith.minimumf %min3A_687, %min3A_703 : vector<16xf32>
      %mul3A_706 = arith.constant 16 : i32
      %mul3A_707 = arith.muli %scan3A_581, %mul3A_706 : i32
      %add3A_708 = arith.constant 10976 : i32
      %add3A_709 = arith.addi %add3A_708, %mul3A_707 : i32
      %get3A_710 = arith.index_cast %add3A_709 : i32 to index
      %get3A_711 = tpu.vector_load %arg24[%get3A_710] {strides = array<i32>} : memref<12544xi32, #tpu.memory_space<vmem>>, vector<16xi32>,
      %and3A_712 = arith.constant 65535 : i32
      %and3A_713 = vector.broadcast %and3A_712 : i32 to vector<16xi32>
      %and3A_714 = arith.andi %get3A_711, %and3A_713 : vector<16xi32>
      %shift_right_logical3A_715 = arith.constant 16 : i32
      %shift_right_logical3A_716 = vector.broadcast %shift_right_logical3A_715 : i32 to vector<16xi32>
      %shift_right_logical3A_717 = arith.shrui %get3A_711, %shift_right_logical3A_716 : vector<16xi32>
      %gather3A_718 = tpu.vector_load_idx %arg22[%and3A_714] : memref<50000xf32, #tpu.memory_space<vmem>>[vector<16xi32>], vector<16xf32>,
      %gather3A_719 = tpu.vector_load_idx %arg22[%shift_right_logical3A_717] : memref<50000xf32, #tpu.memory_space<vmem>>[vector<16xi32>], vector<16xf32>,
      %max3A_720 = arith.maximumf %gather3A_718, %gather3A_719 : vector<16xf32>
      %min3A_721 = arith.minimumf %gather3A_718, %gather3A_719 : vector<16xf32>
      %max3A_722 = arith.maximumf %max3A_704, %max3A_720 : vector<16xf32>
      %min3A_723 = arith.minimumf %min3A_705, %min3A_721 : vector<16xf32>
      %mul3A_724 = arith.constant 16 : i32
      %mul3A_725 = arith.muli %scan3A_581, %mul3A_724 : i32
      %add3A_726 = arith.constant 0 : i32
      %add3A_727 = arith.addi %add3A_726, %mul3A_725 : i32
      %swap3A = arith.index_cast %add3A_727 : i32 to index
      %swap3A_728 = tpu.vector_load %arg25[%swap3A] {strides = array<i32>} : memref<15680xf32, #tpu.memory_space<vmem>>, vector<16xf32>,
      tpu.vector_store %arg25[%swap3A], %get3A_585 {strides = array<i32>} : memref<15680xf32, #tpu.memory_space<vmem>>, vector<16xf32>,
      %mul3A_729 = arith.constant 16 : i32
      %mul3A_730 = arith.muli %scan3A_581, %mul3A_729 : i32
      %add3A_731 = arith.constant 4704 : i32
      %add3A_732 = arith.addi %add3A_731, %mul3A_730 : i32
      %swap3A_733 = arith.index_cast %add3A_732 : i32 to index
      %swap3A_734 = tpu.vector_load %arg25[%swap3A_733] {strides = array<i32>} : memref<15680xf32, #tpu.memory_space<vmem>>, vector<16xf32>,
      tpu.vector_store %arg25[%swap3A_733], %max3A_722 {strides = array<i32>} : memref<15680xf32, #tpu.memory_space<vmem>>, vector<16xf32>,
      %sub3A = arith.subf %get3A_585, %min3A_723 : vector<16xf32>
      %mul3A_735 = arith.constant 16 : i32
      %mul3A_736 = arith.muli %scan3A_581, %mul3A_735 : i32
      %add3A_737 = arith.constant 9408 : i32
      %add3A_738 = arith.addi %add3A_737, %mul3A_736 : i32
      %swap3A_739 = arith.index_cast %add3A_738 : i32 to index
      %swap3A_740 = tpu.vector_load %arg25[%swap3A_739] {strides = array<i32>} : memref<15680xf32, #tpu.memory_space<vmem>>, vector<16xf32>,
      tpu.vector_store %arg25[%swap3A_739], %sub3A {strides = array<i32>} : memref<15680xf32, #tpu.memory_space<vmem>>, vector<16xf32>,
    }
    %scan3A_126 = arith.constant 98 : i32
    %dma_wait3A_127 = arith.constant 50000 : i32
    %dma_wait3A_128 = tpu.memref_slice %arg2[%dma_wait3A_127] : memref<300000xf32, #tpu.memory_space<hbm>> -> memref<50000xf32, #tpu.memory_space<hbm>>
    %dma_wait3A_129 = arith.constant 50000 : i32
    %dma_wait3A_130 = tpu.memref_slice %arg2[%dma_wait3A_129] : memref<300000xf32, #tpu.memory_space<hbm>> -> memref<50000xf32, #tpu.memory_space<hbm>>
    tpu.wait_dma2 semaphore(%arg26 : memref<!tpu.dma_semaphore, #tpu.memory_space<semaphore_mem>>) src(%dma_wait3A_130 : memref<50000xf32, #tpu.memory_space<hbm>>) dst(%arg23 : memref<50000xf32, #tpu.memory_space<vmem>>)
    %dma_start3A_131 = arith.constant 100000 : i32
    %dma_start3A_132 = tpu.memref_slice %arg2[%dma_start3A_131] : memref<300000xf32, #tpu.memory_space<hbm>> -> memref<50000xf32, #tpu.memory_space<hbm>>
    %dma_start3A_133 = arith.constant 100000 : i32
    %dma_start3A_134 = tpu.memref_slice %arg2[%dma_start3A_133] : memref<300000xf32, #tpu.memory_space<hbm>> -> memref<50000xf32, #tpu.memory_space<hbm>>
    tpu.enqueue_dma source(%dma_start3A_134 : memref<50000xf32, #tpu.memory_space<hbm>>) target(%arg22 : memref<50000xf32, #tpu.memory_space<vmem>>) target_semaphore(%arg26 : memref<!tpu.dma_semaphore, #tpu.memory_space<semaphore_mem>>)
    %scan3A_135 = arith.constant 0 : i32
    %scan3A_136 = arith.constant 0 : i32
    %scan3A_137 = arith.constant 98 : i32
    %scan3A_138 = arith.addi %scan3A_136, %scan3A_137 : i32
    %scan3A_139 = arith.constant 1 : i32
    scf.for %scan3A_581 = %scan3A_136 to %scan3A_138 step %scan3A_139  : i32 {
      %mul3A_582 = arith.constant 16 : i32
      %mul3A_583 = arith.muli %scan3A_581, %mul3A_582 : i32
      %add3A_584 = arith.addi %min3A_3, %mul3A_583 : i32
      %get3A = arith.index_cast %add3A_584 : i32 to index
      %get3A_585 = tpu.vector_load %arg23[%get3A] {strides = array<i32>} : memref<50000xf32, #tpu.memory_space<vmem>>, vector<16xf32>,
      %mul3A_586 = arith.constant 16 : i32
      %mul3A_587 = arith.muli %scan3A_581, %mul3A_586 : i32
      %add3A_588 = arith.constant 0 : i32
      %add3A_589 = arith.addi %add3A_588, %mul3A_587 : i32
      %get3A_590 = arith.index_cast %add3A_589 : i32 to index
      %get3A_591 = tpu.vector_load %arg24[%get3A_590] {strides = array<i32>} : memref<12544xi32, #tpu.memory_space<vmem>>, vector<16xi32>,
      %and3A = arith.constant 65535 : i32
      %and3A_592 = vector.broadcast %and3A : i32 to vector<16xi32>
      %and3A_593 = arith.andi %get3A_591, %and3A_592 : vector<16xi32>
      %shift_right_logical3A = arith.constant 16 : i32
      %shift_right_logical3A_594 = vector.broadcast %shift_right_logical3A : i32 to vector<16xi32>
      %shift_right_logical3A_595 = arith.shrui %get3A_591, %shift_right_logical3A_594 : vector<16xi32>
      %gather3A = tpu.vector_load_idx %arg23[%and3A_593] : memref<50000xf32, #tpu.memory_space<vmem>>[vector<16xi32>], vector<16xf32>,
      %gather3A_596 = tpu.vector_load_idx %arg23[%shift_right_logical3A_595] : memref<50000xf32, #tpu.memory_space<vmem>>[vector<16xi32>], vector<16xf32>,
      %max3A = arith.maximumf %gather3A, %gather3A_596 : vector<16xf32>
      %min3A_597 = arith.minimumf %gather3A, %gather3A_596 : vector<16xf32>
      %mul3A_598 = arith.constant 16 : i32
      %mul3A_599 = arith.muli %scan3A_581, %mul3A_598 : i32
      %add3A_600 = arith.constant 1568 : i32
      %add3A_601 = arith.addi %add3A_600, %mul3A_599 : i32
      %get3A_602 = arith.index_cast %add3A_601 : i32 to index
      %get3A_603 = tpu.vector_load %arg24[%get3A_602] {strides = array<i32>} : memref<12544xi32, #tpu.memory_space<vmem>>, vector<16xi32>,
      %and3A_604 = arith.constant 65535 : i32
      %and3A_605 = vector.broadcast %and3A_604 : i32 to vector<16xi32>
      %and3A_606 = arith.andi %get3A_603, %and3A_605 : vector<16xi32>
      %shift_right_logical3A_607 = arith.constant 16 : i32
      %shift_right_logical3A_608 = vector.broadcast %shift_right_logical3A_607 : i32 to vector<16xi32>
      %shift_right_logical3A_609 = arith.shrui %get3A_603, %shift_right_logical3A_608 : vector<16xi32>
      %gather3A_610 = tpu.vector_load_idx %arg23[%and3A_606] : memref<50000xf32, #tpu.memory_space<vmem>>[vector<16xi32>], vector<16xf32>,
      %gather3A_611 = tpu.vector_load_idx %arg23[%shift_right_logical3A_609] : memref<50000xf32, #tpu.memory_space<vmem>>[vector<16xi32>], vector<16xf32>,
      %max3A_612 = arith.maximumf %gather3A_610, %gather3A_611 : vector<16xf32>
      %min3A_613 = arith.minimumf %gather3A_610, %gather3A_611 : vector<16xf32>
      %max3A_614 = arith.maximumf %max3A, %max3A_612 : vector<16xf32>
      %min3A_615 = arith.minimumf %min3A_597, %min3A_613 : vector<16xf32>
      %mul3A_616 = arith.constant 16 : i32
      %mul3A_617 = arith.muli %scan3A_581, %mul3A_616 : i32
      %add3A_618 = arith.constant 3136 : i32
      %add3A_619 = arith.addi %add3A_618, %mul3A_617 : i32
      %get3A_620 = arith.index_cast %add3A_619 : i32 to index
      %get3A_621 = tpu.vector_load %arg24[%get3A_620] {strides = array<i32>} : memref<12544xi32, #tpu.memory_space<vmem>>, vector<16xi32>,
      %and3A_622 = arith.constant 65535 : i32
      %and3A_623 = vector.broadcast %and3A_622 : i32 to vector<16xi32>
      %and3A_624 = arith.andi %get3A_621, %and3A_623 : vector<16xi32>
      %shift_right_logical3A_625 = arith.constant 16 : i32
      %shift_right_logical3A_626 = vector.broadcast %shift_right_logical3A_625 : i32 to vector<16xi32>
      %shift_right_logical3A_627 = arith.shrui %get3A_621, %shift_right_logical3A_626 : vector<16xi32>
      %gather3A_628 = tpu.vector_load_idx %arg23[%and3A_624] : memref<50000xf32, #tpu.memory_space<vmem>>[vector<16xi32>], vector<16xf32>,
      %gather3A_629 = tpu.vector_load_idx %arg23[%shift_right_logical3A_627] : memref<50000xf32, #tpu.memory_space<vmem>>[vector<16xi32>], vector<16xf32>,
      %max3A_630 = arith.maximumf %gather3A_628, %gather3A_629 : vector<16xf32>
      %min3A_631 = arith.minimumf %gather3A_628, %gather3A_629 : vector<16xf32>
      %max3A_632 = arith.maximumf %max3A_614, %max3A_630 : vector<16xf32>
      %min3A_633 = arith.minimumf %min3A_615, %min3A_631 : vector<16xf32>
      %mul3A_634 = arith.constant 16 : i32
      %mul3A_635 = arith.muli %scan3A_581, %mul3A_634 : i32
      %add3A_636 = arith.constant 4704 : i32
      %add3A_637 = arith.addi %add3A_636, %mul3A_635 : i32
      %get3A_638 = arith.index_cast %add3A_637 : i32 to index
      %get3A_639 = tpu.vector_load %arg24[%get3A_638] {strides = array<i32>} : memref<12544xi32, #tpu.memory_space<vmem>>, vector<16xi32>,
      %and3A_640 = arith.constant 65535 : i32
      %and3A_641 = vector.broadcast %and3A_640 : i32 to vector<16xi32>
      %and3A_642 = arith.andi %get3A_639, %and3A_641 : vector<16xi32>
      %shift_right_logical3A_643 = arith.constant 16 : i32
      %shift_right_logical3A_644 = vector.broadcast %shift_right_logical3A_643 : i32 to vector<16xi32>
      %shift_right_logical3A_645 = arith.shrui %get3A_639, %shift_right_logical3A_644 : vector<16xi32>
      %gather3A_646 = tpu.vector_load_idx %arg23[%and3A_642] : memref<50000xf32, #tpu.memory_space<vmem>>[vector<16xi32>], vector<16xf32>,
      %gather3A_647 = tpu.vector_load_idx %arg23[%shift_right_logical3A_645] : memref<50000xf32, #tpu.memory_space<vmem>>[vector<16xi32>], vector<16xf32>,
      %max3A_648 = arith.maximumf %gather3A_646, %gather3A_647 : vector<16xf32>
      %min3A_649 = arith.minimumf %gather3A_646, %gather3A_647 : vector<16xf32>
      %max3A_650 = arith.maximumf %max3A_632, %max3A_648 : vector<16xf32>
      %min3A_651 = arith.minimumf %min3A_633, %min3A_649 : vector<16xf32>
      %mul3A_652 = arith.constant 16 : i32
      %mul3A_653 = arith.muli %scan3A_581, %mul3A_652 : i32
      %add3A_654 = arith.constant 6272 : i32
      %add3A_655 = arith.addi %add3A_654, %mul3A_653 : i32
      %get3A_656 = arith.index_cast %add3A_655 : i32 to index
      %get3A_657 = tpu.vector_load %arg24[%get3A_656] {strides = array<i32>} : memref<12544xi32, #tpu.memory_space<vmem>>, vector<16xi32>,
      %and3A_658 = arith.constant 65535 : i32
      %and3A_659 = vector.broadcast %and3A_658 : i32 to vector<16xi32>
      %and3A_660 = arith.andi %get3A_657, %and3A_659 : vector<16xi32>
      %shift_right_logical3A_661 = arith.constant 16 : i32
      %shift_right_logical3A_662 = vector.broadcast %shift_right_logical3A_661 : i32 to vector<16xi32>
      %shift_right_logical3A_663 = arith.shrui %get3A_657, %shift_right_logical3A_662 : vector<16xi32>
      %gather3A_664 = tpu.vector_load_idx %arg23[%and3A_660] : memref<50000xf32, #tpu.memory_space<vmem>>[vector<16xi32>], vector<16xf32>,
      %gather3A_665 = tpu.vector_load_idx %arg23[%shift_right_logical3A_663] : memref<50000xf32, #tpu.memory_space<vmem>>[vector<16xi32>], vector<16xf32>,
      %max3A_666 = arith.maximumf %gather3A_664, %gather3A_665 : vector<16xf32>
      %min3A_667 = arith.minimumf %gather3A_664, %gather3A_665 : vector<16xf32>
      %max3A_668 = arith.maximumf %max3A_650, %max3A_666 : vector<16xf32>
      %min3A_669 = arith.minimumf %min3A_651, %min3A_667 : vector<16xf32>
      %mul3A_670 = arith.constant 16 : i32
      %mul3A_671 = arith.muli %scan3A_581, %mul3A_670 : i32
      %add3A_672 = arith.constant 7840 : i32
      %add3A_673 = arith.addi %add3A_672, %mul3A_671 : i32
      %get3A_674 = arith.index_cast %add3A_673 : i32 to index
      %get3A_675 = tpu.vector_load %arg24[%get3A_674] {strides = array<i32>} : memref<12544xi32, #tpu.memory_space<vmem>>, vector<16xi32>,
      %and3A_676 = arith.constant 65535 : i32
      %and3A_677 = vector.broadcast %and3A_676 : i32 to vector<16xi32>
      %and3A_678 = arith.andi %get3A_675, %and3A_677 : vector<16xi32>
      %shift_right_logical3A_679 = arith.constant 16 : i32
      %shift_right_logical3A_680 = vector.broadcast %shift_right_logical3A_679 : i32 to vector<16xi32>
      %shift_right_logical3A_681 = arith.shrui %get3A_675, %shift_right_logical3A_680 : vector<16xi32>
      %gather3A_682 = tpu.vector_load_idx %arg23[%and3A_678] : memref<50000xf32, #tpu.memory_space<vmem>>[vector<16xi32>], vector<16xf32>,
      %gather3A_683 = tpu.vector_load_idx %arg23[%shift_right_logical3A_681] : memref<50000xf32, #tpu.memory_space<vmem>>[vector<16xi32>], vector<16xf32>,
      %max3A_684 = arith.maximumf %gather3A_682, %gather3A_683 : vector<16xf32>
      %min3A_685 = arith.minimumf %gather3A_682, %gather3A_683 : vector<16xf32>
      %max3A_686 = arith.maximumf %max3A_668, %max3A_684 : vector<16xf32>
      %min3A_687 = arith.minimumf %min3A_669, %min3A_685 : vector<16xf32>
      %mul3A_688 = arith.constant 16 : i32
      %mul3A_689 = arith.muli %scan3A_581, %mul3A_688 : i32
      %add3A_690 = arith.constant 9408 : i32
      %add3A_691 = arith.addi %add3A_690, %mul3A_689 : i32
      %get3A_692 = arith.index_cast %add3A_691 : i32 to index
      %get3A_693 = tpu.vector_load %arg24[%get3A_692] {strides = array<i32>} : memref<12544xi32, #tpu.memory_space<vmem>>, vector<16xi32>,
      %and3A_694 = arith.constant 65535 : i32
      %and3A_695 = vector.broadcast %and3A_694 : i32 to vector<16xi32>
      %and3A_696 = arith.andi %get3A_693, %and3A_695 : vector<16xi32>
      %shift_right_logical3A_697 = arith.constant 16 : i32
      %shift_right_logical3A_698 = vector.broadcast %shift_right_logical3A_697 : i32 to vector<16xi32>
      %shift_right_logical3A_699 = arith.shrui %get3A_693, %shift_right_logical3A_698 : vector<16xi32>
      %gather3A_700 = tpu.vector_load_idx %arg23[%and3A_696] : memref<50000xf32, #tpu.memory_space<vmem>>[vector<16xi32>], vector<16xf32>,
      %gather3A_701 = tpu.vector_load_idx %arg23[%shift_right_logical3A_699] : memref<50000xf32, #tpu.memory_space<vmem>>[vector<16xi32>], vector<16xf32>,
      %max3A_702 = arith.maximumf %gather3A_700, %gather3A_701 : vector<16xf32>
      %min3A_703 = arith.minimumf %gather3A_700, %gather3A_701 : vector<16xf32>
      %max3A_704 = arith.maximumf %max3A_686, %max3A_702 : vector<16xf32>
      %min3A_705 = arith.minimumf %min3A_687, %min3A_703 : vector<16xf32>
      %mul3A_706 = arith.constant 16 : i32
      %mul3A_707 = arith.muli %scan3A_581, %mul3A_706 : i32
      %add3A_708 = arith.constant 10976 : i32
      %add3A_709 = arith.addi %add3A_708, %mul3A_707 : i32
      %get3A_710 = arith.index_cast %add3A_709 : i32 to index
      %get3A_711 = tpu.vector_load %arg24[%get3A_710] {strides = array<i32>} : memref<12544xi32, #tpu.memory_space<vmem>>, vector<16xi32>,
      %and3A_712 = arith.constant 65535 : i32
      %and3A_713 = vector.broadcast %and3A_712 : i32 to vector<16xi32>
      %and3A_714 = arith.andi %get3A_711, %and3A_713 : vector<16xi32>
      %shift_right_logical3A_715 = arith.constant 16 : i32
      %shift_right_logical3A_716 = vector.broadcast %shift_right_logical3A_715 : i32 to vector<16xi32>
      %shift_right_logical3A_717 = arith.shrui %get3A_711, %shift_right_logical3A_716 : vector<16xi32>
      %gather3A_718 = tpu.vector_load_idx %arg23[%and3A_714] : memref<50000xf32, #tpu.memory_space<vmem>>[vector<16xi32>], vector<16xf32>,
      %gather3A_719 = tpu.vector_load_idx %arg23[%shift_right_logical3A_717] : memref<50000xf32, #tpu.memory_space<vmem>>[vector<16xi32>], vector<16xf32>,
      %max3A_720 = arith.maximumf %gather3A_718, %gather3A_719 : vector<16xf32>
      %min3A_721 = arith.minimumf %gather3A_718, %gather3A_719 : vector<16xf32>
      %max3A_722 = arith.maximumf %max3A_704, %max3A_720 : vector<16xf32>
      %min3A_723 = arith.minimumf %min3A_705, %min3A_721 : vector<16xf32>
      %mul3A_724 = arith.constant 16 : i32
      %mul3A_725 = arith.muli %scan3A_581, %mul3A_724 : i32
      %add3A_726 = arith.constant 1568 : i32
      %add3A_727 = arith.addi %add3A_726, %mul3A_725 : i32
      %swap3A = arith.index_cast %add3A_727 : i32 to index
      %swap3A_728 = tpu.vector_load %arg25[%swap3A] {strides = array<i32>} : memref<15680xf32, #tpu.memory_space<vmem>>, vector<16xf32>,
      tpu.vector_store %arg25[%swap3A], %get3A_585 {strides = array<i32>} : memref<15680xf32, #tpu.memory_space<vmem>>, vector<16xf32>,
      %mul3A_729 = arith.constant 16 : i32
      %mul3A_730 = arith.muli %scan3A_581, %mul3A_729 : i32
      %add3A_731 = arith.constant 6272 : i32
      %add3A_732 = arith.addi %add3A_731, %mul3A_730 : i32
      %swap3A_733 = arith.index_cast %add3A_732 : i32 to index
      %swap3A_734 = tpu.vector_load %arg25[%swap3A_733] {strides = array<i32>} : memref<15680xf32, #tpu.memory_space<vmem>>, vector<16xf32>,
      tpu.vector_store %arg25[%swap3A_733], %max3A_722 {strides = array<i32>} : memref<15680xf32, #tpu.memory_space<vmem>>, vector<16xf32>,
      %sub3A = arith.subf %get3A_585, %min3A_723 : vector<16xf32>
      %mul3A_735 = arith.constant 16 : i32
      %mul3A_736 = arith.muli %scan3A_581, %mul3A_735 : i32
      %add3A_737 = arith.constant 10976 : i32
      %add3A_738 = arith.addi %add3A_737, %mul3A_736 : i32
      %swap3A_739 = arith.index_cast %add3A_738 : i32 to index
      %swap3A_740 = tpu.vector_load %arg25[%swap3A_739] {strides = array<i32>} : memref<15680xf32, #tpu.memory_space<vmem>>, vector<16xf32>,
      tpu.vector_store %arg25[%swap3A_739], %sub3A {strides = array<i32>} : memref<15680xf32, #tpu.memory_space<vmem>>, vector<16xf32>,
    }
    %scan3A_140 = arith.constant 98 : i32
    %dma_wait3A_141 = arith.constant 100000 : i32
    %dma_wait3A_142 = tpu.memref_slice %arg2[%dma_wait3A_141] : memref<300000xf32, #tpu.memory_space<hbm>> -> memref<50000xf32, #tpu.memory_space<hbm>>
    %dma_wait3A_143 = arith.constant 100000 : i32
    %dma_wait3A_144 = tpu.memref_slice %arg2[%dma_wait3A_143] : memref<300000xf32, #tpu.memory_space<hbm>> -> memref<50000xf32, #tpu.memory_space<hbm>>
    tpu.wait_dma2 semaphore(%arg26 : memref<!tpu.dma_semaphore, #tpu.memory_space<semaphore_mem>>) src(%dma_wait3A_144 : memref<50000xf32, #tpu.memory_space<hbm>>) dst(%arg22 : memref<50000xf32, #tpu.memory_space<vmem>>)
    %dma_start3A_145 = arith.constant 150000 : i32
    %dma_start3A_146 = tpu.memref_slice %arg2[%dma_start3A_145] : memref<300000xf32, #tpu.memory_space<hbm>> -> memref<50000xf32, #tpu.memory_space<hbm>>
    %dma_start3A_147 = arith.constant 150000 : i32
    %dma_start3A_148 = tpu.memref_slice %arg2[%dma_start3A_147] : memref<300000xf32, #tpu.memory_space<hbm>> -> memref<50000xf32, #tpu.memory_space<hbm>>
    tpu.enqueue_dma source(%dma_start3A_148 : memref<50000xf32, #tpu.memory_space<hbm>>) target(%arg23 : memref<50000xf32, #tpu.memory_space<vmem>>) target_semaphore(%arg26 : memref<!tpu.dma_semaphore, #tpu.memory_space<semaphore_mem>>)
    %scan3A_149 = arith.constant 0 : i32
    %scan3A_150 = arith.constant 0 : i32
    %scan3A_151 = arith.constant 98 : i32
    %scan3A_152 = arith.addi %scan3A_150, %scan3A_151 : i32
    %scan3A_153 = arith.constant 1 : i32
    scf.for %scan3A_581 = %scan3A_150 to %scan3A_152 step %scan3A_153  : i32 {
      %mul3A_582 = arith.constant 16 : i32
      %mul3A_583 = arith.muli %scan3A_581, %mul3A_582 : i32
      %add3A_584 = arith.addi %min3A_3, %mul3A_583 : i32
      %get3A = arith.index_cast %add3A_584 : i32 to index
      %get3A_585 = tpu.vector_load %arg22[%get3A] {strides = array<i32>} : memref<50000xf32, #tpu.memory_space<vmem>>, vector<16xf32>,
      %mul3A_586 = arith.constant 16 : i32
      %mul3A_587 = arith.muli %scan3A_581, %mul3A_586 : i32
      %add3A_588 = arith.constant 0 : i32
      %add3A_589 = arith.addi %add3A_588, %mul3A_587 : i32
      %get3A_590 = arith.index_cast %add3A_589 : i32 to index
      %get3A_591 = tpu.vector_load %arg24[%get3A_590] {strides = array<i32>} : memref<12544xi32, #tpu.memory_space<vmem>>, vector<16xi32>,
      %and3A = arith.constant 65535 : i32
      %and3A_592 = vector.broadcast %and3A : i32 to vector<16xi32>
      %and3A_593 = arith.andi %get3A_591, %and3A_592 : vector<16xi32>
      %shift_right_logical3A = arith.constant 16 : i32
      %shift_right_logical3A_594 = vector.broadcast %shift_right_logical3A : i32 to vector<16xi32>
      %shift_right_logical3A_595 = arith.shrui %get3A_591, %shift_right_logical3A_594 : vector<16xi32>
      %gather3A = tpu.vector_load_idx %arg22[%and3A_593] : memref<50000xf32, #tpu.memory_space<vmem>>[vector<16xi32>], vector<16xf32>,
      %gather3A_596 = tpu.vector_load_idx %arg22[%shift_right_logical3A_595] : memref<50000xf32, #tpu.memory_space<vmem>>[vector<16xi32>], vector<16xf32>,
      %max3A = arith.maximumf %gather3A, %gather3A_596 : vector<16xf32>
      %min3A_597 = arith.minimumf %gather3A, %gather3A_596 : vector<16xf32>
      %mul3A_598 = arith.constant 16 : i32
      %mul3A_599 = arith.muli %scan3A_581, %mul3A_598 : i32
      %add3A_600 = arith.constant 1568 : i32
      %add3A_601 = arith.addi %add3A_600, %mul3A_599 : i32
      %get3A_602 = arith.index_cast %add3A_601 : i32 to index
      %get3A_603 = tpu.vector_load %arg24[%get3A_602] {strides = array<i32>} : memref<12544xi32, #tpu.memory_space<vmem>>, vector<16xi32>,
      %and3A_604 = arith.constant 65535 : i32
      %and3A_605 = vector.broadcast %and3A_604 : i32 to vector<16xi32>
      %and3A_606 = arith.andi %get3A_603, %and3A_605 : vector<16xi32>
      %shift_right_logical3A_607 = arith.constant 16 : i32
      %shift_right_logical3A_608 = vector.broadcast %shift_right_logical3A_607 : i32 to vector<16xi32>
      %shift_right_logical3A_609 = arith.shrui %get3A_603, %shift_right_logical3A_608 : vector<16xi32>
      %gather3A_610 = tpu.vector_load_idx %arg22[%and3A_606] : memref<50000xf32, #tpu.memory_space<vmem>>[vector<16xi32>], vector<16xf32>,
      %gather3A_611 = tpu.vector_load_idx %arg22[%shift_right_logical3A_609] : memref<50000xf32, #tpu.memory_space<vmem>>[vector<16xi32>], vector<16xf32>,
      %max3A_612 = arith.maximumf %gather3A_610, %gather3A_611 : vector<16xf32>
      %min3A_613 = arith.minimumf %gather3A_610, %gather3A_611 : vector<16xf32>
      %max3A_614 = arith.maximumf %max3A, %max3A_612 : vector<16xf32>
      %min3A_615 = arith.minimumf %min3A_597, %min3A_613 : vector<16xf32>
      %mul3A_616 = arith.constant 16 : i32
      %mul3A_617 = arith.muli %scan3A_581, %mul3A_616 : i32
      %add3A_618 = arith.constant 3136 : i32
      %add3A_619 = arith.addi %add3A_618, %mul3A_617 : i32
      %get3A_620 = arith.index_cast %add3A_619 : i32 to index
      %get3A_621 = tpu.vector_load %arg24[%get3A_620] {strides = array<i32>} : memref<12544xi32, #tpu.memory_space<vmem>>, vector<16xi32>,
      %and3A_622 = arith.constant 65535 : i32
      %and3A_623 = vector.broadcast %and3A_622 : i32 to vector<16xi32>
      %and3A_624 = arith.andi %get3A_621, %and3A_623 : vector<16xi32>
      %shift_right_logical3A_625 = arith.constant 16 : i32
      %shift_right_logical3A_626 = vector.broadcast %shift_right_logical3A_625 : i32 to vector<16xi32>
      %shift_right_logical3A_627 = arith.shrui %get3A_621, %shift_right_logical3A_626 : vector<16xi32>
      %gather3A_628 = tpu.vector_load_idx %arg22[%and3A_624] : memref<50000xf32, #tpu.memory_space<vmem>>[vector<16xi32>], vector<16xf32>,
      %gather3A_629 = tpu.vector_load_idx %arg22[%shift_right_logical3A_627] : memref<50000xf32, #tpu.memory_space<vmem>>[vector<16xi32>], vector<16xf32>,
      %max3A_630 = arith.maximumf %gather3A_628, %gather3A_629 : vector<16xf32>
      %min3A_631 = arith.minimumf %gather3A_628, %gather3A_629 : vector<16xf32>
      %max3A_632 = arith.maximumf %max3A_614, %max3A_630 : vector<16xf32>
      %min3A_633 = arith.minimumf %min3A_615, %min3A_631 : vector<16xf32>
      %mul3A_634 = arith.constant 16 : i32
      %mul3A_635 = arith.muli %scan3A_581, %mul3A_634 : i32
      %add3A_636 = arith.constant 4704 : i32
      %add3A_637 = arith.addi %add3A_636, %mul3A_635 : i32
      %get3A_638 = arith.index_cast %add3A_637 : i32 to index
      %get3A_639 = tpu.vector_load %arg24[%get3A_638] {strides = array<i32>} : memref<12544xi32, #tpu.memory_space<vmem>>, vector<16xi32>,
      %and3A_640 = arith.constant 65535 : i32
      %and3A_641 = vector.broadcast %and3A_640 : i32 to vector<16xi32>
      %and3A_642 = arith.andi %get3A_639, %and3A_641 : vector<16xi32>
      %shift_right_logical3A_643 = arith.constant 16 : i32
      %shift_right_logical3A_644 = vector.broadcast %shift_right_logical3A_643 : i32 to vector<16xi32>
      %shift_right_logical3A_645 = arith.shrui %get3A_639, %shift_right_logical3A_644 : vector<16xi32>
      %gather3A_646 = tpu.vector_load_idx %arg22[%and3A_642] : memref<50000xf32, #tpu.memory_space<vmem>>[vector<16xi32>], vector<16xf32>,
      %gather3A_647 = tpu.vector_load_idx %arg22[%shift_right_logical3A_645] : memref<50000xf32, #tpu.memory_space<vmem>>[vector<16xi32>], vector<16xf32>,
      %max3A_648 = arith.maximumf %gather3A_646, %gather3A_647 : vector<16xf32>
      %min3A_649 = arith.minimumf %gather3A_646, %gather3A_647 : vector<16xf32>
      %max3A_650 = arith.maximumf %max3A_632, %max3A_648 : vector<16xf32>
      %min3A_651 = arith.minimumf %min3A_633, %min3A_649 : vector<16xf32>
      %mul3A_652 = arith.constant 16 : i32
      %mul3A_653 = arith.muli %scan3A_581, %mul3A_652 : i32
      %add3A_654 = arith.constant 6272 : i32
      %add3A_655 = arith.addi %add3A_654, %mul3A_653 : i32
      %get3A_656 = arith.index_cast %add3A_655 : i32 to index
      %get3A_657 = tpu.vector_load %arg24[%get3A_656] {strides = array<i32>} : memref<12544xi32, #tpu.memory_space<vmem>>, vector<16xi32>,
      %and3A_658 = arith.constant 65535 : i32
      %and3A_659 = vector.broadcast %and3A_658 : i32 to vector<16xi32>
      %and3A_660 = arith.andi %get3A_657, %and3A_659 : vector<16xi32>
      %shift_right_logical3A_661 = arith.constant 16 : i32
      %shift_right_logical3A_662 = vector.broadcast %shift_right_logical3A_661 : i32 to vector<16xi32>
      %shift_right_logical3A_663 = arith.shrui %get3A_657, %shift_right_logical3A_662 : vector<16xi32>
      %gather3A_664 = tpu.vector_load_idx %arg22[%and3A_660] : memref<50000xf32, #tpu.memory_space<vmem>>[vector<16xi32>], vector<16xf32>,
      %gather3A_665 = tpu.vector_load_idx %arg22[%shift_right_logical3A_663] : memref<50000xf32, #tpu.memory_space<vmem>>[vector<16xi32>], vector<16xf32>,
      %max3A_666 = arith.maximumf %gather3A_664, %gather3A_665 : vector<16xf32>
      %min3A_667 = arith.minimumf %gather3A_664, %gather3A_665 : vector<16xf32>
      %max3A_668 = arith.maximumf %max3A_650, %max3A_666 : vector<16xf32>
      %min3A_669 = arith.minimumf %min3A_651, %min3A_667 : vector<16xf32>
      %mul3A_670 = arith.constant 16 : i32
      %mul3A_671 = arith.muli %scan3A_581, %mul3A_670 : i32
      %add3A_672 = arith.constant 7840 : i32
      %add3A_673 = arith.addi %add3A_672, %mul3A_671 : i32
      %get3A_674 = arith.index_cast %add3A_673 : i32 to index
      %get3A_675 = tpu.vector_load %arg24[%get3A_674] {strides = array<i32>} : memref<12544xi32, #tpu.memory_space<vmem>>, vector<16xi32>,
      %and3A_676 = arith.constant 65535 : i32
      %and3A_677 = vector.broadcast %and3A_676 : i32 to vector<16xi32>
      %and3A_678 = arith.andi %get3A_675, %and3A_677 : vector<16xi32>
      %shift_right_logical3A_679 = arith.constant 16 : i32
      %shift_right_logical3A_680 = vector.broadcast %shift_right_logical3A_679 : i32 to vector<16xi32>
      %shift_right_logical3A_681 = arith.shrui %get3A_675, %shift_right_logical3A_680 : vector<16xi32>
      %gather3A_682 = tpu.vector_load_idx %arg22[%and3A_678] : memref<50000xf32, #tpu.memory_space<vmem>>[vector<16xi32>], vector<16xf32>,
      %gather3A_683 = tpu.vector_load_idx %arg22[%shift_right_logical3A_681] : memref<50000xf32, #tpu.memory_space<vmem>>[vector<16xi32>], vector<16xf32>,
      %max3A_684 = arith.maximumf %gather3A_682, %gather3A_683 : vector<16xf32>
      %min3A_685 = arith.minimumf %gather3A_682, %gather3A_683 : vector<16xf32>
      %max3A_686 = arith.maximumf %max3A_668, %max3A_684 : vector<16xf32>
      %min3A_687 = arith.minimumf %min3A_669, %min3A_685 : vector<16xf32>
      %mul3A_688 = arith.constant 16 : i32
      %mul3A_689 = arith.muli %scan3A_581, %mul3A_688 : i32
      %add3A_690 = arith.constant 9408 : i32
      %add3A_691 = arith.addi %add3A_690, %mul3A_689 : i32
      %get3A_692 = arith.index_cast %add3A_691 : i32 to index
      %get3A_693 = tpu.vector_load %arg24[%get3A_692] {strides = array<i32>} : memref<12544xi32, #tpu.memory_space<vmem>>, vector<16xi32>,
      %and3A_694 = arith.constant 65535 : i32
      %and3A_695 = vector.broadcast %and3A_694 : i32 to vector<16xi32>
      %and3A_696 = arith.andi %get3A_693, %and3A_695 : vector<16xi32>
      %shift_right_logical3A_697 = arith.constant 16 : i32
      %shift_right_logical3A_698 = vector.broadcast %shift_right_logical3A_697 : i32 to vector<16xi32>
      %shift_right_logical3A_699 = arith.shrui %get3A_693, %shift_right_logical3A_698 : vector<16xi32>
      %gather3A_700 = tpu.vector_load_idx %arg22[%and3A_696] : memref<50000xf32, #tpu.memory_space<vmem>>[vector<16xi32>], vector<16xf32>,
      %gather3A_701 = tpu.vector_load_idx %arg22[%shift_right_logical3A_699] : memref<50000xf32, #tpu.memory_space<vmem>>[vector<16xi32>], vector<16xf32>,
      %max3A_702 = arith.maximumf %gather3A_700, %gather3A_701 : vector<16xf32>
      %min3A_703 = arith.minimumf %gather3A_700, %gather3A_701 : vector<16xf32>
      %max3A_704 = arith.maximumf %max3A_686, %max3A_702 : vector<16xf32>
      %min3A_705 = arith.minimumf %min3A_687, %min3A_703 : vector<16xf32>
      %mul3A_706 = arith.constant 16 : i32
      %mul3A_707 = arith.muli %scan3A_581, %mul3A_706 : i32
      %add3A_708 = arith.constant 10976 : i32
      %add3A_709 = arith.addi %add3A_708, %mul3A_707 : i32
      %get3A_710 = arith.index_cast %add3A_709 : i32 to index
      %get3A_711 = tpu.vector_load %arg24[%get3A_710] {strides = array<i32>} : memref<12544xi32, #tpu.memory_space<vmem>>, vector<16xi32>,
      %and3A_712 = arith.constant 65535 : i32
      %and3A_713 = vector.broadcast %and3A_712 : i32 to vector<16xi32>
      %and3A_714 = arith.andi %get3A_711, %and3A_713 : vector<16xi32>
      %shift_right_logical3A_715 = arith.constant 16 : i32
      %shift_right_logical3A_716 = vector.broadcast %shift_right_logical3A_715 : i32 to vector<16xi32>
      %shift_right_logical3A_717 = arith.shrui %get3A_711, %shift_right_logical3A_716 : vector<16xi32>
      %gather3A_718 = tpu.vector_load_idx %arg22[%and3A_714] : memref<50000xf32, #tpu.memory_space<vmem>>[vector<16xi32>], vector<16xf32>,
      %gather3A_719 = tpu.vector_load_idx %arg22[%shift_right_logical3A_717] : memref<50000xf32, #tpu.memory_space<vmem>>[vector<16xi32>], vector<16xf32>,
      %max3A_720 = arith.maximumf %gather3A_718, %gather3A_719 : vector<16xf32>
      %min3A_721 = arith.minimumf %gather3A_718, %gather3A_719 : vector<16xf32>
      %max3A_722 = arith.maximumf %max3A_704, %max3A_720 : vector<16xf32>
      %min3A_723 = arith.minimumf %min3A_705, %min3A_721 : vector<16xf32>
      %mul3A_724 = arith.constant 16 : i32
      %mul3A_725 = arith.muli %scan3A_581, %mul3A_724 : i32
      %add3A_726 = arith.constant 3136 : i32
      %add3A_727 = arith.addi %add3A_726, %mul3A_725 : i32
      %swap3A = arith.index_cast %add3A_727 : i32 to index
      %swap3A_728 = tpu.vector_load %arg25[%swap3A] {strides = array<i32>} : memref<15680xf32, #tpu.memory_space<vmem>>, vector<16xf32>,
      tpu.vector_store %arg25[%swap3A], %get3A_585 {strides = array<i32>} : memref<15680xf32, #tpu.memory_space<vmem>>, vector<16xf32>,
      %mul3A_729 = arith.constant 16 : i32
      %mul3A_730 = arith.muli %scan3A_581, %mul3A_729 : i32
      %add3A_731 = arith.constant 7840 : i32
      %add3A_732 = arith.addi %add3A_731, %mul3A_730 : i32
      %swap3A_733 = arith.index_cast %add3A_732 : i32 to index
      %swap3A_734 = tpu.vector_load %arg25[%swap3A_733] {strides = array<i32>} : memref<15680xf32, #tpu.memory_space<vmem>>, vector<16xf32>,
      tpu.vector_store %arg25[%swap3A_733], %max3A_722 {strides = array<i32>} : memref<15680xf32, #tpu.memory_space<vmem>>, vector<16xf32>,
      %sub3A = arith.subf %get3A_585, %min3A_723 : vector<16xf32>
      %mul3A_735 = arith.constant 16 : i32
      %mul3A_736 = arith.muli %scan3A_581, %mul3A_735 : i32
      %add3A_737 = arith.constant 12544 : i32
      %add3A_738 = arith.addi %add3A_737, %mul3A_736 : i32
      %swap3A_739 = arith.index_cast %add3A_738 : i32 to index
      %swap3A_740 = tpu.vector_load %arg25[%swap3A_739] {strides = array<i32>} : memref<15680xf32, #tpu.memory_space<vmem>>, vector<16xf32>,
      tpu.vector_store %arg25[%swap3A_739], %sub3A {strides = array<i32>} : memref<15680xf32, #tpu.memory_space<vmem>>, vector<16xf32>,
    }
    %scan3A_154 = arith.constant 98 : i32
    %add3A_155 = arith.constant 0 : i32
    %add3A_156 = arith.addi %add3A_155, %min3A_3 : i32
    %dma_start3A_157 = arith.constant 0 : i32
    %dma_start3A_158 = tpu.memref_slice %arg25[%dma_start3A_157] : memref<15680xf32, #tpu.memory_space<vmem>> -> memref<1568xf32, #tpu.memory_space<vmem>>
    %dma_start3A_159 = tpu.memref_slice %arg21[%add3A_156] : memref<1024000xf32, #tpu.memory_space<hbm>> -> memref<1568xf32, #tpu.memory_space<hbm>>
    %dma_start3A_160 = tpu.memref_slice %arg21[%add3A_156] : memref<1024000xf32, #tpu.memory_space<hbm>> -> memref<1568xf32, #tpu.memory_space<hbm>>
    %dma_start3A_161 = arith.constant 0 : i32
    %dma_start3A_162 = tpu.memref_slice %arg25[%dma_start3A_161] : memref<15680xf32, #tpu.memory_space<vmem>> -> memref<1568xf32, #tpu.memory_space<vmem>>
    tpu.enqueue_dma source(%dma_start3A_162 : memref<1568xf32, #tpu.memory_space<vmem>>) target(%dma_start3A_160 : memref<1568xf32, #tpu.memory_space<hbm>>) target_semaphore(%arg28 : memref<!tpu.dma_semaphore, #tpu.memory_space<semaphore_mem>>)
    %add3A_163 = arith.constant 102400 : i32
    %add3A_164 = arith.addi %add3A_163, %min3A_3 : i32
    %dma_start3A_165 = arith.constant 1568 : i32
    %dma_start3A_166 = tpu.memref_slice %arg25[%dma_start3A_165] : memref<15680xf32, #tpu.memory_space<vmem>> -> memref<1568xf32, #tpu.memory_space<vmem>>
    %dma_start3A_167 = tpu.memref_slice %arg21[%add3A_164] : memref<1024000xf32, #tpu.memory_space<hbm>> -> memref<1568xf32, #tpu.memory_space<hbm>>
    %dma_start3A_168 = tpu.memref_slice %arg21[%add3A_164] : memref<1024000xf32, #tpu.memory_space<hbm>> -> memref<1568xf32, #tpu.memory_space<hbm>>
    %dma_start3A_169 = arith.constant 1568 : i32
    %dma_start3A_170 = tpu.memref_slice %arg25[%dma_start3A_169] : memref<15680xf32, #tpu.memory_space<vmem>> -> memref<1568xf32, #tpu.memory_space<vmem>>
    tpu.enqueue_dma source(%dma_start3A_170 : memref<1568xf32, #tpu.memory_space<vmem>>) target(%dma_start3A_168 : memref<1568xf32, #tpu.memory_space<hbm>>) target_semaphore(%arg28 : memref<!tpu.dma_semaphore, #tpu.memory_space<semaphore_mem>>)
    %add3A_171 = arith.constant 204800 : i32
    %add3A_172 = arith.addi %add3A_171, %min3A_3 : i32
    %dma_start3A_173 = arith.constant 3136 : i32
    %dma_start3A_174 = tpu.memref_slice %arg25[%dma_start3A_173] : memref<15680xf32, #tpu.memory_space<vmem>> -> memref<1568xf32, #tpu.memory_space<vmem>>
    %dma_start3A_175 = tpu.memref_slice %arg21[%add3A_172] : memref<1024000xf32, #tpu.memory_space<hbm>> -> memref<1568xf32, #tpu.memory_space<hbm>>
    %dma_start3A_176 = tpu.memref_slice %arg21[%add3A_172] : memref<1024000xf32, #tpu.memory_space<hbm>> -> memref<1568xf32, #tpu.memory_space<hbm>>
    %dma_start3A_177 = arith.constant 3136 : i32
    %dma_start3A_178 = tpu.memref_slice %arg25[%dma_start3A_177] : memref<15680xf32, #tpu.memory_space<vmem>> -> memref<1568xf32, #tpu.memory_space<vmem>>
    tpu.enqueue_dma source(%dma_start3A_178 : memref<1568xf32, #tpu.memory_space<vmem>>) target(%dma_start3A_176 : memref<1568xf32, #tpu.memory_space<hbm>>) target_semaphore(%arg28 : memref<!tpu.dma_semaphore, #tpu.memory_space<semaphore_mem>>)
    %add3A_179 = arith.constant 307200 : i32
    %add3A_180 = arith.addi %add3A_179, %min3A_3 : i32
    %dma_start3A_181 = arith.constant 4704 : i32
    %dma_start3A_182 = tpu.memref_slice %arg25[%dma_start3A_181] : memref<15680xf32, #tpu.memory_space<vmem>> -> memref<1568xf32, #tpu.memory_space<vmem>>
    %dma_start3A_183 = tpu.memref_slice %arg21[%add3A_180] : memref<1024000xf32, #tpu.memory_space<hbm>> -> memref<1568xf32, #tpu.memory_space<hbm>>
    %dma_start3A_184 = tpu.memref_slice %arg21[%add3A_180] : memref<1024000xf32, #tpu.memory_space<hbm>> -> memref<1568xf32, #tpu.memory_space<hbm>>
    %dma_start3A_185 = arith.constant 4704 : i32
    %dma_start3A_186 = tpu.memref_slice %arg25[%dma_start3A_185] : memref<15680xf32, #tpu.memory_space<vmem>> -> memref<1568xf32, #tpu.memory_space<vmem>>
    tpu.enqueue_dma source(%dma_start3A_186 : memref<1568xf32, #tpu.memory_space<vmem>>) target(%dma_start3A_184 : memref<1568xf32, #tpu.memory_space<hbm>>) target_semaphore(%arg28 : memref<!tpu.dma_semaphore, #tpu.memory_space<semaphore_mem>>)
    %add3A_187 = arith.constant 409600 : i32
    %add3A_188 = arith.addi %add3A_187, %min3A_3 : i32
    %dma_start3A_189 = arith.constant 6272 : i32
    %dma_start3A_190 = tpu.memref_slice %arg25[%dma_start3A_189] : memref<15680xf32, #tpu.memory_space<vmem>> -> memref<1568xf32, #tpu.memory_space<vmem>>
    %dma_start3A_191 = tpu.memref_slice %arg21[%add3A_188] : memref<1024000xf32, #tpu.memory_space<hbm>> -> memref<1568xf32, #tpu.memory_space<hbm>>
    %dma_start3A_192 = tpu.memref_slice %arg21[%add3A_188] : memref<1024000xf32, #tpu.memory_space<hbm>> -> memref<1568xf32, #tpu.memory_space<hbm>>
    %dma_start3A_193 = arith.constant 6272 : i32
    %dma_start3A_194 = tpu.memref_slice %arg25[%dma_start3A_193] : memref<15680xf32, #tpu.memory_space<vmem>> -> memref<1568xf32, #tpu.memory_space<vmem>>
    tpu.enqueue_dma source(%dma_start3A_194 : memref<1568xf32, #tpu.memory_space<vmem>>) target(%dma_start3A_192 : memref<1568xf32, #tpu.memory_space<hbm>>) target_semaphore(%arg28 : memref<!tpu.dma_semaphore, #tpu.memory_space<semaphore_mem>>)
    %add3A_195 = arith.constant 512000 : i32
    %add3A_196 = arith.addi %add3A_195, %min3A_3 : i32
    %dma_start3A_197 = arith.constant 7840 : i32
    %dma_start3A_198 = tpu.memref_slice %arg25[%dma_start3A_197] : memref<15680xf32, #tpu.memory_space<vmem>> -> memref<1568xf32, #tpu.memory_space<vmem>>
    %dma_start3A_199 = tpu.memref_slice %arg21[%add3A_196] : memref<1024000xf32, #tpu.memory_space<hbm>> -> memref<1568xf32, #tpu.memory_space<hbm>>
    %dma_start3A_200 = tpu.memref_slice %arg21[%add3A_196] : memref<1024000xf32, #tpu.memory_space<hbm>> -> memref<1568xf32, #tpu.memory_space<hbm>>
    %dma_start3A_201 = arith.constant 7840 : i32
    %dma_start3A_202 = tpu.memref_slice %arg25[%dma_start3A_201] : memref<15680xf32, #tpu.memory_space<vmem>> -> memref<1568xf32, #tpu.memory_space<vmem>>
    tpu.enqueue_dma source(%dma_start3A_202 : memref<1568xf32, #tpu.memory_space<vmem>>) target(%dma_start3A_200 : memref<1568xf32, #tpu.memory_space<hbm>>) target_semaphore(%arg28 : memref<!tpu.dma_semaphore, #tpu.memory_space<semaphore_mem>>)
    %add3A_203 = arith.constant 614400 : i32
    %add3A_204 = arith.addi %add3A_203, %min3A_3 : i32
    %dma_start3A_205 = arith.constant 9408 : i32
    %dma_start3A_206 = tpu.memref_slice %arg25[%dma_start3A_205] : memref<15680xf32, #tpu.memory_space<vmem>> -> memref<1568xf32, #tpu.memory_space<vmem>>
    %dma_start3A_207 = tpu.memref_slice %arg21[%add3A_204] : memref<1024000xf32, #tpu.memory_space<hbm>> -> memref<1568xf32, #tpu.memory_space<hbm>>
    %dma_start3A_208 = tpu.memref_slice %arg21[%add3A_204] : memref<1024000xf32, #tpu.memory_space<hbm>> -> memref<1568xf32, #tpu.memory_space<hbm>>
    %dma_start3A_209 = arith.constant 9408 : i32
    %dma_start3A_210 = tpu.memref_slice %arg25[%dma_start3A_209] : memref<15680xf32, #tpu.memory_space<vmem>> -> memref<1568xf32, #tpu.memory_space<vmem>>
    tpu.enqueue_dma source(%dma_start3A_210 : memref<1568xf32, #tpu.memory_space<vmem>>) target(%dma_start3A_208 : memref<1568xf32, #tpu.memory_space<hbm>>) target_semaphore(%arg28 : memref<!tpu.dma_semaphore, #tpu.memory_space<semaphore_mem>>)
    %add3A_211 = arith.constant 716800 : i32
    %add3A_212 = arith.addi %add3A_211, %min3A_3 : i32
    %dma_start3A_213 = arith.constant 10976 : i32
    %dma_start3A_214 = tpu.memref_slice %arg25[%dma_start3A_213] : memref<15680xf32, #tpu.memory_space<vmem>> -> memref<1568xf32, #tpu.memory_space<vmem>>
    %dma_start3A_215 = tpu.memref_slice %arg21[%add3A_212] : memref<1024000xf32, #tpu.memory_space<hbm>> -> memref<1568xf32, #tpu.memory_space<hbm>>
    %dma_start3A_216 = tpu.memref_slice %arg21[%add3A_212] : memref<1024000xf32, #tpu.memory_space<hbm>> -> memref<1568xf32, #tpu.memory_space<hbm>>
    %dma_start3A_217 = arith.constant 10976 : i32
    %dma_start3A_218 = tpu.memref_slice %arg25[%dma_start3A_217] : memref<15680xf32, #tpu.memory_space<vmem>> -> memref<1568xf32, #tpu.memory_space<vmem>>
    tpu.enqueue_dma source(%dma_start3A_218 : memref<1568xf32, #tpu.memory_space<vmem>>) target(%dma_start3A_216 : memref<1568xf32, #tpu.memory_space<hbm>>) target_semaphore(%arg28 : memref<!tpu.dma_semaphore, #tpu.memory_space<semaphore_mem>>)
    %add3A_219 = arith.constant 819200 : i32
    %add3A_220 = arith.addi %add3A_219, %min3A_3 : i32
    %dma_start3A_221 = arith.constant 12544 : i32
    %dma_start3A_222 = tpu.memref_slice %arg25[%dma_start3A_221] : memref<15680xf32, #tpu.memory_space<vmem>> -> memref<1568xf32, #tpu.memory_space<vmem>>
    %dma_start3A_223 = tpu.memref_slice %arg21[%add3A_220] : memref<1024000xf32, #tpu.memory_space<hbm>> -> memref<1568xf32, #tpu.memory_space<hbm>>
    %dma_start3A_224 = tpu.memref_slice %arg21[%add3A_220] : memref<1024000xf32, #tpu.memory_space<hbm>> -> memref<1568xf32, #tpu.memory_space<hbm>>
    %dma_start3A_225 = arith.constant 12544 : i32
    %dma_start3A_226 = tpu.memref_slice %arg25[%dma_start3A_225] : memref<15680xf32, #tpu.memory_space<vmem>> -> memref<1568xf32, #tpu.memory_space<vmem>>
    tpu.enqueue_dma source(%dma_start3A_226 : memref<1568xf32, #tpu.memory_space<vmem>>) target(%dma_start3A_224 : memref<1568xf32, #tpu.memory_space<hbm>>) target_semaphore(%arg28 : memref<!tpu.dma_semaphore, #tpu.memory_space<semaphore_mem>>)
    %add3A_227 = arith.constant 921600 : i32
    %add3A_228 = arith.addi %add3A_227, %min3A_3 : i32
    %dma_start3A_229 = arith.constant 14112 : i32
    %dma_start3A_230 = tpu.memref_slice %arg25[%dma_start3A_229] : memref<15680xf32, #tpu.memory_space<vmem>> -> memref<1568xf32, #tpu.memory_space<vmem>>
    %dma_start3A_231 = tpu.memref_slice %arg21[%add3A_228] : memref<1024000xf32, #tpu.memory_space<hbm>> -> memref<1568xf32, #tpu.memory_space<hbm>>
    %dma_start3A_232 = tpu.memref_slice %arg21[%add3A_228] : memref<1024000xf32, #tpu.memory_space<hbm>> -> memref<1568xf32, #tpu.memory_space<hbm>>
    %dma_start3A_233 = arith.constant 14112 : i32
    %dma_start3A_234 = tpu.memref_slice %arg25[%dma_start3A_233] : memref<15680xf32, #tpu.memory_space<vmem>> -> memref<1568xf32, #tpu.memory_space<vmem>>
    tpu.enqueue_dma source(%dma_start3A_234 : memref<1568xf32, #tpu.memory_space<vmem>>) target(%dma_start3A_232 : memref<1568xf32, #tpu.memory_space<hbm>>) target_semaphore(%arg28 : memref<!tpu.dma_semaphore, #tpu.memory_space<semaphore_mem>>)
    %dma_start3A_235 = arith.constant 0 : i32
    %dma_start3A_236 = tpu.memref_slice %arg24[%dma_start3A_235] : memref<12544xi32, #tpu.memory_space<vmem>> -> memref<1568xi32, #tpu.memory_space<vmem>>
    %dma_start3A_237 = tpu.memref_slice %arg11[%min3A_3] : memref<51200xi32, #tpu.memory_space<hbm>> -> memref<1568xi32, #tpu.memory_space<hbm>>
    %dma_start3A_238 = arith.constant 0 : i32
    %dma_start3A_239 = tpu.memref_slice %arg24[%dma_start3A_238] : memref<12544xi32, #tpu.memory_space<vmem>> -> memref<1568xi32, #tpu.memory_space<vmem>>
    %dma_start3A_240 = tpu.memref_slice %arg11[%min3A_3] : memref<51200xi32, #tpu.memory_space<hbm>> -> memref<1568xi32, #tpu.memory_space<hbm>>
    tpu.enqueue_dma source(%dma_start3A_240 : memref<1568xi32, #tpu.memory_space<hbm>>) target(%dma_start3A_239 : memref<1568xi32, #tpu.memory_space<vmem>>) target_semaphore(%arg27 : memref<!tpu.dma_semaphore, #tpu.memory_space<semaphore_mem>>)
    %dma_start3A_241 = arith.constant 1568 : i32
    %dma_start3A_242 = tpu.memref_slice %arg24[%dma_start3A_241] : memref<12544xi32, #tpu.memory_space<vmem>> -> memref<1568xi32, #tpu.memory_space<vmem>>
    %dma_start3A_243 = tpu.memref_slice %arg12[%min3A_3] : memref<51200xi32, #tpu.memory_space<hbm>> -> memref<1568xi32, #tpu.memory_space<hbm>>
    %dma_start3A_244 = arith.constant 1568 : i32
    %dma_start3A_245 = tpu.memref_slice %arg24[%dma_start3A_244] : memref<12544xi32, #tpu.memory_space<vmem>> -> memref<1568xi32, #tpu.memory_space<vmem>>
    %dma_start3A_246 = tpu.memref_slice %arg12[%min3A_3] : memref<51200xi32, #tpu.memory_space<hbm>> -> memref<1568xi32, #tpu.memory_space<hbm>>
    tpu.enqueue_dma source(%dma_start3A_246 : memref<1568xi32, #tpu.memory_space<hbm>>) target(%dma_start3A_245 : memref<1568xi32, #tpu.memory_space<vmem>>) target_semaphore(%arg27 : memref<!tpu.dma_semaphore, #tpu.memory_space<semaphore_mem>>)
    %dma_start3A_247 = arith.constant 3136 : i32
    %dma_start3A_248 = tpu.memref_slice %arg24[%dma_start3A_247] : memref<12544xi32, #tpu.memory_space<vmem>> -> memref<1568xi32, #tpu.memory_space<vmem>>
    %dma_start3A_249 = tpu.memref_slice %arg13[%min3A_3] : memref<51200xi32, #tpu.memory_space<hbm>> -> memref<1568xi32, #tpu.memory_space<hbm>>
    %dma_start3A_250 = arith.constant 3136 : i32
    %dma_start3A_251 = tpu.memref_slice %arg24[%dma_start3A_250] : memref<12544xi32, #tpu.memory_space<vmem>> -> memref<1568xi32, #tpu.memory_space<vmem>>
    %dma_start3A_252 = tpu.memref_slice %arg13[%min3A_3] : memref<51200xi32, #tpu.memory_space<hbm>> -> memref<1568xi32, #tpu.memory_space<hbm>>
    tpu.enqueue_dma source(%dma_start3A_252 : memref<1568xi32, #tpu.memory_space<hbm>>) target(%dma_start3A_251 : memref<1568xi32, #tpu.memory_space<vmem>>) target_semaphore(%arg27 : memref<!tpu.dma_semaphore, #tpu.memory_space<semaphore_mem>>)
    %dma_start3A_253 = arith.constant 4704 : i32
    %dma_start3A_254 = tpu.memref_slice %arg24[%dma_start3A_253] : memref<12544xi32, #tpu.memory_space<vmem>> -> memref<1568xi32, #tpu.memory_space<vmem>>
    %dma_start3A_255 = tpu.memref_slice %arg14[%min3A_3] : memref<51200xi32, #tpu.memory_space<hbm>> -> memref<1568xi32, #tpu.memory_space<hbm>>
    %dma_start3A_256 = arith.constant 4704 : i32
    %dma_start3A_257 = tpu.memref_slice %arg24[%dma_start3A_256] : memref<12544xi32, #tpu.memory_space<vmem>> -> memref<1568xi32, #tpu.memory_space<vmem>>
    %dma_start3A_258 = tpu.memref_slice %arg14[%min3A_3] : memref<51200xi32, #tpu.memory_space<hbm>> -> memref<1568xi32, #tpu.memory_space<hbm>>
    tpu.enqueue_dma source(%dma_start3A_258 : memref<1568xi32, #tpu.memory_space<hbm>>) target(%dma_start3A_257 : memref<1568xi32, #tpu.memory_space<vmem>>) target_semaphore(%arg27 : memref<!tpu.dma_semaphore, #tpu.memory_space<semaphore_mem>>)
    %dma_start3A_259 = arith.constant 6272 : i32
    %dma_start3A_260 = tpu.memref_slice %arg24[%dma_start3A_259] : memref<12544xi32, #tpu.memory_space<vmem>> -> memref<1568xi32, #tpu.memory_space<vmem>>
    %dma_start3A_261 = tpu.memref_slice %arg15[%min3A_3] : memref<51200xi32, #tpu.memory_space<hbm>> -> memref<1568xi32, #tpu.memory_space<hbm>>
    %dma_start3A_262 = arith.constant 6272 : i32
    %dma_start3A_263 = tpu.memref_slice %arg24[%dma_start3A_262] : memref<12544xi32, #tpu.memory_space<vmem>> -> memref<1568xi32, #tpu.memory_space<vmem>>
    %dma_start3A_264 = tpu.memref_slice %arg15[%min3A_3] : memref<51200xi32, #tpu.memory_space<hbm>> -> memref<1568xi32, #tpu.memory_space<hbm>>
    tpu.enqueue_dma source(%dma_start3A_264 : memref<1568xi32, #tpu.memory_space<hbm>>) target(%dma_start3A_263 : memref<1568xi32, #tpu.memory_space<vmem>>) target_semaphore(%arg27 : memref<!tpu.dma_semaphore, #tpu.memory_space<semaphore_mem>>)
    %dma_start3A_265 = arith.constant 7840 : i32
    %dma_start3A_266 = tpu.memref_slice %arg24[%dma_start3A_265] : memref<12544xi32, #tpu.memory_space<vmem>> -> memref<1568xi32, #tpu.memory_space<vmem>>
    %dma_start3A_267 = tpu.memref_slice %arg16[%min3A_3] : memref<51200xi32, #tpu.memory_space<hbm>> -> memref<1568xi32, #tpu.memory_space<hbm>>
    %dma_start3A_268 = arith.constant 7840 : i32
    %dma_start3A_269 = tpu.memref_slice %arg24[%dma_start3A_268] : memref<12544xi32, #tpu.memory_space<vmem>> -> memref<1568xi32, #tpu.memory_space<vmem>>
    %dma_start3A_270 = tpu.memref_slice %arg16[%min3A_3] : memref<51200xi32, #tpu.memory_space<hbm>> -> memref<1568xi32, #tpu.memory_space<hbm>>
    tpu.enqueue_dma source(%dma_start3A_270 : memref<1568xi32, #tpu.memory_space<hbm>>) target(%dma_start3A_269 : memref<1568xi32, #tpu.memory_space<vmem>>) target_semaphore(%arg27 : memref<!tpu.dma_semaphore, #tpu.memory_space<semaphore_mem>>)
    %dma_start3A_271 = arith.constant 9408 : i32
    %dma_start3A_272 = tpu.memref_slice %arg24[%dma_start3A_271] : memref<12544xi32, #tpu.memory_space<vmem>> -> memref<1568xi32, #tpu.memory_space<vmem>>
    %dma_start3A_273 = tpu.memref_slice %arg17[%min3A_3] : memref<51200xi32, #tpu.memory_space<hbm>> -> memref<1568xi32, #tpu.memory_space<hbm>>
    %dma_start3A_274 = arith.constant 9408 : i32
    %dma_start3A_275 = tpu.memref_slice %arg24[%dma_start3A_274] : memref<12544xi32, #tpu.memory_space<vmem>> -> memref<1568xi32, #tpu.memory_space<vmem>>
    %dma_start3A_276 = tpu.memref_slice %arg17[%min3A_3] : memref<51200xi32, #tpu.memory_space<hbm>> -> memref<1568xi32, #tpu.memory_space<hbm>>
    tpu.enqueue_dma source(%dma_start3A_276 : memref<1568xi32, #tpu.memory_space<hbm>>) target(%dma_start3A_275 : memref<1568xi32, #tpu.memory_space<vmem>>) target_semaphore(%arg27 : memref<!tpu.dma_semaphore, #tpu.memory_space<semaphore_mem>>)
    %dma_start3A_277 = arith.constant 10976 : i32
    %dma_start3A_278 = tpu.memref_slice %arg24[%dma_start3A_277] : memref<12544xi32, #tpu.memory_space<vmem>> -> memref<1568xi32, #tpu.memory_space<vmem>>
    %dma_start3A_279 = tpu.memref_slice %arg18[%min3A_3] : memref<51200xi32, #tpu.memory_space<hbm>> -> memref<1568xi32, #tpu.memory_space<hbm>>
    %dma_start3A_280 = arith.constant 10976 : i32
    %dma_start3A_281 = tpu.memref_slice %arg24[%dma_start3A_280] : memref<12544xi32, #tpu.memory_space<vmem>> -> memref<1568xi32, #tpu.memory_space<vmem>>
    %dma_start3A_282 = tpu.memref_slice %arg18[%min3A_3] : memref<51200xi32, #tpu.memory_space<hbm>> -> memref<1568xi32, #tpu.memory_space<hbm>>
    tpu.enqueue_dma source(%dma_start3A_282 : memref<1568xi32, #tpu.memory_space<hbm>>) target(%dma_start3A_281 : memref<1568xi32, #tpu.memory_space<vmem>>) target_semaphore(%arg27 : memref<!tpu.dma_semaphore, #tpu.memory_space<semaphore_mem>>)
    %dma_wait3A_283 = arith.constant 0 : i32
    %dma_wait3A_284 = tpu.memref_slice %arg25[%dma_wait3A_283] : memref<15680xf32, #tpu.memory_space<vmem>> -> memref<1568xf32, #tpu.memory_space<vmem>>
    %dma_wait3A_285 = tpu.memref_slice %arg21[%add3A_156] : memref<1024000xf32, #tpu.memory_space<hbm>> -> memref<1568xf32, #tpu.memory_space<hbm>>
    %dma_wait3A_286 = tpu.memref_slice %arg21[%add3A_156] : memref<1024000xf32, #tpu.memory_space<hbm>> -> memref<1568xf32, #tpu.memory_space<hbm>>
    %dma_wait3A_287 = arith.constant 0 : i32
    %dma_wait3A_288 = tpu.memref_slice %arg25[%dma_wait3A_287] : memref<15680xf32, #tpu.memory_space<vmem>> -> memref<1568xf32, #tpu.memory_space<vmem>>
    tpu.wait_dma2 semaphore(%arg28 : memref<!tpu.dma_semaphore, #tpu.memory_space<semaphore_mem>>) src(%dma_wait3A_288 : memref<1568xf32, #tpu.memory_space<vmem>>) dst(%dma_wait3A_286 : memref<1568xf32, #tpu.memory_space<hbm>>)
    %dma_wait3A_289 = arith.constant 1568 : i32
    %dma_wait3A_290 = tpu.memref_slice %arg25[%dma_wait3A_289] : memref<15680xf32, #tpu.memory_space<vmem>> -> memref<1568xf32, #tpu.memory_space<vmem>>
    %dma_wait3A_291 = tpu.memref_slice %arg21[%add3A_164] : memref<1024000xf32, #tpu.memory_space<hbm>> -> memref<1568xf32, #tpu.memory_space<hbm>>
    %dma_wait3A_292 = tpu.memref_slice %arg21[%add3A_164] : memref<1024000xf32, #tpu.memory_space<hbm>> -> memref<1568xf32, #tpu.memory_space<hbm>>
    %dma_wait3A_293 = arith.constant 1568 : i32
    %dma_wait3A_294 = tpu.memref_slice %arg25[%dma_wait3A_293] : memref<15680xf32, #tpu.memory_space<vmem>> -> memref<1568xf32, #tpu.memory_space<vmem>>
    tpu.wait_dma2 semaphore(%arg28 : memref<!tpu.dma_semaphore, #tpu.memory_space<semaphore_mem>>) src(%dma_wait3A_294 : memref<1568xf32, #tpu.memory_space<vmem>>) dst(%dma_wait3A_292 : memref<1568xf32, #tpu.memory_space<hbm>>)
    %dma_wait3A_295 = arith.constant 3136 : i32
    %dma_wait3A_296 = tpu.memref_slice %arg25[%dma_wait3A_295] : memref<15680xf32, #tpu.memory_space<vmem>> -> memref<1568xf32, #tpu.memory_space<vmem>>
    %dma_wait3A_297 = tpu.memref_slice %arg21[%add3A_172] : memref<1024000xf32, #tpu.memory_space<hbm>> -> memref<1568xf32, #tpu.memory_space<hbm>>
    %dma_wait3A_298 = tpu.memref_slice %arg21[%add3A_172] : memref<1024000xf32, #tpu.memory_space<hbm>> -> memref<1568xf32, #tpu.memory_space<hbm>>
    %dma_wait3A_299 = arith.constant 3136 : i32
    %dma_wait3A_300 = tpu.memref_slice %arg25[%dma_wait3A_299] : memref<15680xf32, #tpu.memory_space<vmem>> -> memref<1568xf32, #tpu.memory_space<vmem>>
    tpu.wait_dma2 semaphore(%arg28 : memref<!tpu.dma_semaphore, #tpu.memory_space<semaphore_mem>>) src(%dma_wait3A_300 : memref<1568xf32, #tpu.memory_space<vmem>>) dst(%dma_wait3A_298 : memref<1568xf32, #tpu.memory_space<hbm>>)
    %dma_wait3A_301 = arith.constant 4704 : i32
    %dma_wait3A_302 = tpu.memref_slice %arg25[%dma_wait3A_301] : memref<15680xf32, #tpu.memory_space<vmem>> -> memref<1568xf32, #tpu.memory_space<vmem>>
    %dma_wait3A_303 = tpu.memref_slice %arg21[%add3A_180] : memref<1024000xf32, #tpu.memory_space<hbm>> -> memref<1568xf32, #tpu.memory_space<hbm>>
    %dma_wait3A_304 = tpu.memref_slice %arg21[%add3A_180] : memref<1024000xf32, #tpu.memory_space<hbm>> -> memref<1568xf32, #tpu.memory_space<hbm>>
    %dma_wait3A_305 = arith.constant 4704 : i32
    %dma_wait3A_306 = tpu.memref_slice %arg25[%dma_wait3A_305] : memref<15680xf32, #tpu.memory_space<vmem>> -> memref<1568xf32, #tpu.memory_space<vmem>>
    tpu.wait_dma2 semaphore(%arg28 : memref<!tpu.dma_semaphore, #tpu.memory_space<semaphore_mem>>) src(%dma_wait3A_306 : memref<1568xf32, #tpu.memory_space<vmem>>) dst(%dma_wait3A_304 : memref<1568xf32, #tpu.memory_space<hbm>>)
    %dma_wait3A_307 = arith.constant 6272 : i32
    %dma_wait3A_308 = tpu.memref_slice %arg25[%dma_wait3A_307] : memref<15680xf32, #tpu.memory_space<vmem>> -> memref<1568xf32, #tpu.memory_space<vmem>>
    %dma_wait3A_309 = tpu.memref_slice %arg21[%add3A_188] : memref<1024000xf32, #tpu.memory_space<hbm>> -> memref<1568xf32, #tpu.memory_space<hbm>>
    %dma_wait3A_310 = tpu.memref_slice %arg21[%add3A_188] : memref<1024000xf32, #tpu.memory_space<hbm>> -> memref<1568xf32, #tpu.memory_space<hbm>>
    %dma_wait3A_311 = arith.constant 6272 : i32
    %dma_wait3A_312 = tpu.memref_slice %arg25[%dma_wait3A_311] : memref<15680xf32, #tpu.memory_space<vmem>> -> memref<1568xf32, #tpu.memory_space<vmem>>
    tpu.wait_dma2 semaphore(%arg28 : memref<!tpu.dma_semaphore, #tpu.memory_space<semaphore_mem>>) src(%dma_wait3A_312 : memref<1568xf32, #tpu.memory_space<vmem>>) dst(%dma_wait3A_310 : memref<1568xf32, #tpu.memory_space<hbm>>)
    %dma_wait3A_313 = arith.constant 7840 : i32
    %dma_wait3A_314 = tpu.memref_slice %arg25[%dma_wait3A_313] : memref<15680xf32, #tpu.memory_space<vmem>> -> memref<1568xf32, #tpu.memory_space<vmem>>
    %dma_wait3A_315 = tpu.memref_slice %arg21[%add3A_196] : memref<1024000xf32, #tpu.memory_space<hbm>> -> memref<1568xf32, #tpu.memory_space<hbm>>
    %dma_wait3A_316 = tpu.memref_slice %arg21[%add3A_196] : memref<1024000xf32, #tpu.memory_space<hbm>> -> memref<1568xf32, #tpu.memory_space<hbm>>
    %dma_wait3A_317 = arith.constant 7840 : i32
    %dma_wait3A_318 = tpu.memref_slice %arg25[%dma_wait3A_317] : memref<15680xf32, #tpu.memory_space<vmem>> -> memref<1568xf32, #tpu.memory_space<vmem>>
    tpu.wait_dma2 semaphore(%arg28 : memref<!tpu.dma_semaphore, #tpu.memory_space<semaphore_mem>>) src(%dma_wait3A_318 : memref<1568xf32, #tpu.memory_space<vmem>>) dst(%dma_wait3A_316 : memref<1568xf32, #tpu.memory_space<hbm>>)
    %dma_wait3A_319 = arith.constant 9408 : i32
    %dma_wait3A_320 = tpu.memref_slice %arg25[%dma_wait3A_319] : memref<15680xf32, #tpu.memory_space<vmem>> -> memref<1568xf32, #tpu.memory_space<vmem>>
    %dma_wait3A_321 = tpu.memref_slice %arg21[%add3A_204] : memref<1024000xf32, #tpu.memory_space<hbm>> -> memref<1568xf32, #tpu.memory_space<hbm>>
    %dma_wait3A_322 = tpu.memref_slice %arg21[%add3A_204] : memref<1024000xf32, #tpu.memory_space<hbm>> -> memref<1568xf32, #tpu.memory_space<hbm>>
    %dma_wait3A_323 = arith.constant 9408 : i32
    %dma_wait3A_324 = tpu.memref_slice %arg25[%dma_wait3A_323] : memref<15680xf32, #tpu.memory_space<vmem>> -> memref<1568xf32, #tpu.memory_space<vmem>>
    tpu.wait_dma2 semaphore(%arg28 : memref<!tpu.dma_semaphore, #tpu.memory_space<semaphore_mem>>) src(%dma_wait3A_324 : memref<1568xf32, #tpu.memory_space<vmem>>) dst(%dma_wait3A_322 : memref<1568xf32, #tpu.memory_space<hbm>>)
    %dma_wait3A_325 = arith.constant 10976 : i32
    %dma_wait3A_326 = tpu.memref_slice %arg25[%dma_wait3A_325] : memref<15680xf32, #tpu.memory_space<vmem>> -> memref<1568xf32, #tpu.memory_space<vmem>>
    %dma_wait3A_327 = tpu.memref_slice %arg21[%add3A_212] : memref<1024000xf32, #tpu.memory_space<hbm>> -> memref<1568xf32, #tpu.memory_space<hbm>>
    %dma_wait3A_328 = tpu.memref_slice %arg21[%add3A_212] : memref<1024000xf32, #tpu.memory_space<hbm>> -> memref<1568xf32, #tpu.memory_space<hbm>>
    %dma_wait3A_329 = arith.constant 10976 : i32
    %dma_wait3A_330 = tpu.memref_slice %arg25[%dma_wait3A_329] : memref<15680xf32, #tpu.memory_space<vmem>> -> memref<1568xf32, #tpu.memory_space<vmem>>
    tpu.wait_dma2 semaphore(%arg28 : memref<!tpu.dma_semaphore, #tpu.memory_space<semaphore_mem>>) src(%dma_wait3A_330 : memref<1568xf32, #tpu.memory_space<vmem>>) dst(%dma_wait3A_328 : memref<1568xf32, #tpu.memory_space<hbm>>)
    %dma_wait3A_331 = arith.constant 12544 : i32
    %dma_wait3A_332 = tpu.memref_slice %arg25[%dma_wait3A_331] : memref<15680xf32, #tpu.memory_space<vmem>> -> memref<1568xf32, #tpu.memory_space<vmem>>
    %dma_wait3A_333 = tpu.memref_slice %arg21[%add3A_220] : memref<1024000xf32, #tpu.memory_space<hbm>> -> memref<1568xf32, #tpu.memory_space<hbm>>
    %dma_wait3A_334 = tpu.memref_slice %arg21[%add3A_220] : memref<1024000xf32, #tpu.memory_space<hbm>> -> memref<1568xf32, #tpu.memory_space<hbm>>
    %dma_wait3A_335 = arith.constant 12544 : i32
    %dma_wait3A_336 = tpu.memref_slice %arg25[%dma_wait3A_335] : memref<15680xf32, #tpu.memory_space<vmem>> -> memref<1568xf32, #tpu.memory_space<vmem>>
    tpu.wait_dma2 semaphore(%arg28 : memref<!tpu.dma_semaphore, #tpu.memory_space<semaphore_mem>>) src(%dma_wait3A_336 : memref<1568xf32, #tpu.memory_space<vmem>>) dst(%dma_wait3A_334 : memref<1568xf32, #tpu.memory_space<hbm>>)
    %dma_wait3A_337 = arith.constant 14112 : i32
    %dma_wait3A_338 = tpu.memref_slice %arg25[%dma_wait3A_337] : memref<15680xf32, #tpu.memory_space<vmem>> -> memref<1568xf32, #tpu.memory_space<vmem>>
    %dma_wait3A_339 = tpu.memref_slice %arg21[%add3A_228] : memref<1024000xf32, #tpu.memory_space<hbm>> -> memref<1568xf32, #tpu.memory_space<hbm>>
    %dma_wait3A_340 = tpu.memref_slice %arg21[%add3A_228] : memref<1024000xf32, #tpu.memory_space<hbm>> -> memref<1568xf32, #tpu.memory_space<hbm>>
    %dma_wait3A_341 = arith.constant 14112 : i32
    %dma_wait3A_342 = tpu.memref_slice %arg25[%dma_wait3A_341] : memref<15680xf32, #tpu.memory_space<vmem>> -> memref<1568xf32, #tpu.memory_space<vmem>>
    tpu.wait_dma2 semaphore(%arg28 : memref<!tpu.dma_semaphore, #tpu.memory_space<semaphore_mem>>) src(%dma_wait3A_342 : memref<1568xf32, #tpu.memory_space<vmem>>) dst(%dma_wait3A_340 : memref<1568xf32, #tpu.memory_space<hbm>>)
    %dma_start3A_343 = arith.constant 14112 : i32
    %dma_start3A_344 = tpu.memref_slice %arg25[%dma_start3A_343] : memref<15680xf32, #tpu.memory_space<vmem>> -> memref<1568xf32, #tpu.memory_space<vmem>>
    %dma_start3A_345 = tpu.memref_slice %arg20[%min3A_3] : memref<51200xf32, #tpu.memory_space<hbm>> -> memref<1568xf32, #tpu.memory_space<hbm>>
    %dma_start3A_346 = arith.constant 14112 : i32
    %dma_start3A_347 = tpu.memref_slice %arg25[%dma_start3A_346] : memref<15680xf32, #tpu.memory_space<vmem>> -> memref<1568xf32, #tpu.memory_space<vmem>>
    %dma_start3A_348 = tpu.memref_slice %arg20[%min3A_3] : memref<51200xf32, #tpu.memory_space<hbm>> -> memref<1568xf32, #tpu.memory_space<hbm>>
    tpu.enqueue_dma source(%dma_start3A_348 : memref<1568xf32, #tpu.memory_space<hbm>>) target(%dma_start3A_347 : memref<1568xf32, #tpu.memory_space<vmem>>) target_semaphore(%arg27 : memref<!tpu.dma_semaphore, #tpu.memory_space<semaphore_mem>>)
    %dma_wait3A_349 = arith.constant 0 : i32
    %dma_wait3A_350 = tpu.memref_slice %arg24[%dma_wait3A_349] : memref<12544xi32, #tpu.memory_space<vmem>> -> memref<1568xi32, #tpu.memory_space<vmem>>
    %dma_wait3A_351 = tpu.memref_slice %arg11[%min3A_3] : memref<51200xi32, #tpu.memory_space<hbm>> -> memref<1568xi32, #tpu.memory_space<hbm>>
    %dma_wait3A_352 = arith.constant 0 : i32
    %dma_wait3A_353 = tpu.memref_slice %arg24[%dma_wait3A_352] : memref<12544xi32, #tpu.memory_space<vmem>> -> memref<1568xi32, #tpu.memory_space<vmem>>
    %dma_wait3A_354 = tpu.memref_slice %arg11[%min3A_3] : memref<51200xi32, #tpu.memory_space<hbm>> -> memref<1568xi32, #tpu.memory_space<hbm>>
    tpu.wait_dma2 semaphore(%arg27 : memref<!tpu.dma_semaphore, #tpu.memory_space<semaphore_mem>>) src(%dma_wait3A_354 : memref<1568xi32, #tpu.memory_space<hbm>>) dst(%dma_wait3A_353 : memref<1568xi32, #tpu.memory_space<vmem>>)
    %dma_wait3A_355 = arith.constant 1568 : i32
    %dma_wait3A_356 = tpu.memref_slice %arg24[%dma_wait3A_355] : memref<12544xi32, #tpu.memory_space<vmem>> -> memref<1568xi32, #tpu.memory_space<vmem>>
    %dma_wait3A_357 = tpu.memref_slice %arg12[%min3A_3] : memref<51200xi32, #tpu.memory_space<hbm>> -> memref<1568xi32, #tpu.memory_space<hbm>>
    %dma_wait3A_358 = arith.constant 1568 : i32
    %dma_wait3A_359 = tpu.memref_slice %arg24[%dma_wait3A_358] : memref<12544xi32, #tpu.memory_space<vmem>> -> memref<1568xi32, #tpu.memory_space<vmem>>
    %dma_wait3A_360 = tpu.memref_slice %arg12[%min3A_3] : memref<51200xi32, #tpu.memory_space<hbm>> -> memref<1568xi32, #tpu.memory_space<hbm>>
    tpu.wait_dma2 semaphore(%arg27 : memref<!tpu.dma_semaphore, #tpu.memory_space<semaphore_mem>>) src(%dma_wait3A_360 : memref<1568xi32, #tpu.memory_space<hbm>>) dst(%dma_wait3A_359 : memref<1568xi32, #tpu.memory_space<vmem>>)
    %dma_wait3A_361 = arith.constant 3136 : i32
    %dma_wait3A_362 = tpu.memref_slice %arg24[%dma_wait3A_361] : memref<12544xi32, #tpu.memory_space<vmem>> -> memref<1568xi32, #tpu.memory_space<vmem>>
    %dma_wait3A_363 = tpu.memref_slice %arg13[%min3A_3] : memref<51200xi32, #tpu.memory_space<hbm>> -> memref<1568xi32, #tpu.memory_space<hbm>>
    %dma_wait3A_364 = arith.constant 3136 : i32
    %dma_wait3A_365 = tpu.memref_slice %arg24[%dma_wait3A_364] : memref<12544xi32, #tpu.memory_space<vmem>> -> memref<1568xi32, #tpu.memory_space<vmem>>
    %dma_wait3A_366 = tpu.memref_slice %arg13[%min3A_3] : memref<51200xi32, #tpu.memory_space<hbm>> -> memref<1568xi32, #tpu.memory_space<hbm>>
    tpu.wait_dma2 semaphore(%arg27 : memref<!tpu.dma_semaphore, #tpu.memory_space<semaphore_mem>>) src(%dma_wait3A_366 : memref<1568xi32, #tpu.memory_space<hbm>>) dst(%dma_wait3A_365 : memref<1568xi32, #tpu.memory_space<vmem>>)
    %dma_wait3A_367 = arith.constant 4704 : i32
    %dma_wait3A_368 = tpu.memref_slice %arg24[%dma_wait3A_367] : memref<12544xi32, #tpu.memory_space<vmem>> -> memref<1568xi32, #tpu.memory_space<vmem>>
    %dma_wait3A_369 = tpu.memref_slice %arg14[%min3A_3] : memref<51200xi32, #tpu.memory_space<hbm>> -> memref<1568xi32, #tpu.memory_space<hbm>>
    %dma_wait3A_370 = arith.constant 4704 : i32
    %dma_wait3A_371 = tpu.memref_slice %arg24[%dma_wait3A_370] : memref<12544xi32, #tpu.memory_space<vmem>> -> memref<1568xi32, #tpu.memory_space<vmem>>
    %dma_wait3A_372 = tpu.memref_slice %arg14[%min3A_3] : memref<51200xi32, #tpu.memory_space<hbm>> -> memref<1568xi32, #tpu.memory_space<hbm>>
    tpu.wait_dma2 semaphore(%arg27 : memref<!tpu.dma_semaphore, #tpu.memory_space<semaphore_mem>>) src(%dma_wait3A_372 : memref<1568xi32, #tpu.memory_space<hbm>>) dst(%dma_wait3A_371 : memref<1568xi32, #tpu.memory_space<vmem>>)
    %dma_wait3A_373 = arith.constant 6272 : i32
    %dma_wait3A_374 = tpu.memref_slice %arg24[%dma_wait3A_373] : memref<12544xi32, #tpu.memory_space<vmem>> -> memref<1568xi32, #tpu.memory_space<vmem>>
    %dma_wait3A_375 = tpu.memref_slice %arg15[%min3A_3] : memref<51200xi32, #tpu.memory_space<hbm>> -> memref<1568xi32, #tpu.memory_space<hbm>>
    %dma_wait3A_376 = arith.constant 6272 : i32
    %dma_wait3A_377 = tpu.memref_slice %arg24[%dma_wait3A_376] : memref<12544xi32, #tpu.memory_space<vmem>> -> memref<1568xi32, #tpu.memory_space<vmem>>
    %dma_wait3A_378 = tpu.memref_slice %arg15[%min3A_3] : memref<51200xi32, #tpu.memory_space<hbm>> -> memref<1568xi32, #tpu.memory_space<hbm>>
    tpu.wait_dma2 semaphore(%arg27 : memref<!tpu.dma_semaphore, #tpu.memory_space<semaphore_mem>>) src(%dma_wait3A_378 : memref<1568xi32, #tpu.memory_space<hbm>>) dst(%dma_wait3A_377 : memref<1568xi32, #tpu.memory_space<vmem>>)
    %dma_wait3A_379 = arith.constant 7840 : i32
    %dma_wait3A_380 = tpu.memref_slice %arg24[%dma_wait3A_379] : memref<12544xi32, #tpu.memory_space<vmem>> -> memref<1568xi32, #tpu.memory_space<vmem>>
    %dma_wait3A_381 = tpu.memref_slice %arg16[%min3A_3] : memref<51200xi32, #tpu.memory_space<hbm>> -> memref<1568xi32, #tpu.memory_space<hbm>>
    %dma_wait3A_382 = arith.constant 7840 : i32
    %dma_wait3A_383 = tpu.memref_slice %arg24[%dma_wait3A_382] : memref<12544xi32, #tpu.memory_space<vmem>> -> memref<1568xi32, #tpu.memory_space<vmem>>
    %dma_wait3A_384 = tpu.memref_slice %arg16[%min3A_3] : memref<51200xi32, #tpu.memory_space<hbm>> -> memref<1568xi32, #tpu.memory_space<hbm>>
    tpu.wait_dma2 semaphore(%arg27 : memref<!tpu.dma_semaphore, #tpu.memory_space<semaphore_mem>>) src(%dma_wait3A_384 : memref<1568xi32, #tpu.memory_space<hbm>>) dst(%dma_wait3A_383 : memref<1568xi32, #tpu.memory_space<vmem>>)
    %dma_wait3A_385 = arith.constant 9408 : i32
    %dma_wait3A_386 = tpu.memref_slice %arg24[%dma_wait3A_385] : memref<12544xi32, #tpu.memory_space<vmem>> -> memref<1568xi32, #tpu.memory_space<vmem>>
    %dma_wait3A_387 = tpu.memref_slice %arg17[%min3A_3] : memref<51200xi32, #tpu.memory_space<hbm>> -> memref<1568xi32, #tpu.memory_space<hbm>>
    %dma_wait3A_388 = arith.constant 9408 : i32
    %dma_wait3A_389 = tpu.memref_slice %arg24[%dma_wait3A_388] : memref<12544xi32, #tpu.memory_space<vmem>> -> memref<1568xi32, #tpu.memory_space<vmem>>
    %dma_wait3A_390 = tpu.memref_slice %arg17[%min3A_3] : memref<51200xi32, #tpu.memory_space<hbm>> -> memref<1568xi32, #tpu.memory_space<hbm>>
    tpu.wait_dma2 semaphore(%arg27 : memref<!tpu.dma_semaphore, #tpu.memory_space<semaphore_mem>>) src(%dma_wait3A_390 : memref<1568xi32, #tpu.memory_space<hbm>>) dst(%dma_wait3A_389 : memref<1568xi32, #tpu.memory_space<vmem>>)
    %dma_wait3A_391 = arith.constant 10976 : i32
    %dma_wait3A_392 = tpu.memref_slice %arg24[%dma_wait3A_391] : memref<12544xi32, #tpu.memory_space<vmem>> -> memref<1568xi32, #tpu.memory_space<vmem>>
    %dma_wait3A_393 = tpu.memref_slice %arg18[%min3A_3] : memref<51200xi32, #tpu.memory_space<hbm>> -> memref<1568xi32, #tpu.memory_space<hbm>>
    %dma_wait3A_394 = arith.constant 10976 : i32
    %dma_wait3A_395 = tpu.memref_slice %arg24[%dma_wait3A_394] : memref<12544xi32, #tpu.memory_space<vmem>> -> memref<1568xi32, #tpu.memory_space<vmem>>
    %dma_wait3A_396 = tpu.memref_slice %arg18[%min3A_3] : memref<51200xi32, #tpu.memory_space<hbm>> -> memref<1568xi32, #tpu.memory_space<hbm>>
    tpu.wait_dma2 semaphore(%arg27 : memref<!tpu.dma_semaphore, #tpu.memory_space<semaphore_mem>>) src(%dma_wait3A_396 : memref<1568xi32, #tpu.memory_space<hbm>>) dst(%dma_wait3A_395 : memref<1568xi32, #tpu.memory_space<vmem>>)
    %dma_wait3A_397 = arith.constant 14112 : i32
    %dma_wait3A_398 = tpu.memref_slice %arg25[%dma_wait3A_397] : memref<15680xf32, #tpu.memory_space<vmem>> -> memref<1568xf32, #tpu.memory_space<vmem>>
    %dma_wait3A_399 = tpu.memref_slice %arg20[%min3A_3] : memref<51200xf32, #tpu.memory_space<hbm>> -> memref<1568xf32, #tpu.memory_space<hbm>>
    %dma_wait3A_400 = arith.constant 14112 : i32
    %dma_wait3A_401 = tpu.memref_slice %arg25[%dma_wait3A_400] : memref<15680xf32, #tpu.memory_space<vmem>> -> memref<1568xf32, #tpu.memory_space<vmem>>
    %dma_wait3A_402 = tpu.memref_slice %arg20[%min3A_3] : memref<51200xf32, #tpu.memory_space<hbm>> -> memref<1568xf32, #tpu.memory_space<hbm>>
    tpu.wait_dma2 semaphore(%arg27 : memref<!tpu.dma_semaphore, #tpu.memory_space<semaphore_mem>>) src(%dma_wait3A_402 : memref<1568xf32, #tpu.memory_space<hbm>>) dst(%dma_wait3A_401 : memref<1568xf32, #tpu.memory_space<vmem>>)
    %dma_wait3A_403 = arith.constant 150000 : i32
    %dma_wait3A_404 = tpu.memref_slice %arg2[%dma_wait3A_403] : memref<300000xf32, #tpu.memory_space<hbm>> -> memref<50000xf32, #tpu.memory_space<hbm>>
    %dma_wait3A_405 = arith.constant 150000 : i32
    %dma_wait3A_406 = tpu.memref_slice %arg2[%dma_wait3A_405] : memref<300000xf32, #tpu.memory_space<hbm>> -> memref<50000xf32, #tpu.memory_space<hbm>>
    tpu.wait_dma2 semaphore(%arg26 : memref<!tpu.dma_semaphore, #tpu.memory_space<semaphore_mem>>) src(%dma_wait3A_406 : memref<50000xf32, #tpu.memory_space<hbm>>) dst(%arg23 : memref<50000xf32, #tpu.memory_space<vmem>>)
    %dma_start3A_407 = arith.constant 200000 : i32
    %dma_start3A_408 = tpu.memref_slice %arg2[%dma_start3A_407] : memref<300000xf32, #tpu.memory_space<hbm>> -> memref<50000xf32, #tpu.memory_space<hbm>>
    %dma_start3A_409 = arith.constant 200000 : i32
    %dma_start3A_410 = tpu.memref_slice %arg2[%dma_start3A_409] : memref<300000xf32, #tpu.memory_space<hbm>> -> memref<50000xf32, #tpu.memory_space<hbm>>
    tpu.enqueue_dma source(%dma_start3A_410 : memref<50000xf32, #tpu.memory_space<hbm>>) target(%arg22 : memref<50000xf32, #tpu.memory_space<vmem>>) target_semaphore(%arg26 : memref<!tpu.dma_semaphore, #tpu.memory_space<semaphore_mem>>)
    %scan3A_411 = arith.constant 0 : i32
    %scan3A_412 = arith.constant 0 : i32
    %scan3A_413 = arith.constant 98 : i32
    %scan3A_414 = arith.addi %scan3A_412, %scan3A_413 : i32
    %scan3A_415 = arith.constant 1 : i32
    scf.for %scan3A_581 = %scan3A_412 to %scan3A_414 step %scan3A_415  : i32 {
      %mul3A_582 = arith.constant 16 : i32
      %mul3A_583 = arith.muli %scan3A_581, %mul3A_582 : i32
      %add3A_584 = arith.addi %min3A_3, %mul3A_583 : i32
      %get3A = arith.index_cast %add3A_584 : i32 to index
      %get3A_585 = tpu.vector_load %arg23[%get3A] {strides = array<i32>} : memref<50000xf32, #tpu.memory_space<vmem>>, vector<16xf32>,
      %mul3A_586 = arith.constant 16 : i32
      %mul3A_587 = arith.muli %scan3A_581, %mul3A_586 : i32
      %add3A_588 = arith.constant 0 : i32
      %add3A_589 = arith.addi %add3A_588, %mul3A_587 : i32
      %get3A_590 = arith.index_cast %add3A_589 : i32 to index
      %get3A_591 = tpu.vector_load %arg24[%get3A_590] {strides = array<i32>} : memref<12544xi32, #tpu.memory_space<vmem>>, vector<16xi32>,
      %and3A = arith.constant 65535 : i32
      %and3A_592 = vector.broadcast %and3A : i32 to vector<16xi32>
      %and3A_593 = arith.andi %get3A_591, %and3A_592 : vector<16xi32>
      %shift_right_logical3A = arith.constant 16 : i32
      %shift_right_logical3A_594 = vector.broadcast %shift_right_logical3A : i32 to vector<16xi32>
      %shift_right_logical3A_595 = arith.shrui %get3A_591, %shift_right_logical3A_594 : vector<16xi32>
      %gather3A = tpu.vector_load_idx %arg23[%and3A_593] : memref<50000xf32, #tpu.memory_space<vmem>>[vector<16xi32>], vector<16xf32>,
      %gather3A_596 = tpu.vector_load_idx %arg23[%shift_right_logical3A_595] : memref<50000xf32, #tpu.memory_space<vmem>>[vector<16xi32>], vector<16xf32>,
      %max3A = arith.maximumf %gather3A, %gather3A_596 : vector<16xf32>
      %min3A_597 = arith.minimumf %gather3A, %gather3A_596 : vector<16xf32>
      %mul3A_598 = arith.constant 16 : i32
      %mul3A_599 = arith.muli %scan3A_581, %mul3A_598 : i32
      %add3A_600 = arith.constant 1568 : i32
      %add3A_601 = arith.addi %add3A_600, %mul3A_599 : i32
      %get3A_602 = arith.index_cast %add3A_601 : i32 to index
      %get3A_603 = tpu.vector_load %arg24[%get3A_602] {strides = array<i32>} : memref<12544xi32, #tpu.memory_space<vmem>>, vector<16xi32>,
      %and3A_604 = arith.constant 65535 : i32
      %and3A_605 = vector.broadcast %and3A_604 : i32 to vector<16xi32>
      %and3A_606 = arith.andi %get3A_603, %and3A_605 : vector<16xi32>
      %shift_right_logical3A_607 = arith.constant 16 : i32
      %shift_right_logical3A_608 = vector.broadcast %shift_right_logical3A_607 : i32 to vector<16xi32>
      %shift_right_logical3A_609 = arith.shrui %get3A_603, %shift_right_logical3A_608 : vector<16xi32>
      %gather3A_610 = tpu.vector_load_idx %arg23[%and3A_606] : memref<50000xf32, #tpu.memory_space<vmem>>[vector<16xi32>], vector<16xf32>,
      %gather3A_611 = tpu.vector_load_idx %arg23[%shift_right_logical3A_609] : memref<50000xf32, #tpu.memory_space<vmem>>[vector<16xi32>], vector<16xf32>,
      %max3A_612 = arith.maximumf %gather3A_610, %gather3A_611 : vector<16xf32>
      %min3A_613 = arith.minimumf %gather3A_610, %gather3A_611 : vector<16xf32>
      %max3A_614 = arith.maximumf %max3A, %max3A_612 : vector<16xf32>
      %min3A_615 = arith.minimumf %min3A_597, %min3A_613 : vector<16xf32>
      %mul3A_616 = arith.constant 16 : i32
      %mul3A_617 = arith.muli %scan3A_581, %mul3A_616 : i32
      %add3A_618 = arith.constant 3136 : i32
      %add3A_619 = arith.addi %add3A_618, %mul3A_617 : i32
      %get3A_620 = arith.index_cast %add3A_619 : i32 to index
      %get3A_621 = tpu.vector_load %arg24[%get3A_620] {strides = array<i32>} : memref<12544xi32, #tpu.memory_space<vmem>>, vector<16xi32>,
      %and3A_622 = arith.constant 65535 : i32
      %and3A_623 = vector.broadcast %and3A_622 : i32 to vector<16xi32>
      %and3A_624 = arith.andi %get3A_621, %and3A_623 : vector<16xi32>
      %shift_right_logical3A_625 = arith.constant 16 : i32
      %shift_right_logical3A_626 = vector.broadcast %shift_right_logical3A_625 : i32 to vector<16xi32>
      %shift_right_logical3A_627 = arith.shrui %get3A_621, %shift_right_logical3A_626 : vector<16xi32>
      %gather3A_628 = tpu.vector_load_idx %arg23[%and3A_624] : memref<50000xf32, #tpu.memory_space<vmem>>[vector<16xi32>], vector<16xf32>,
      %gather3A_629 = tpu.vector_load_idx %arg23[%shift_right_logical3A_627] : memref<50000xf32, #tpu.memory_space<vmem>>[vector<16xi32>], vector<16xf32>,
      %max3A_630 = arith.maximumf %gather3A_628, %gather3A_629 : vector<16xf32>
      %min3A_631 = arith.minimumf %gather3A_628, %gather3A_629 : vector<16xf32>
      %max3A_632 = arith.maximumf %max3A_614, %max3A_630 : vector<16xf32>
      %min3A_633 = arith.minimumf %min3A_615, %min3A_631 : vector<16xf32>
      %mul3A_634 = arith.constant 16 : i32
      %mul3A_635 = arith.muli %scan3A_581, %mul3A_634 : i32
      %add3A_636 = arith.constant 4704 : i32
      %add3A_637 = arith.addi %add3A_636, %mul3A_635 : i32
      %get3A_638 = arith.index_cast %add3A_637 : i32 to index
      %get3A_639 = tpu.vector_load %arg24[%get3A_638] {strides = array<i32>} : memref<12544xi32, #tpu.memory_space<vmem>>, vector<16xi32>,
      %and3A_640 = arith.constant 65535 : i32
      %and3A_641 = vector.broadcast %and3A_640 : i32 to vector<16xi32>
      %and3A_642 = arith.andi %get3A_639, %and3A_641 : vector<16xi32>
      %shift_right_logical3A_643 = arith.constant 16 : i32
      %shift_right_logical3A_644 = vector.broadcast %shift_right_logical3A_643 : i32 to vector<16xi32>
      %shift_right_logical3A_645 = arith.shrui %get3A_639, %shift_right_logical3A_644 : vector<16xi32>
      %gather3A_646 = tpu.vector_load_idx %arg23[%and3A_642] : memref<50000xf32, #tpu.memory_space<vmem>>[vector<16xi32>], vector<16xf32>,
      %gather3A_647 = tpu.vector_load_idx %arg23[%shift_right_logical3A_645] : memref<50000xf32, #tpu.memory_space<vmem>>[vector<16xi32>], vector<16xf32>,
      %max3A_648 = arith.maximumf %gather3A_646, %gather3A_647 : vector<16xf32>
      %min3A_649 = arith.minimumf %gather3A_646, %gather3A_647 : vector<16xf32>
      %max3A_650 = arith.maximumf %max3A_632, %max3A_648 : vector<16xf32>
      %min3A_651 = arith.minimumf %min3A_633, %min3A_649 : vector<16xf32>
      %mul3A_652 = arith.constant 16 : i32
      %mul3A_653 = arith.muli %scan3A_581, %mul3A_652 : i32
      %add3A_654 = arith.constant 6272 : i32
      %add3A_655 = arith.addi %add3A_654, %mul3A_653 : i32
      %get3A_656 = arith.index_cast %add3A_655 : i32 to index
      %get3A_657 = tpu.vector_load %arg24[%get3A_656] {strides = array<i32>} : memref<12544xi32, #tpu.memory_space<vmem>>, vector<16xi32>,
      %and3A_658 = arith.constant 65535 : i32
      %and3A_659 = vector.broadcast %and3A_658 : i32 to vector<16xi32>
      %and3A_660 = arith.andi %get3A_657, %and3A_659 : vector<16xi32>
      %shift_right_logical3A_661 = arith.constant 16 : i32
      %shift_right_logical3A_662 = vector.broadcast %shift_right_logical3A_661 : i32 to vector<16xi32>
      %shift_right_logical3A_663 = arith.shrui %get3A_657, %shift_right_logical3A_662 : vector<16xi32>
      %gather3A_664 = tpu.vector_load_idx %arg23[%and3A_660] : memref<50000xf32, #tpu.memory_space<vmem>>[vector<16xi32>], vector<16xf32>,
      %gather3A_665 = tpu.vector_load_idx %arg23[%shift_right_logical3A_663] : memref<50000xf32, #tpu.memory_space<vmem>>[vector<16xi32>], vector<16xf32>,
      %max3A_666 = arith.maximumf %gather3A_664, %gather3A_665 : vector<16xf32>
      %min3A_667 = arith.minimumf %gather3A_664, %gather3A_665 : vector<16xf32>
      %max3A_668 = arith.maximumf %max3A_650, %max3A_666 : vector<16xf32>
      %min3A_669 = arith.minimumf %min3A_651, %min3A_667 : vector<16xf32>
      %mul3A_670 = arith.constant 16 : i32
      %mul3A_671 = arith.muli %scan3A_581, %mul3A_670 : i32
      %add3A_672 = arith.constant 7840 : i32
      %add3A_673 = arith.addi %add3A_672, %mul3A_671 : i32
      %get3A_674 = arith.index_cast %add3A_673 : i32 to index
      %get3A_675 = tpu.vector_load %arg24[%get3A_674] {strides = array<i32>} : memref<12544xi32, #tpu.memory_space<vmem>>, vector<16xi32>,
      %and3A_676 = arith.constant 65535 : i32
      %and3A_677 = vector.broadcast %and3A_676 : i32 to vector<16xi32>
      %and3A_678 = arith.andi %get3A_675, %and3A_677 : vector<16xi32>
      %shift_right_logical3A_679 = arith.constant 16 : i32
      %shift_right_logical3A_680 = vector.broadcast %shift_right_logical3A_679 : i32 to vector<16xi32>
      %shift_right_logical3A_681 = arith.shrui %get3A_675, %shift_right_logical3A_680 : vector<16xi32>
      %gather3A_682 = tpu.vector_load_idx %arg23[%and3A_678] : memref<50000xf32, #tpu.memory_space<vmem>>[vector<16xi32>], vector<16xf32>,
      %gather3A_683 = tpu.vector_load_idx %arg23[%shift_right_logical3A_681] : memref<50000xf32, #tpu.memory_space<vmem>>[vector<16xi32>], vector<16xf32>,
      %max3A_684 = arith.maximumf %gather3A_682, %gather3A_683 : vector<16xf32>
      %min3A_685 = arith.minimumf %gather3A_682, %gather3A_683 : vector<16xf32>
      %max3A_686 = arith.maximumf %max3A_668, %max3A_684 : vector<16xf32>
      %min3A_687 = arith.minimumf %min3A_669, %min3A_685 : vector<16xf32>
      %mul3A_688 = arith.constant 16 : i32
      %mul3A_689 = arith.muli %scan3A_581, %mul3A_688 : i32
      %add3A_690 = arith.constant 9408 : i32
      %add3A_691 = arith.addi %add3A_690, %mul3A_689 : i32
      %get3A_692 = arith.index_cast %add3A_691 : i32 to index
      %get3A_693 = tpu.vector_load %arg24[%get3A_692] {strides = array<i32>} : memref<12544xi32, #tpu.memory_space<vmem>>, vector<16xi32>,
      %and3A_694 = arith.constant 65535 : i32
      %and3A_695 = vector.broadcast %and3A_694 : i32 to vector<16xi32>
      %and3A_696 = arith.andi %get3A_693, %and3A_695 : vector<16xi32>
      %shift_right_logical3A_697 = arith.constant 16 : i32
      %shift_right_logical3A_698 = vector.broadcast %shift_right_logical3A_697 : i32 to vector<16xi32>
      %shift_right_logical3A_699 = arith.shrui %get3A_693, %shift_right_logical3A_698 : vector<16xi32>
      %gather3A_700 = tpu.vector_load_idx %arg23[%and3A_696] : memref<50000xf32, #tpu.memory_space<vmem>>[vector<16xi32>], vector<16xf32>,
      %gather3A_701 = tpu.vector_load_idx %arg23[%shift_right_logical3A_699] : memref<50000xf32, #tpu.memory_space<vmem>>[vector<16xi32>], vector<16xf32>,
      %max3A_702 = arith.maximumf %gather3A_700, %gather3A_701 : vector<16xf32>
      %min3A_703 = arith.minimumf %gather3A_700, %gather3A_701 : vector<16xf32>
      %max3A_704 = arith.maximumf %max3A_686, %max3A_702 : vector<16xf32>
      %min3A_705 = arith.minimumf %min3A_687, %min3A_703 : vector<16xf32>
      %mul3A_706 = arith.constant 16 : i32
      %mul3A_707 = arith.muli %scan3A_581, %mul3A_706 : i32
      %add3A_708 = arith.constant 10976 : i32
      %add3A_709 = arith.addi %add3A_708, %mul3A_707 : i32
      %get3A_710 = arith.index_cast %add3A_709 : i32 to index
      %get3A_711 = tpu.vector_load %arg24[%get3A_710] {strides = array<i32>} : memref<12544xi32, #tpu.memory_space<vmem>>, vector<16xi32>,
      %and3A_712 = arith.constant 65535 : i32
      %and3A_713 = vector.broadcast %and3A_712 : i32 to vector<16xi32>
      %and3A_714 = arith.andi %get3A_711, %and3A_713 : vector<16xi32>
      %shift_right_logical3A_715 = arith.constant 16 : i32
      %shift_right_logical3A_716 = vector.broadcast %shift_right_logical3A_715 : i32 to vector<16xi32>
      %shift_right_logical3A_717 = arith.shrui %get3A_711, %shift_right_logical3A_716 : vector<16xi32>
      %gather3A_718 = tpu.vector_load_idx %arg23[%and3A_714] : memref<50000xf32, #tpu.memory_space<vmem>>[vector<16xi32>], vector<16xf32>,
      %gather3A_719 = tpu.vector_load_idx %arg23[%shift_right_logical3A_717] : memref<50000xf32, #tpu.memory_space<vmem>>[vector<16xi32>], vector<16xf32>,
      %max3A_720 = arith.maximumf %gather3A_718, %gather3A_719 : vector<16xf32>
      %min3A_721 = arith.minimumf %gather3A_718, %gather3A_719 : vector<16xf32>
      %max3A_722 = arith.maximumf %max3A_704, %max3A_720 : vector<16xf32>
      %min3A_723 = arith.minimumf %min3A_705, %min3A_721 : vector<16xf32>
      %mul3A_724 = arith.constant 16 : i32
      %mul3A_725 = arith.muli %scan3A_581, %mul3A_724 : i32
      %add3A_726 = arith.constant 0 : i32
      %add3A_727 = arith.addi %add3A_726, %mul3A_725 : i32
      %swap3A = arith.index_cast %add3A_727 : i32 to index
      %swap3A_728 = tpu.vector_load %arg25[%swap3A] {strides = array<i32>} : memref<15680xf32, #tpu.memory_space<vmem>>, vector<16xf32>,
      tpu.vector_store %arg25[%swap3A], %get3A_585 {strides = array<i32>} : memref<15680xf32, #tpu.memory_space<vmem>>, vector<16xf32>,
      %mul3A_729 = arith.constant 16 : i32
      %mul3A_730 = arith.muli %scan3A_581, %mul3A_729 : i32
      %add3A_731 = arith.constant 4704 : i32
      %add3A_732 = arith.addi %add3A_731, %mul3A_730 : i32
      %swap3A_733 = arith.index_cast %add3A_732 : i32 to index
      %swap3A_734 = tpu.vector_load %arg25[%swap3A_733] {strides = array<i32>} : memref<15680xf32, #tpu.memory_space<vmem>>, vector<16xf32>,
      tpu.vector_store %arg25[%swap3A_733], %max3A_722 {strides = array<i32>} : memref<15680xf32, #tpu.memory_space<vmem>>, vector<16xf32>,
      %sub3A = arith.subf %get3A_585, %min3A_723 : vector<16xf32>
      %mul3A_735 = arith.constant 16 : i32
      %mul3A_736 = arith.muli %scan3A_581, %mul3A_735 : i32
      %add3A_737 = arith.constant 9408 : i32
      %add3A_738 = arith.addi %add3A_737, %mul3A_736 : i32
      %swap3A_739 = arith.index_cast %add3A_738 : i32 to index
      %swap3A_740 = tpu.vector_load %arg25[%swap3A_739] {strides = array<i32>} : memref<15680xf32, #tpu.memory_space<vmem>>, vector<16xf32>,
      tpu.vector_store %arg25[%swap3A_739], %sub3A {strides = array<i32>} : memref<15680xf32, #tpu.memory_space<vmem>>, vector<16xf32>,
    }
    %scan3A_416 = arith.constant 98 : i32
    %dma_wait3A_417 = arith.constant 200000 : i32
    %dma_wait3A_418 = tpu.memref_slice %arg2[%dma_wait3A_417] : memref<300000xf32, #tpu.memory_space<hbm>> -> memref<50000xf32, #tpu.memory_space<hbm>>
    %dma_wait3A_419 = arith.constant 200000 : i32
    %dma_wait3A_420 = tpu.memref_slice %arg2[%dma_wait3A_419] : memref<300000xf32, #tpu.memory_space<hbm>> -> memref<50000xf32, #tpu.memory_space<hbm>>
    tpu.wait_dma2 semaphore(%arg26 : memref<!tpu.dma_semaphore, #tpu.memory_space<semaphore_mem>>) src(%dma_wait3A_420 : memref<50000xf32, #tpu.memory_space<hbm>>) dst(%arg22 : memref<50000xf32, #tpu.memory_space<vmem>>)
    %dma_start3A_421 = arith.constant 250000 : i32
    %dma_start3A_422 = tpu.memref_slice %arg2[%dma_start3A_421] : memref<300000xf32, #tpu.memory_space<hbm>> -> memref<50000xf32, #tpu.memory_space<hbm>>
    %dma_start3A_423 = arith.constant 250000 : i32
    %dma_start3A_424 = tpu.memref_slice %arg2[%dma_start3A_423] : memref<300000xf32, #tpu.memory_space<hbm>> -> memref<50000xf32, #tpu.memory_space<hbm>>
    tpu.enqueue_dma source(%dma_start3A_424 : memref<50000xf32, #tpu.memory_space<hbm>>) target(%arg23 : memref<50000xf32, #tpu.memory_space<vmem>>) target_semaphore(%arg26 : memref<!tpu.dma_semaphore, #tpu.memory_space<semaphore_mem>>)
    %scan3A_425 = arith.constant 0 : i32
    %scan3A_426 = arith.constant 0 : i32
    %scan3A_427 = arith.constant 98 : i32
    %scan3A_428 = arith.addi %scan3A_426, %scan3A_427 : i32
    %scan3A_429 = arith.constant 1 : i32
    scf.for %scan3A_581 = %scan3A_426 to %scan3A_428 step %scan3A_429  : i32 {
      %mul3A_582 = arith.constant 16 : i32
      %mul3A_583 = arith.muli %scan3A_581, %mul3A_582 : i32
      %add3A_584 = arith.addi %min3A_3, %mul3A_583 : i32
      %get3A = arith.index_cast %add3A_584 : i32 to index
      %get3A_585 = tpu.vector_load %arg22[%get3A] {strides = array<i32>} : memref<50000xf32, #tpu.memory_space<vmem>>, vector<16xf32>,
      %mul3A_586 = arith.constant 16 : i32
      %mul3A_587 = arith.muli %scan3A_581, %mul3A_586 : i32
      %add3A_588 = arith.constant 0 : i32
      %add3A_589 = arith.addi %add3A_588, %mul3A_587 : i32
      %get3A_590 = arith.index_cast %add3A_589 : i32 to index
      %get3A_591 = tpu.vector_load %arg24[%get3A_590] {strides = array<i32>} : memref<12544xi32, #tpu.memory_space<vmem>>, vector<16xi32>,
      %and3A = arith.constant 65535 : i32
      %and3A_592 = vector.broadcast %and3A : i32 to vector<16xi32>
      %and3A_593 = arith.andi %get3A_591, %and3A_592 : vector<16xi32>
      %shift_right_logical3A = arith.constant 16 : i32
      %shift_right_logical3A_594 = vector.broadcast %shift_right_logical3A : i32 to vector<16xi32>
      %shift_right_logical3A_595 = arith.shrui %get3A_591, %shift_right_logical3A_594 : vector<16xi32>
      %gather3A = tpu.vector_load_idx %arg22[%and3A_593] : memref<50000xf32, #tpu.memory_space<vmem>>[vector<16xi32>], vector<16xf32>,
      %gather3A_596 = tpu.vector_load_idx %arg22[%shift_right_logical3A_595] : memref<50000xf32, #tpu.memory_space<vmem>>[vector<16xi32>], vector<16xf32>,
      %max3A = arith.maximumf %gather3A, %gather3A_596 : vector<16xf32>
      %min3A_597 = arith.minimumf %gather3A, %gather3A_596 : vector<16xf32>
      %mul3A_598 = arith.constant 16 : i32
      %mul3A_599 = arith.muli %scan3A_581, %mul3A_598 : i32
      %add3A_600 = arith.constant 1568 : i32
      %add3A_601 = arith.addi %add3A_600, %mul3A_599 : i32
      %get3A_602 = arith.index_cast %add3A_601 : i32 to index
      %get3A_603 = tpu.vector_load %arg24[%get3A_602] {strides = array<i32>} : memref<12544xi32, #tpu.memory_space<vmem>>, vector<16xi32>,
      %and3A_604 = arith.constant 65535 : i32
      %and3A_605 = vector.broadcast %and3A_604 : i32 to vector<16xi32>
      %and3A_606 = arith.andi %get3A_603, %and3A_605 : vector<16xi32>
      %shift_right_logical3A_607 = arith.constant 16 : i32
      %shift_right_logical3A_608 = vector.broadcast %shift_right_logical3A_607 : i32 to vector<16xi32>
      %shift_right_logical3A_609 = arith.shrui %get3A_603, %shift_right_logical3A_608 : vector<16xi32>
      %gather3A_610 = tpu.vector_load_idx %arg22[%and3A_606] : memref<50000xf32, #tpu.memory_space<vmem>>[vector<16xi32>], vector<16xf32>,
      %gather3A_611 = tpu.vector_load_idx %arg22[%shift_right_logical3A_609] : memref<50000xf32, #tpu.memory_space<vmem>>[vector<16xi32>], vector<16xf32>,
      %max3A_612 = arith.maximumf %gather3A_610, %gather3A_611 : vector<16xf32>
      %min3A_613 = arith.minimumf %gather3A_610, %gather3A_611 : vector<16xf32>
      %max3A_614 = arith.maximumf %max3A, %max3A_612 : vector<16xf32>
      %min3A_615 = arith.minimumf %min3A_597, %min3A_613 : vector<16xf32>
      %mul3A_616 = arith.constant 16 : i32
      %mul3A_617 = arith.muli %scan3A_581, %mul3A_616 : i32
      %add3A_618 = arith.constant 3136 : i32
      %add3A_619 = arith.addi %add3A_618, %mul3A_617 : i32
      %get3A_620 = arith.index_cast %add3A_619 : i32 to index
      %get3A_621 = tpu.vector_load %arg24[%get3A_620] {strides = array<i32>} : memref<12544xi32, #tpu.memory_space<vmem>>, vector<16xi32>,
      %and3A_622 = arith.constant 65535 : i32
      %and3A_623 = vector.broadcast %and3A_622 : i32 to vector<16xi32>
      %and3A_624 = arith.andi %get3A_621, %and3A_623 : vector<16xi32>
      %shift_right_logical3A_625 = arith.constant 16 : i32
      %shift_right_logical3A_626 = vector.broadcast %shift_right_logical3A_625 : i32 to vector<16xi32>
      %shift_right_logical3A_627 = arith.shrui %get3A_621, %shift_right_logical3A_626 : vector<16xi32>
      %gather3A_628 = tpu.vector_load_idx %arg22[%and3A_624] : memref<50000xf32, #tpu.memory_space<vmem>>[vector<16xi32>], vector<16xf32>,
      %gather3A_629 = tpu.vector_load_idx %arg22[%shift_right_logical3A_627] : memref<50000xf32, #tpu.memory_space<vmem>>[vector<16xi32>], vector<16xf32>,
      %max3A_630 = arith.maximumf %gather3A_628, %gather3A_629 : vector<16xf32>
      %min3A_631 = arith.minimumf %gather3A_628, %gather3A_629 : vector<16xf32>
      %max3A_632 = arith.maximumf %max3A_614, %max3A_630 : vector<16xf32>
      %min3A_633 = arith.minimumf %min3A_615, %min3A_631 : vector<16xf32>
      %mul3A_634 = arith.constant 16 : i32
      %mul3A_635 = arith.muli %scan3A_581, %mul3A_634 : i32
      %add3A_636 = arith.constant 4704 : i32
      %add3A_637 = arith.addi %add3A_636, %mul3A_635 : i32
      %get3A_638 = arith.index_cast %add3A_637 : i32 to index
      %get3A_639 = tpu.vector_load %arg24[%get3A_638] {strides = array<i32>} : memref<12544xi32, #tpu.memory_space<vmem>>, vector<16xi32>,
      %and3A_640 = arith.constant 65535 : i32
      %and3A_641 = vector.broadcast %and3A_640 : i32 to vector<16xi32>
      %and3A_642 = arith.andi %get3A_639, %and3A_641 : vector<16xi32>
      %shift_right_logical3A_643 = arith.constant 16 : i32
      %shift_right_logical3A_644 = vector.broadcast %shift_right_logical3A_643 : i32 to vector<16xi32>
      %shift_right_logical3A_645 = arith.shrui %get3A_639, %shift_right_logical3A_644 : vector<16xi32>
      %gather3A_646 = tpu.vector_load_idx %arg22[%and3A_642] : memref<50000xf32, #tpu.memory_space<vmem>>[vector<16xi32>], vector<16xf32>,
      %gather3A_647 = tpu.vector_load_idx %arg22[%shift_right_logical3A_645] : memref<50000xf32, #tpu.memory_space<vmem>>[vector<16xi32>], vector<16xf32>,
      %max3A_648 = arith.maximumf %gather3A_646, %gather3A_647 : vector<16xf32>
      %min3A_649 = arith.minimumf %gather3A_646, %gather3A_647 : vector<16xf32>
      %max3A_650 = arith.maximumf %max3A_632, %max3A_648 : vector<16xf32>
      %min3A_651 = arith.minimumf %min3A_633, %min3A_649 : vector<16xf32>
      %mul3A_652 = arith.constant 16 : i32
      %mul3A_653 = arith.muli %scan3A_581, %mul3A_652 : i32
      %add3A_654 = arith.constant 6272 : i32
      %add3A_655 = arith.addi %add3A_654, %mul3A_653 : i32
      %get3A_656 = arith.index_cast %add3A_655 : i32 to index
      %get3A_657 = tpu.vector_load %arg24[%get3A_656] {strides = array<i32>} : memref<12544xi32, #tpu.memory_space<vmem>>, vector<16xi32>,
      %and3A_658 = arith.constant 65535 : i32
      %and3A_659 = vector.broadcast %and3A_658 : i32 to vector<16xi32>
      %and3A_660 = arith.andi %get3A_657, %and3A_659 : vector<16xi32>
      %shift_right_logical3A_661 = arith.constant 16 : i32
      %shift_right_logical3A_662 = vector.broadcast %shift_right_logical3A_661 : i32 to vector<16xi32>
      %shift_right_logical3A_663 = arith.shrui %get3A_657, %shift_right_logical3A_662 : vector<16xi32>
      %gather3A_664 = tpu.vector_load_idx %arg22[%and3A_660] : memref<50000xf32, #tpu.memory_space<vmem>>[vector<16xi32>], vector<16xf32>,
      %gather3A_665 = tpu.vector_load_idx %arg22[%shift_right_logical3A_663] : memref<50000xf32, #tpu.memory_space<vmem>>[vector<16xi32>], vector<16xf32>,
      %max3A_666 = arith.maximumf %gather3A_664, %gather3A_665 : vector<16xf32>
      %min3A_667 = arith.minimumf %gather3A_664, %gather3A_665 : vector<16xf32>
      %max3A_668 = arith.maximumf %max3A_650, %max3A_666 : vector<16xf32>
      %min3A_669 = arith.minimumf %min3A_651, %min3A_667 : vector<16xf32>
      %mul3A_670 = arith.constant 16 : i32
      %mul3A_671 = arith.muli %scan3A_581, %mul3A_670 : i32
      %add3A_672 = arith.constant 7840 : i32
      %add3A_673 = arith.addi %add3A_672, %mul3A_671 : i32
      %get3A_674 = arith.index_cast %add3A_673 : i32 to index
      %get3A_675 = tpu.vector_load %arg24[%get3A_674] {strides = array<i32>} : memref<12544xi32, #tpu.memory_space<vmem>>, vector<16xi32>,
      %and3A_676 = arith.constant 65535 : i32
      %and3A_677 = vector.broadcast %and3A_676 : i32 to vector<16xi32>
      %and3A_678 = arith.andi %get3A_675, %and3A_677 : vector<16xi32>
      %shift_right_logical3A_679 = arith.constant 16 : i32
      %shift_right_logical3A_680 = vector.broadcast %shift_right_logical3A_679 : i32 to vector<16xi32>
      %shift_right_logical3A_681 = arith.shrui %get3A_675, %shift_right_logical3A_680 : vector<16xi32>
      %gather3A_682 = tpu.vector_load_idx %arg22[%and3A_678] : memref<50000xf32, #tpu.memory_space<vmem>>[vector<16xi32>], vector<16xf32>,
      %gather3A_683 = tpu.vector_load_idx %arg22[%shift_right_logical3A_681] : memref<50000xf32, #tpu.memory_space<vmem>>[vector<16xi32>], vector<16xf32>,
      %max3A_684 = arith.maximumf %gather3A_682, %gather3A_683 : vector<16xf32>
      %min3A_685 = arith.minimumf %gather3A_682, %gather3A_683 : vector<16xf32>
      %max3A_686 = arith.maximumf %max3A_668, %max3A_684 : vector<16xf32>
      %min3A_687 = arith.minimumf %min3A_669, %min3A_685 : vector<16xf32>
      %mul3A_688 = arith.constant 16 : i32
      %mul3A_689 = arith.muli %scan3A_581, %mul3A_688 : i32
      %add3A_690 = arith.constant 9408 : i32
      %add3A_691 = arith.addi %add3A_690, %mul3A_689 : i32
      %get3A_692 = arith.index_cast %add3A_691 : i32 to index
      %get3A_693 = tpu.vector_load %arg24[%get3A_692] {strides = array<i32>} : memref<12544xi32, #tpu.memory_space<vmem>>, vector<16xi32>,
      %and3A_694 = arith.constant 65535 : i32
      %and3A_695 = vector.broadcast %and3A_694 : i32 to vector<16xi32>
      %and3A_696 = arith.andi %get3A_693, %and3A_695 : vector<16xi32>
      %shift_right_logical3A_697 = arith.constant 16 : i32
      %shift_right_logical3A_698 = vector.broadcast %shift_right_logical3A_697 : i32 to vector<16xi32>
      %shift_right_logical3A_699 = arith.shrui %get3A_693, %shift_right_logical3A_698 : vector<16xi32>
      %gather3A_700 = tpu.vector_load_idx %arg22[%and3A_696] : memref<50000xf32, #tpu.memory_space<vmem>>[vector<16xi32>], vector<16xf32>,
      %gather3A_701 = tpu.vector_load_idx %arg22[%shift_right_logical3A_699] : memref<50000xf32, #tpu.memory_space<vmem>>[vector<16xi32>], vector<16xf32>,
      %max3A_702 = arith.maximumf %gather3A_700, %gather3A_701 : vector<16xf32>
      %min3A_703 = arith.minimumf %gather3A_700, %gather3A_701 : vector<16xf32>
      %max3A_704 = arith.maximumf %max3A_686, %max3A_702 : vector<16xf32>
      %min3A_705 = arith.minimumf %min3A_687, %min3A_703 : vector<16xf32>
      %mul3A_706 = arith.constant 16 : i32
      %mul3A_707 = arith.muli %scan3A_581, %mul3A_706 : i32
      %add3A_708 = arith.constant 10976 : i32
      %add3A_709 = arith.addi %add3A_708, %mul3A_707 : i32
      %get3A_710 = arith.index_cast %add3A_709 : i32 to index
      %get3A_711 = tpu.vector_load %arg24[%get3A_710] {strides = array<i32>} : memref<12544xi32, #tpu.memory_space<vmem>>, vector<16xi32>,
      %and3A_712 = arith.constant 65535 : i32
      %and3A_713 = vector.broadcast %and3A_712 : i32 to vector<16xi32>
      %and3A_714 = arith.andi %get3A_711, %and3A_713 : vector<16xi32>
      %shift_right_logical3A_715 = arith.constant 16 : i32
      %shift_right_logical3A_716 = vector.broadcast %shift_right_logical3A_715 : i32 to vector<16xi32>
      %shift_right_logical3A_717 = arith.shrui %get3A_711, %shift_right_logical3A_716 : vector<16xi32>
      %gather3A_718 = tpu.vector_load_idx %arg22[%and3A_714] : memref<50000xf32, #tpu.memory_space<vmem>>[vector<16xi32>], vector<16xf32>,
      %gather3A_719 = tpu.vector_load_idx %arg22[%shift_right_logical3A_717] : memref<50000xf32, #tpu.memory_space<vmem>>[vector<16xi32>], vector<16xf32>,
      %max3A_720 = arith.maximumf %gather3A_718, %gather3A_719 : vector<16xf32>
      %min3A_721 = arith.minimumf %gather3A_718, %gather3A_719 : vector<16xf32>
      %max3A_722 = arith.maximumf %max3A_704, %max3A_720 : vector<16xf32>
      %min3A_723 = arith.minimumf %min3A_705, %min3A_721 : vector<16xf32>
      %mul3A_724 = arith.constant 16 : i32
      %mul3A_725 = arith.muli %scan3A_581, %mul3A_724 : i32
      %add3A_726 = arith.constant 1568 : i32
      %add3A_727 = arith.addi %add3A_726, %mul3A_725 : i32
      %swap3A = arith.index_cast %add3A_727 : i32 to index
      %swap3A_728 = tpu.vector_load %arg25[%swap3A] {strides = array<i32>} : memref<15680xf32, #tpu.memory_space<vmem>>, vector<16xf32>,
      tpu.vector_store %arg25[%swap3A], %get3A_585 {strides = array<i32>} : memref<15680xf32, #tpu.memory_space<vmem>>, vector<16xf32>,
      %mul3A_729 = arith.constant 16 : i32
      %mul3A_730 = arith.muli %scan3A_581, %mul3A_729 : i32
      %add3A_731 = arith.constant 6272 : i32
      %add3A_732 = arith.addi %add3A_731, %mul3A_730 : i32
      %swap3A_733 = arith.index_cast %add3A_732 : i32 to index
      %swap3A_734 = tpu.vector_load %arg25[%swap3A_733] {strides = array<i32>} : memref<15680xf32, #tpu.memory_space<vmem>>, vector<16xf32>,
      tpu.vector_store %arg25[%swap3A_733], %max3A_722 {strides = array<i32>} : memref<15680xf32, #tpu.memory_space<vmem>>, vector<16xf32>,
      %sub3A = arith.subf %get3A_585, %min3A_723 : vector<16xf32>
      %mul3A_735 = arith.constant 16 : i32
      %mul3A_736 = arith.muli %scan3A_581, %mul3A_735 : i32
      %add3A_737 = arith.constant 10976 : i32
      %add3A_738 = arith.addi %add3A_737, %mul3A_736 : i32
      %swap3A_739 = arith.index_cast %add3A_738 : i32 to index
      %swap3A_740 = tpu.vector_load %arg25[%swap3A_739] {strides = array<i32>} : memref<15680xf32, #tpu.memory_space<vmem>>, vector<16xf32>,
      tpu.vector_store %arg25[%swap3A_739], %sub3A {strides = array<i32>} : memref<15680xf32, #tpu.memory_space<vmem>>, vector<16xf32>,
    }
    %scan3A_430 = arith.constant 98 : i32
    %dma_wait3A_431 = arith.constant 250000 : i32
    %dma_wait3A_432 = tpu.memref_slice %arg2[%dma_wait3A_431] : memref<300000xf32, #tpu.memory_space<hbm>> -> memref<50000xf32, #tpu.memory_space<hbm>>
    %dma_wait3A_433 = arith.constant 250000 : i32
    %dma_wait3A_434 = tpu.memref_slice %arg2[%dma_wait3A_433] : memref<300000xf32, #tpu.memory_space<hbm>> -> memref<50000xf32, #tpu.memory_space<hbm>>
    tpu.wait_dma2 semaphore(%arg26 : memref<!tpu.dma_semaphore, #tpu.memory_space<semaphore_mem>>) src(%dma_wait3A_434 : memref<50000xf32, #tpu.memory_space<hbm>>) dst(%arg23 : memref<50000xf32, #tpu.memory_space<vmem>>)
    %scan3A_435 = arith.constant 0 : i32
    %scan3A_436 = arith.constant 0 : i32
    %scan3A_437 = arith.constant 98 : i32
    %scan3A_438 = arith.addi %scan3A_436, %scan3A_437 : i32
    %scan3A_439 = arith.constant 1 : i32
    scf.for %scan3A_581 = %scan3A_436 to %scan3A_438 step %scan3A_439  : i32 {
      %mul3A_582 = arith.constant 16 : i32
      %mul3A_583 = arith.muli %scan3A_581, %mul3A_582 : i32
      %add3A_584 = arith.addi %min3A_3, %mul3A_583 : i32
      %get3A = arith.index_cast %add3A_584 : i32 to index
      %get3A_585 = tpu.vector_load %arg23[%get3A] {strides = array<i32>} : memref<50000xf32, #tpu.memory_space<vmem>>, vector<16xf32>,
      %mul3A_586 = arith.constant 16 : i32
      %mul3A_587 = arith.muli %scan3A_581, %mul3A_586 : i32
      %add3A_588 = arith.constant 0 : i32
      %add3A_589 = arith.addi %add3A_588, %mul3A_587 : i32
      %get3A_590 = arith.index_cast %add3A_589 : i32 to index
      %get3A_591 = tpu.vector_load %arg24[%get3A_590] {strides = array<i32>} : memref<12544xi32, #tpu.memory_space<vmem>>, vector<16xi32>,
      %and3A = arith.constant 65535 : i32
      %and3A_592 = vector.broadcast %and3A : i32 to vector<16xi32>
      %and3A_593 = arith.andi %get3A_591, %and3A_592 : vector<16xi32>
      %shift_right_logical3A = arith.constant 16 : i32
      %shift_right_logical3A_594 = vector.broadcast %shift_right_logical3A : i32 to vector<16xi32>
      %shift_right_logical3A_595 = arith.shrui %get3A_591, %shift_right_logical3A_594 : vector<16xi32>
      %gather3A = tpu.vector_load_idx %arg23[%and3A_593] : memref<50000xf32, #tpu.memory_space<vmem>>[vector<16xi32>], vector<16xf32>,
      %gather3A_596 = tpu.vector_load_idx %arg23[%shift_right_logical3A_595] : memref<50000xf32, #tpu.memory_space<vmem>>[vector<16xi32>], vector<16xf32>,
      %max3A = arith.maximumf %gather3A, %gather3A_596 : vector<16xf32>
      %min3A_597 = arith.minimumf %gather3A, %gather3A_596 : vector<16xf32>
      %mul3A_598 = arith.constant 16 : i32
      %mul3A_599 = arith.muli %scan3A_581, %mul3A_598 : i32
      %add3A_600 = arith.constant 1568 : i32
      %add3A_601 = arith.addi %add3A_600, %mul3A_599 : i32
      %get3A_602 = arith.index_cast %add3A_601 : i32 to index
      %get3A_603 = tpu.vector_load %arg24[%get3A_602] {strides = array<i32>} : memref<12544xi32, #tpu.memory_space<vmem>>, vector<16xi32>,
      %and3A_604 = arith.constant 65535 : i32
      %and3A_605 = vector.broadcast %and3A_604 : i32 to vector<16xi32>
      %and3A_606 = arith.andi %get3A_603, %and3A_605 : vector<16xi32>
      %shift_right_logical3A_607 = arith.constant 16 : i32
      %shift_right_logical3A_608 = vector.broadcast %shift_right_logical3A_607 : i32 to vector<16xi32>
      %shift_right_logical3A_609 = arith.shrui %get3A_603, %shift_right_logical3A_608 : vector<16xi32>
      %gather3A_610 = tpu.vector_load_idx %arg23[%and3A_606] : memref<50000xf32, #tpu.memory_space<vmem>>[vector<16xi32>], vector<16xf32>,
      %gather3A_611 = tpu.vector_load_idx %arg23[%shift_right_logical3A_609] : memref<50000xf32, #tpu.memory_space<vmem>>[vector<16xi32>], vector<16xf32>,
      %max3A_612 = arith.maximumf %gather3A_610, %gather3A_611 : vector<16xf32>
      %min3A_613 = arith.minimumf %gather3A_610, %gather3A_611 : vector<16xf32>
      %max3A_614 = arith.maximumf %max3A, %max3A_612 : vector<16xf32>
      %min3A_615 = arith.minimumf %min3A_597, %min3A_613 : vector<16xf32>
      %mul3A_616 = arith.constant 16 : i32
      %mul3A_617 = arith.muli %scan3A_581, %mul3A_616 : i32
      %add3A_618 = arith.constant 3136 : i32
      %add3A_619 = arith.addi %add3A_618, %mul3A_617 : i32
      %get3A_620 = arith.index_cast %add3A_619 : i32 to index
      %get3A_621 = tpu.vector_load %arg24[%get3A_620] {strides = array<i32>} : memref<12544xi32, #tpu.memory_space<vmem>>, vector<16xi32>,
      %and3A_622 = arith.constant 65535 : i32
      %and3A_623 = vector.broadcast %and3A_622 : i32 to vector<16xi32>
      %and3A_624 = arith.andi %get3A_621, %and3A_623 : vector<16xi32>
      %shift_right_logical3A_625 = arith.constant 16 : i32
      %shift_right_logical3A_626 = vector.broadcast %shift_right_logical3A_625 : i32 to vector<16xi32>
      %shift_right_logical3A_627 = arith.shrui %get3A_621, %shift_right_logical3A_626 : vector<16xi32>
      %gather3A_628 = tpu.vector_load_idx %arg23[%and3A_624] : memref<50000xf32, #tpu.memory_space<vmem>>[vector<16xi32>], vector<16xf32>,
      %gather3A_629 = tpu.vector_load_idx %arg23[%shift_right_logical3A_627] : memref<50000xf32, #tpu.memory_space<vmem>>[vector<16xi32>], vector<16xf32>,
      %max3A_630 = arith.maximumf %gather3A_628, %gather3A_629 : vector<16xf32>
      %min3A_631 = arith.minimumf %gather3A_628, %gather3A_629 : vector<16xf32>
      %max3A_632 = arith.maximumf %max3A_614, %max3A_630 : vector<16xf32>
      %min3A_633 = arith.minimumf %min3A_615, %min3A_631 : vector<16xf32>
      %mul3A_634 = arith.constant 16 : i32
      %mul3A_635 = arith.muli %scan3A_581, %mul3A_634 : i32
      %add3A_636 = arith.constant 4704 : i32
      %add3A_637 = arith.addi %add3A_636, %mul3A_635 : i32
      %get3A_638 = arith.index_cast %add3A_637 : i32 to index
      %get3A_639 = tpu.vector_load %arg24[%get3A_638] {strides = array<i32>} : memref<12544xi32, #tpu.memory_space<vmem>>, vector<16xi32>,
      %and3A_640 = arith.constant 65535 : i32
      %and3A_641 = vector.broadcast %and3A_640 : i32 to vector<16xi32>
      %and3A_642 = arith.andi %get3A_639, %and3A_641 : vector<16xi32>
      %shift_right_logical3A_643 = arith.constant 16 : i32
      %shift_right_logical3A_644 = vector.broadcast %shift_right_logical3A_643 : i32 to vector<16xi32>
      %shift_right_logical3A_645 = arith.shrui %get3A_639, %shift_right_logical3A_644 : vector<16xi32>
      %gather3A_646 = tpu.vector_load_idx %arg23[%and3A_642] : memref<50000xf32, #tpu.memory_space<vmem>>[vector<16xi32>], vector<16xf32>,
      %gather3A_647 = tpu.vector_load_idx %arg23[%shift_right_logical3A_645] : memref<50000xf32, #tpu.memory_space<vmem>>[vector<16xi32>], vector<16xf32>,
      %max3A_648 = arith.maximumf %gather3A_646, %gather3A_647 : vector<16xf32>
      %min3A_649 = arith.minimumf %gather3A_646, %gather3A_647 : vector<16xf32>
      %max3A_650 = arith.maximumf %max3A_632, %max3A_648 : vector<16xf32>
      %min3A_651 = arith.minimumf %min3A_633, %min3A_649 : vector<16xf32>
      %mul3A_652 = arith.constant 16 : i32
      %mul3A_653 = arith.muli %scan3A_581, %mul3A_652 : i32
      %add3A_654 = arith.constant 6272 : i32
      %add3A_655 = arith.addi %add3A_654, %mul3A_653 : i32
      %get3A_656 = arith.index_cast %add3A_655 : i32 to index
      %get3A_657 = tpu.vector_load %arg24[%get3A_656] {strides = array<i32>} : memref<12544xi32, #tpu.memory_space<vmem>>, vector<16xi32>,
      %and3A_658 = arith.constant 65535 : i32
      %and3A_659 = vector.broadcast %and3A_658 : i32 to vector<16xi32>
      %and3A_660 = arith.andi %get3A_657, %and3A_659 : vector<16xi32>
      %shift_right_logical3A_661 = arith.constant 16 : i32
      %shift_right_logical3A_662 = vector.broadcast %shift_right_logical3A_661 : i32 to vector<16xi32>
      %shift_right_logical3A_663 = arith.shrui %get3A_657, %shift_right_logical3A_662 : vector<16xi32>
      %gather3A_664 = tpu.vector_load_idx %arg23[%and3A_660] : memref<50000xf32, #tpu.memory_space<vmem>>[vector<16xi32>], vector<16xf32>,
      %gather3A_665 = tpu.vector_load_idx %arg23[%shift_right_logical3A_663] : memref<50000xf32, #tpu.memory_space<vmem>>[vector<16xi32>], vector<16xf32>,
      %max3A_666 = arith.maximumf %gather3A_664, %gather3A_665 : vector<16xf32>
      %min3A_667 = arith.minimumf %gather3A_664, %gather3A_665 : vector<16xf32>
      %max3A_668 = arith.maximumf %max3A_650, %max3A_666 : vector<16xf32>
      %min3A_669 = arith.minimumf %min3A_651, %min3A_667 : vector<16xf32>
      %mul3A_670 = arith.constant 16 : i32
      %mul3A_671 = arith.muli %scan3A_581, %mul3A_670 : i32
      %add3A_672 = arith.constant 7840 : i32
      %add3A_673 = arith.addi %add3A_672, %mul3A_671 : i32
      %get3A_674 = arith.index_cast %add3A_673 : i32 to index
      %get3A_675 = tpu.vector_load %arg24[%get3A_674] {strides = array<i32>} : memref<12544xi32, #tpu.memory_space<vmem>>, vector<16xi32>,
      %and3A_676 = arith.constant 65535 : i32
      %and3A_677 = vector.broadcast %and3A_676 : i32 to vector<16xi32>
      %and3A_678 = arith.andi %get3A_675, %and3A_677 : vector<16xi32>
      %shift_right_logical3A_679 = arith.constant 16 : i32
      %shift_right_logical3A_680 = vector.broadcast %shift_right_logical3A_679 : i32 to vector<16xi32>
      %shift_right_logical3A_681 = arith.shrui %get3A_675, %shift_right_logical3A_680 : vector<16xi32>
      %gather3A_682 = tpu.vector_load_idx %arg23[%and3A_678] : memref<50000xf32, #tpu.memory_space<vmem>>[vector<16xi32>], vector<16xf32>,
      %gather3A_683 = tpu.vector_load_idx %arg23[%shift_right_logical3A_681] : memref<50000xf32, #tpu.memory_space<vmem>>[vector<16xi32>], vector<16xf32>,
      %max3A_684 = arith.maximumf %gather3A_682, %gather3A_683 : vector<16xf32>
      %min3A_685 = arith.minimumf %gather3A_682, %gather3A_683 : vector<16xf32>
      %max3A_686 = arith.maximumf %max3A_668, %max3A_684 : vector<16xf32>
      %min3A_687 = arith.minimumf %min3A_669, %min3A_685 : vector<16xf32>
      %mul3A_688 = arith.constant 16 : i32
      %mul3A_689 = arith.muli %scan3A_581, %mul3A_688 : i32
      %add3A_690 = arith.constant 9408 : i32
      %add3A_691 = arith.addi %add3A_690, %mul3A_689 : i32
      %get3A_692 = arith.index_cast %add3A_691 : i32 to index
      %get3A_693 = tpu.vector_load %arg24[%get3A_692] {strides = array<i32>} : memref<12544xi32, #tpu.memory_space<vmem>>, vector<16xi32>,
      %and3A_694 = arith.constant 65535 : i32
      %and3A_695 = vector.broadcast %and3A_694 : i32 to vector<16xi32>
      %and3A_696 = arith.andi %get3A_693, %and3A_695 : vector<16xi32>
      %shift_right_logical3A_697 = arith.constant 16 : i32
      %shift_right_logical3A_698 = vector.broadcast %shift_right_logical3A_697 : i32 to vector<16xi32>
      %shift_right_logical3A_699 = arith.shrui %get3A_693, %shift_right_logical3A_698 : vector<16xi32>
      %gather3A_700 = tpu.vector_load_idx %arg23[%and3A_696] : memref<50000xf32, #tpu.memory_space<vmem>>[vector<16xi32>], vector<16xf32>,
      %gather3A_701 = tpu.vector_load_idx %arg23[%shift_right_logical3A_699] : memref<50000xf32, #tpu.memory_space<vmem>>[vector<16xi32>], vector<16xf32>,
      %max3A_702 = arith.maximumf %gather3A_700, %gather3A_701 : vector<16xf32>
      %min3A_703 = arith.minimumf %gather3A_700, %gather3A_701 : vector<16xf32>
      %max3A_704 = arith.maximumf %max3A_686, %max3A_702 : vector<16xf32>
      %min3A_705 = arith.minimumf %min3A_687, %min3A_703 : vector<16xf32>
      %mul3A_706 = arith.constant 16 : i32
      %mul3A_707 = arith.muli %scan3A_581, %mul3A_706 : i32
      %add3A_708 = arith.constant 10976 : i32
      %add3A_709 = arith.addi %add3A_708, %mul3A_707 : i32
      %get3A_710 = arith.index_cast %add3A_709 : i32 to index
      %get3A_711 = tpu.vector_load %arg24[%get3A_710] {strides = array<i32>} : memref<12544xi32, #tpu.memory_space<vmem>>, vector<16xi32>,
      %and3A_712 = arith.constant 65535 : i32
      %and3A_713 = vector.broadcast %and3A_712 : i32 to vector<16xi32>
      %and3A_714 = arith.andi %get3A_711, %and3A_713 : vector<16xi32>
      %shift_right_logical3A_715 = arith.constant 16 : i32
      %shift_right_logical3A_716 = vector.broadcast %shift_right_logical3A_715 : i32 to vector<16xi32>
      %shift_right_logical3A_717 = arith.shrui %get3A_711, %shift_right_logical3A_716 : vector<16xi32>
      %gather3A_718 = tpu.vector_load_idx %arg23[%and3A_714] : memref<50000xf32, #tpu.memory_space<vmem>>[vector<16xi32>], vector<16xf32>,
      %gather3A_719 = tpu.vector_load_idx %arg23[%shift_right_logical3A_717] : memref<50000xf32, #tpu.memory_space<vmem>>[vector<16xi32>], vector<16xf32>,
      %max3A_720 = arith.maximumf %gather3A_718, %gather3A_719 : vector<16xf32>
      %min3A_721 = arith.minimumf %gather3A_718, %gather3A_719 : vector<16xf32>
      %max3A_722 = arith.maximumf %max3A_704, %max3A_720 : vector<16xf32>
      %min3A_723 = arith.minimumf %min3A_705, %min3A_721 : vector<16xf32>
      %mul3A_724 = arith.constant 16 : i32
      %mul3A_725 = arith.muli %scan3A_581, %mul3A_724 : i32
      %add3A_726 = arith.constant 3136 : i32
      %add3A_727 = arith.addi %add3A_726, %mul3A_725 : i32
      %swap3A = arith.index_cast %add3A_727 : i32 to index
      %swap3A_728 = tpu.vector_load %arg25[%swap3A] {strides = array<i32>} : memref<15680xf32, #tpu.memory_space<vmem>>, vector<16xf32>,
      tpu.vector_store %arg25[%swap3A], %get3A_585 {strides = array<i32>} : memref<15680xf32, #tpu.memory_space<vmem>>, vector<16xf32>,
      %mul3A_729 = arith.constant 16 : i32
      %mul3A_730 = arith.muli %scan3A_581, %mul3A_729 : i32
      %add3A_731 = arith.constant 7840 : i32
      %add3A_732 = arith.addi %add3A_731, %mul3A_730 : i32
      %swap3A_733 = arith.index_cast %add3A_732 : i32 to index
      %swap3A_734 = tpu.vector_load %arg25[%swap3A_733] {strides = array<i32>} : memref<15680xf32, #tpu.memory_space<vmem>>, vector<16xf32>,
      tpu.vector_store %arg25[%swap3A_733], %max3A_722 {strides = array<i32>} : memref<15680xf32, #tpu.memory_space<vmem>>, vector<16xf32>,
      %sub3A = arith.subf %get3A_585, %min3A_723 : vector<16xf32>
      %mul3A_735 = arith.constant 16 : i32
      %mul3A_736 = arith.muli %scan3A_581, %mul3A_735 : i32
      %add3A_737 = arith.constant 12544 : i32
      %add3A_738 = arith.addi %add3A_737, %mul3A_736 : i32
      %swap3A_739 = arith.index_cast %add3A_738 : i32 to index
      %swap3A_740 = tpu.vector_load %arg25[%swap3A_739] {strides = array<i32>} : memref<15680xf32, #tpu.memory_space<vmem>>, vector<16xf32>,
      tpu.vector_store %arg25[%swap3A_739], %sub3A {strides = array<i32>} : memref<15680xf32, #tpu.memory_space<vmem>>, vector<16xf32>,
    }
    %scan3A_440 = arith.constant 98 : i32
    %add3A_441 = arith.constant 51200 : i32
    %add3A_442 = arith.addi %add3A_441, %min3A_3 : i32
    %dma_start3A_443 = arith.constant 0 : i32
    %dma_start3A_444 = tpu.memref_slice %arg25[%dma_start3A_443] : memref<15680xf32, #tpu.memory_space<vmem>> -> memref<1568xf32, #tpu.memory_space<vmem>>
    %dma_start3A_445 = tpu.memref_slice %arg21[%add3A_442] : memref<1024000xf32, #tpu.memory_space<hbm>> -> memref<1568xf32, #tpu.memory_space<hbm>>
    %dma_start3A_446 = tpu.memref_slice %arg21[%add3A_442] : memref<1024000xf32, #tpu.memory_space<hbm>> -> memref<1568xf32, #tpu.memory_space<hbm>>
    %dma_start3A_447 = arith.constant 0 : i32
    %dma_start3A_448 = tpu.memref_slice %arg25[%dma_start3A_447] : memref<15680xf32, #tpu.memory_space<vmem>> -> memref<1568xf32, #tpu.memory_space<vmem>>
    tpu.enqueue_dma source(%dma_start3A_448 : memref<1568xf32, #tpu.memory_space<vmem>>) target(%dma_start3A_446 : memref<1568xf32, #tpu.memory_space<hbm>>) target_semaphore(%arg28 : memref<!tpu.dma_semaphore, #tpu.memory_space<semaphore_mem>>)
    %add3A_449 = arith.constant 153600 : i32
    %add3A_450 = arith.addi %add3A_449, %min3A_3 : i32
    %dma_start3A_451 = arith.constant 1568 : i32
    %dma_start3A_452 = tpu.memref_slice %arg25[%dma_start3A_451] : memref<15680xf32, #tpu.memory_space<vmem>> -> memref<1568xf32, #tpu.memory_space<vmem>>
    %dma_start3A_453 = tpu.memref_slice %arg21[%add3A_450] : memref<1024000xf32, #tpu.memory_space<hbm>> -> memref<1568xf32, #tpu.memory_space<hbm>>
    %dma_start3A_454 = tpu.memref_slice %arg21[%add3A_450] : memref<1024000xf32, #tpu.memory_space<hbm>> -> memref<1568xf32, #tpu.memory_space<hbm>>
    %dma_start3A_455 = arith.constant 1568 : i32
    %dma_start3A_456 = tpu.memref_slice %arg25[%dma_start3A_455] : memref<15680xf32, #tpu.memory_space<vmem>> -> memref<1568xf32, #tpu.memory_space<vmem>>
    tpu.enqueue_dma source(%dma_start3A_456 : memref<1568xf32, #tpu.memory_space<vmem>>) target(%dma_start3A_454 : memref<1568xf32, #tpu.memory_space<hbm>>) target_semaphore(%arg28 : memref<!tpu.dma_semaphore, #tpu.memory_space<semaphore_mem>>)
    %add3A_457 = arith.constant 256000 : i32
    %add3A_458 = arith.addi %add3A_457, %min3A_3 : i32
    %dma_start3A_459 = arith.constant 3136 : i32
    %dma_start3A_460 = tpu.memref_slice %arg25[%dma_start3A_459] : memref<15680xf32, #tpu.memory_space<vmem>> -> memref<1568xf32, #tpu.memory_space<vmem>>
    %dma_start3A_461 = tpu.memref_slice %arg21[%add3A_458] : memref<1024000xf32, #tpu.memory_space<hbm>> -> memref<1568xf32, #tpu.memory_space<hbm>>
    %dma_start3A_462 = tpu.memref_slice %arg21[%add3A_458] : memref<1024000xf32, #tpu.memory_space<hbm>> -> memref<1568xf32, #tpu.memory_space<hbm>>
    %dma_start3A_463 = arith.constant 3136 : i32
    %dma_start3A_464 = tpu.memref_slice %arg25[%dma_start3A_463] : memref<15680xf32, #tpu.memory_space<vmem>> -> memref<1568xf32, #tpu.memory_space<vmem>>
    tpu.enqueue_dma source(%dma_start3A_464 : memref<1568xf32, #tpu.memory_space<vmem>>) target(%dma_start3A_462 : memref<1568xf32, #tpu.memory_space<hbm>>) target_semaphore(%arg28 : memref<!tpu.dma_semaphore, #tpu.memory_space<semaphore_mem>>)
    %add3A_465 = arith.constant 358400 : i32
    %add3A_466 = arith.addi %add3A_465, %min3A_3 : i32
    %dma_start3A_467 = arith.constant 4704 : i32
    %dma_start3A_468 = tpu.memref_slice %arg25[%dma_start3A_467] : memref<15680xf32, #tpu.memory_space<vmem>> -> memref<1568xf32, #tpu.memory_space<vmem>>
    %dma_start3A_469 = tpu.memref_slice %arg21[%add3A_466] : memref<1024000xf32, #tpu.memory_space<hbm>> -> memref<1568xf32, #tpu.memory_space<hbm>>
    %dma_start3A_470 = tpu.memref_slice %arg21[%add3A_466] : memref<1024000xf32, #tpu.memory_space<hbm>> -> memref<1568xf32, #tpu.memory_space<hbm>>
    %dma_start3A_471 = arith.constant 4704 : i32
    %dma_start3A_472 = tpu.memref_slice %arg25[%dma_start3A_471] : memref<15680xf32, #tpu.memory_space<vmem>> -> memref<1568xf32, #tpu.memory_space<vmem>>
    tpu.enqueue_dma source(%dma_start3A_472 : memref<1568xf32, #tpu.memory_space<vmem>>) target(%dma_start3A_470 : memref<1568xf32, #tpu.memory_space<hbm>>) target_semaphore(%arg28 : memref<!tpu.dma_semaphore, #tpu.memory_space<semaphore_mem>>)
    %add3A_473 = arith.constant 460800 : i32
    %add3A_474 = arith.addi %add3A_473, %min3A_3 : i32
    %dma_start3A_475 = arith.constant 6272 : i32
    %dma_start3A_476 = tpu.memref_slice %arg25[%dma_start3A_475] : memref<15680xf32, #tpu.memory_space<vmem>> -> memref<1568xf32, #tpu.memory_space<vmem>>
    %dma_start3A_477 = tpu.memref_slice %arg21[%add3A_474] : memref<1024000xf32, #tpu.memory_space<hbm>> -> memref<1568xf32, #tpu.memory_space<hbm>>
    %dma_start3A_478 = tpu.memref_slice %arg21[%add3A_474] : memref<1024000xf32, #tpu.memory_space<hbm>> -> memref<1568xf32, #tpu.memory_space<hbm>>
    %dma_start3A_479 = arith.constant 6272 : i32
    %dma_start3A_480 = tpu.memref_slice %arg25[%dma_start3A_479] : memref<15680xf32, #tpu.memory_space<vmem>> -> memref<1568xf32, #tpu.memory_space<vmem>>
    tpu.enqueue_dma source(%dma_start3A_480 : memref<1568xf32, #tpu.memory_space<vmem>>) target(%dma_start3A_478 : memref<1568xf32, #tpu.memory_space<hbm>>) target_semaphore(%arg28 : memref<!tpu.dma_semaphore, #tpu.memory_space<semaphore_mem>>)
    %add3A_481 = arith.constant 563200 : i32
    %add3A_482 = arith.addi %add3A_481, %min3A_3 : i32
    %dma_start3A_483 = arith.constant 7840 : i32
    %dma_start3A_484 = tpu.memref_slice %arg25[%dma_start3A_483] : memref<15680xf32, #tpu.memory_space<vmem>> -> memref<1568xf32, #tpu.memory_space<vmem>>
    %dma_start3A_485 = tpu.memref_slice %arg21[%add3A_482] : memref<1024000xf32, #tpu.memory_space<hbm>> -> memref<1568xf32, #tpu.memory_space<hbm>>
    %dma_start3A_486 = tpu.memref_slice %arg21[%add3A_482] : memref<1024000xf32, #tpu.memory_space<hbm>> -> memref<1568xf32, #tpu.memory_space<hbm>>
    %dma_start3A_487 = arith.constant 7840 : i32
    %dma_start3A_488 = tpu.memref_slice %arg25[%dma_start3A_487] : memref<15680xf32, #tpu.memory_space<vmem>> -> memref<1568xf32, #tpu.memory_space<vmem>>
    tpu.enqueue_dma source(%dma_start3A_488 : memref<1568xf32, #tpu.memory_space<vmem>>) target(%dma_start3A_486 : memref<1568xf32, #tpu.memory_space<hbm>>) target_semaphore(%arg28 : memref<!tpu.dma_semaphore, #tpu.memory_space<semaphore_mem>>)
    %add3A_489 = arith.constant 665600 : i32
    %add3A_490 = arith.addi %add3A_489, %min3A_3 : i32
    %dma_start3A_491 = arith.constant 9408 : i32
    %dma_start3A_492 = tpu.memref_slice %arg25[%dma_start3A_491] : memref<15680xf32, #tpu.memory_space<vmem>> -> memref<1568xf32, #tpu.memory_space<vmem>>
    %dma_start3A_493 = tpu.memref_slice %arg21[%add3A_490] : memref<1024000xf32, #tpu.memory_space<hbm>> -> memref<1568xf32, #tpu.memory_space<hbm>>
    %dma_start3A_494 = tpu.memref_slice %arg21[%add3A_490] : memref<1024000xf32, #tpu.memory_space<hbm>> -> memref<1568xf32, #tpu.memory_space<hbm>>
    %dma_start3A_495 = arith.constant 9408 : i32
    %dma_start3A_496 = tpu.memref_slice %arg25[%dma_start3A_495] : memref<15680xf32, #tpu.memory_space<vmem>> -> memref<1568xf32, #tpu.memory_space<vmem>>
    tpu.enqueue_dma source(%dma_start3A_496 : memref<1568xf32, #tpu.memory_space<vmem>>) target(%dma_start3A_494 : memref<1568xf32, #tpu.memory_space<hbm>>) target_semaphore(%arg28 : memref<!tpu.dma_semaphore, #tpu.memory_space<semaphore_mem>>)
    %add3A_497 = arith.constant 768000 : i32
    %add3A_498 = arith.addi %add3A_497, %min3A_3 : i32
    %dma_start3A_499 = arith.constant 10976 : i32
    %dma_start3A_500 = tpu.memref_slice %arg25[%dma_start3A_499] : memref<15680xf32, #tpu.memory_space<vmem>> -> memref<1568xf32, #tpu.memory_space<vmem>>
    %dma_start3A_501 = tpu.memref_slice %arg21[%add3A_498] : memref<1024000xf32, #tpu.memory_space<hbm>> -> memref<1568xf32, #tpu.memory_space<hbm>>
    %dma_start3A_502 = tpu.memref_slice %arg21[%add3A_498] : memref<1024000xf32, #tpu.memory_space<hbm>> -> memref<1568xf32, #tpu.memory_space<hbm>>
    %dma_start3A_503 = arith.constant 10976 : i32
    %dma_start3A_504 = tpu.memref_slice %arg25[%dma_start3A_503] : memref<15680xf32, #tpu.memory_space<vmem>> -> memref<1568xf32, #tpu.memory_space<vmem>>
    tpu.enqueue_dma source(%dma_start3A_504 : memref<1568xf32, #tpu.memory_space<vmem>>) target(%dma_start3A_502 : memref<1568xf32, #tpu.memory_space<hbm>>) target_semaphore(%arg28 : memref<!tpu.dma_semaphore, #tpu.memory_space<semaphore_mem>>)
    %add3A_505 = arith.constant 870400 : i32
    %add3A_506 = arith.addi %add3A_505, %min3A_3 : i32
    %dma_start3A_507 = arith.constant 12544 : i32
    %dma_start3A_508 = tpu.memref_slice %arg25[%dma_start3A_507] : memref<15680xf32, #tpu.memory_space<vmem>> -> memref<1568xf32, #tpu.memory_space<vmem>>
    %dma_start3A_509 = tpu.memref_slice %arg21[%add3A_506] : memref<1024000xf32, #tpu.memory_space<hbm>> -> memref<1568xf32, #tpu.memory_space<hbm>>
    %dma_start3A_510 = tpu.memref_slice %arg21[%add3A_506] : memref<1024000xf32, #tpu.memory_space<hbm>> -> memref<1568xf32, #tpu.memory_space<hbm>>
    %dma_start3A_511 = arith.constant 12544 : i32
    %dma_start3A_512 = tpu.memref_slice %arg25[%dma_start3A_511] : memref<15680xf32, #tpu.memory_space<vmem>> -> memref<1568xf32, #tpu.memory_space<vmem>>
    tpu.enqueue_dma source(%dma_start3A_512 : memref<1568xf32, #tpu.memory_space<vmem>>) target(%dma_start3A_510 : memref<1568xf32, #tpu.memory_space<hbm>>) target_semaphore(%arg28 : memref<!tpu.dma_semaphore, #tpu.memory_space<semaphore_mem>>)
    %add3A_513 = arith.constant 972800 : i32
    %add3A_514 = arith.addi %add3A_513, %min3A_3 : i32
    %dma_start3A_515 = arith.constant 14112 : i32
    %dma_start3A_516 = tpu.memref_slice %arg25[%dma_start3A_515] : memref<15680xf32, #tpu.memory_space<vmem>> -> memref<1568xf32, #tpu.memory_space<vmem>>
    %dma_start3A_517 = tpu.memref_slice %arg21[%add3A_514] : memref<1024000xf32, #tpu.memory_space<hbm>> -> memref<1568xf32, #tpu.memory_space<hbm>>
    %dma_start3A_518 = tpu.memref_slice %arg21[%add3A_514] : memref<1024000xf32, #tpu.memory_space<hbm>> -> memref<1568xf32, #tpu.memory_space<hbm>>
    %dma_start3A_519 = arith.constant 14112 : i32
    %dma_start3A_520 = tpu.memref_slice %arg25[%dma_start3A_519] : memref<15680xf32, #tpu.memory_space<vmem>> -> memref<1568xf32, #tpu.memory_space<vmem>>
    tpu.enqueue_dma source(%dma_start3A_520 : memref<1568xf32, #tpu.memory_space<vmem>>) target(%dma_start3A_518 : memref<1568xf32, #tpu.memory_space<hbm>>) target_semaphore(%arg28 : memref<!tpu.dma_semaphore, #tpu.memory_space<semaphore_mem>>)
    %dma_wait3A_521 = arith.constant 0 : i32
    %dma_wait3A_522 = tpu.memref_slice %arg25[%dma_wait3A_521] : memref<15680xf32, #tpu.memory_space<vmem>> -> memref<1568xf32, #tpu.memory_space<vmem>>
    %dma_wait3A_523 = tpu.memref_slice %arg21[%add3A_442] : memref<1024000xf32, #tpu.memory_space<hbm>> -> memref<1568xf32, #tpu.memory_space<hbm>>
    %dma_wait3A_524 = tpu.memref_slice %arg21[%add3A_442] : memref<1024000xf32, #tpu.memory_space<hbm>> -> memref<1568xf32, #tpu.memory_space<hbm>>
    %dma_wait3A_525 = arith.constant 0 : i32
    %dma_wait3A_526 = tpu.memref_slice %arg25[%dma_wait3A_525] : memref<15680xf32, #tpu.memory_space<vmem>> -> memref<1568xf32, #tpu.memory_space<vmem>>
    tpu.wait_dma2 semaphore(%arg28 : memref<!tpu.dma_semaphore, #tpu.memory_space<semaphore_mem>>) src(%dma_wait3A_526 : memref<1568xf32, #tpu.memory_space<vmem>>) dst(%dma_wait3A_524 : memref<1568xf32, #tpu.memory_space<hbm>>)
    %dma_wait3A_527 = arith.constant 1568 : i32
    %dma_wait3A_528 = tpu.memref_slice %arg25[%dma_wait3A_527] : memref<15680xf32, #tpu.memory_space<vmem>> -> memref<1568xf32, #tpu.memory_space<vmem>>
    %dma_wait3A_529 = tpu.memref_slice %arg21[%add3A_450] : memref<1024000xf32, #tpu.memory_space<hbm>> -> memref<1568xf32, #tpu.memory_space<hbm>>
    %dma_wait3A_530 = tpu.memref_slice %arg21[%add3A_450] : memref<1024000xf32, #tpu.memory_space<hbm>> -> memref<1568xf32, #tpu.memory_space<hbm>>
    %dma_wait3A_531 = arith.constant 1568 : i32
    %dma_wait3A_532 = tpu.memref_slice %arg25[%dma_wait3A_531] : memref<15680xf32, #tpu.memory_space<vmem>> -> memref<1568xf32, #tpu.memory_space<vmem>>
    tpu.wait_dma2 semaphore(%arg28 : memref<!tpu.dma_semaphore, #tpu.memory_space<semaphore_mem>>) src(%dma_wait3A_532 : memref<1568xf32, #tpu.memory_space<vmem>>) dst(%dma_wait3A_530 : memref<1568xf32, #tpu.memory_space<hbm>>)
    %dma_wait3A_533 = arith.constant 3136 : i32
    %dma_wait3A_534 = tpu.memref_slice %arg25[%dma_wait3A_533] : memref<15680xf32, #tpu.memory_space<vmem>> -> memref<1568xf32, #tpu.memory_space<vmem>>
    %dma_wait3A_535 = tpu.memref_slice %arg21[%add3A_458] : memref<1024000xf32, #tpu.memory_space<hbm>> -> memref<1568xf32, #tpu.memory_space<hbm>>
    %dma_wait3A_536 = tpu.memref_slice %arg21[%add3A_458] : memref<1024000xf32, #tpu.memory_space<hbm>> -> memref<1568xf32, #tpu.memory_space<hbm>>
    %dma_wait3A_537 = arith.constant 3136 : i32
    %dma_wait3A_538 = tpu.memref_slice %arg25[%dma_wait3A_537] : memref<15680xf32, #tpu.memory_space<vmem>> -> memref<1568xf32, #tpu.memory_space<vmem>>
    tpu.wait_dma2 semaphore(%arg28 : memref<!tpu.dma_semaphore, #tpu.memory_space<semaphore_mem>>) src(%dma_wait3A_538 : memref<1568xf32, #tpu.memory_space<vmem>>) dst(%dma_wait3A_536 : memref<1568xf32, #tpu.memory_space<hbm>>)
    %dma_wait3A_539 = arith.constant 4704 : i32
    %dma_wait3A_540 = tpu.memref_slice %arg25[%dma_wait3A_539] : memref<15680xf32, #tpu.memory_space<vmem>> -> memref<1568xf32, #tpu.memory_space<vmem>>
    %dma_wait3A_541 = tpu.memref_slice %arg21[%add3A_466] : memref<1024000xf32, #tpu.memory_space<hbm>> -> memref<1568xf32, #tpu.memory_space<hbm>>
    %dma_wait3A_542 = tpu.memref_slice %arg21[%add3A_466] : memref<1024000xf32, #tpu.memory_space<hbm>> -> memref<1568xf32, #tpu.memory_space<hbm>>
    %dma_wait3A_543 = arith.constant 4704 : i32
    %dma_wait3A_544 = tpu.memref_slice %arg25[%dma_wait3A_543] : memref<15680xf32, #tpu.memory_space<vmem>> -> memref<1568xf32, #tpu.memory_space<vmem>>
    tpu.wait_dma2 semaphore(%arg28 : memref<!tpu.dma_semaphore, #tpu.memory_space<semaphore_mem>>) src(%dma_wait3A_544 : memref<1568xf32, #tpu.memory_space<vmem>>) dst(%dma_wait3A_542 : memref<1568xf32, #tpu.memory_space<hbm>>)
    %dma_wait3A_545 = arith.constant 6272 : i32
    %dma_wait3A_546 = tpu.memref_slice %arg25[%dma_wait3A_545] : memref<15680xf32, #tpu.memory_space<vmem>> -> memref<1568xf32, #tpu.memory_space<vmem>>
    %dma_wait3A_547 = tpu.memref_slice %arg21[%add3A_474] : memref<1024000xf32, #tpu.memory_space<hbm>> -> memref<1568xf32, #tpu.memory_space<hbm>>
    %dma_wait3A_548 = tpu.memref_slice %arg21[%add3A_474] : memref<1024000xf32, #tpu.memory_space<hbm>> -> memref<1568xf32, #tpu.memory_space<hbm>>
    %dma_wait3A_549 = arith.constant 6272 : i32
    %dma_wait3A_550 = tpu.memref_slice %arg25[%dma_wait3A_549] : memref<15680xf32, #tpu.memory_space<vmem>> -> memref<1568xf32, #tpu.memory_space<vmem>>
    tpu.wait_dma2 semaphore(%arg28 : memref<!tpu.dma_semaphore, #tpu.memory_space<semaphore_mem>>) src(%dma_wait3A_550 : memref<1568xf32, #tpu.memory_space<vmem>>) dst(%dma_wait3A_548 : memref<1568xf32, #tpu.memory_space<hbm>>)
    %dma_wait3A_551 = arith.constant 7840 : i32
    %dma_wait3A_552 = tpu.memref_slice %arg25[%dma_wait3A_551] : memref<15680xf32, #tpu.memory_space<vmem>> -> memref<1568xf32, #tpu.memory_space<vmem>>
    %dma_wait3A_553 = tpu.memref_slice %arg21[%add3A_482] : memref<1024000xf32, #tpu.memory_space<hbm>> -> memref<1568xf32, #tpu.memory_space<hbm>>
    %dma_wait3A_554 = tpu.memref_slice %arg21[%add3A_482] : memref<1024000xf32, #tpu.memory_space<hbm>> -> memref<1568xf32, #tpu.memory_space<hbm>>
    %dma_wait3A_555 = arith.constant 7840 : i32
    %dma_wait3A_556 = tpu.memref_slice %arg25[%dma_wait3A_555] : memref<15680xf32, #tpu.memory_space<vmem>> -> memref<1568xf32, #tpu.memory_space<vmem>>
    tpu.wait_dma2 semaphore(%arg28 : memref<!tpu.dma_semaphore, #tpu.memory_space<semaphore_mem>>) src(%dma_wait3A_556 : memref<1568xf32, #tpu.memory_space<vmem>>) dst(%dma_wait3A_554 : memref<1568xf32, #tpu.memory_space<hbm>>)
    %dma_wait3A_557 = arith.constant 9408 : i32
    %dma_wait3A_558 = tpu.memref_slice %arg25[%dma_wait3A_557] : memref<15680xf32, #tpu.memory_space<vmem>> -> memref<1568xf32, #tpu.memory_space<vmem>>
    %dma_wait3A_559 = tpu.memref_slice %arg21[%add3A_490] : memref<1024000xf32, #tpu.memory_space<hbm>> -> memref<1568xf32, #tpu.memory_space<hbm>>
    %dma_wait3A_560 = tpu.memref_slice %arg21[%add3A_490] : memref<1024000xf32, #tpu.memory_space<hbm>> -> memref<1568xf32, #tpu.memory_space<hbm>>
    %dma_wait3A_561 = arith.constant 9408 : i32
    %dma_wait3A_562 = tpu.memref_slice %arg25[%dma_wait3A_561] : memref<15680xf32, #tpu.memory_space<vmem>> -> memref<1568xf32, #tpu.memory_space<vmem>>
    tpu.wait_dma2 semaphore(%arg28 : memref<!tpu.dma_semaphore, #tpu.memory_space<semaphore_mem>>) src(%dma_wait3A_562 : memref<1568xf32, #tpu.memory_space<vmem>>) dst(%dma_wait3A_560 : memref<1568xf32, #tpu.memory_space<hbm>>)
    %dma_wait3A_563 = arith.constant 10976 : i32
    %dma_wait3A_564 = tpu.memref_slice %arg25[%dma_wait3A_563] : memref<15680xf32, #tpu.memory_space<vmem>> -> memref<1568xf32, #tpu.memory_space<vmem>>
    %dma_wait3A_565 = tpu.memref_slice %arg21[%add3A_498] : memref<1024000xf32, #tpu.memory_space<hbm>> -> memref<1568xf32, #tpu.memory_space<hbm>>
    %dma_wait3A_566 = tpu.memref_slice %arg21[%add3A_498] : memref<1024000xf32, #tpu.memory_space<hbm>> -> memref<1568xf32, #tpu.memory_space<hbm>>
    %dma_wait3A_567 = arith.constant 10976 : i32
    %dma_wait3A_568 = tpu.memref_slice %arg25[%dma_wait3A_567] : memref<15680xf32, #tpu.memory_space<vmem>> -> memref<1568xf32, #tpu.memory_space<vmem>>
    tpu.wait_dma2 semaphore(%arg28 : memref<!tpu.dma_semaphore, #tpu.memory_space<semaphore_mem>>) src(%dma_wait3A_568 : memref<1568xf32, #tpu.memory_space<vmem>>) dst(%dma_wait3A_566 : memref<1568xf32, #tpu.memory_space<hbm>>)
    %dma_wait3A_569 = arith.constant 12544 : i32
    %dma_wait3A_570 = tpu.memref_slice %arg25[%dma_wait3A_569] : memref<15680xf32, #tpu.memory_space<vmem>> -> memref<1568xf32, #tpu.memory_space<vmem>>
    %dma_wait3A_571 = tpu.memref_slice %arg21[%add3A_506] : memref<1024000xf32, #tpu.memory_space<hbm>> -> memref<1568xf32, #tpu.memory_space<hbm>>
    %dma_wait3A_572 = tpu.memref_slice %arg21[%add3A_506] : memref<1024000xf32, #tpu.memory_space<hbm>> -> memref<1568xf32, #tpu.memory_space<hbm>>
    %dma_wait3A_573 = arith.constant 12544 : i32
    %dma_wait3A_574 = tpu.memref_slice %arg25[%dma_wait3A_573] : memref<15680xf32, #tpu.memory_space<vmem>> -> memref<1568xf32, #tpu.memory_space<vmem>>
    tpu.wait_dma2 semaphore(%arg28 : memref<!tpu.dma_semaphore, #tpu.memory_space<semaphore_mem>>) src(%dma_wait3A_574 : memref<1568xf32, #tpu.memory_space<vmem>>) dst(%dma_wait3A_572 : memref<1568xf32, #tpu.memory_space<hbm>>)
    %dma_wait3A_575 = arith.constant 14112 : i32
    %dma_wait3A_576 = tpu.memref_slice %arg25[%dma_wait3A_575] : memref<15680xf32, #tpu.memory_space<vmem>> -> memref<1568xf32, #tpu.memory_space<vmem>>
    %dma_wait3A_577 = tpu.memref_slice %arg21[%add3A_514] : memref<1024000xf32, #tpu.memory_space<hbm>> -> memref<1568xf32, #tpu.memory_space<hbm>>
    %dma_wait3A_578 = tpu.memref_slice %arg21[%add3A_514] : memref<1024000xf32, #tpu.memory_space<hbm>> -> memref<1568xf32, #tpu.memory_space<hbm>>
    %dma_wait3A_579 = arith.constant 14112 : i32
    %dma_wait3A_580 = tpu.memref_slice %arg25[%dma_wait3A_579] : memref<15680xf32, #tpu.memory_space<vmem>> -> memref<1568xf32, #tpu.memory_space<vmem>>
    tpu.wait_dma2 semaphore(%arg28 : memref<!tpu.dma_semaphore, #tpu.memory_space<semaphore_mem>>) src(%dma_wait3A_580 : memref<1568xf32, #tpu.memory_space<vmem>>) dst(%dma_wait3A_578 : memref<1568xf32, #tpu.memory_space<hbm>>)
    return
  }
}

module attributes {stable_mosaic.version = 14 : i64} {
  func.func @_prep_body(%arg0: i32, %arg1: memref<2x2048x16xi32, #tpu.memory_space<vmem>>, %arg2: memref<2x2048x16xf32, #tpu.memory_space<vmem>>, %arg3: memref<2048xi32, #tpu.memory_space<vmem>>, %arg4: memref<2048xi32, #tpu.memory_space<vmem>>, %arg5: memref<2048xi32, #tpu.memory_space<vmem>>, %arg6: memref<2048xi32, #tpu.memory_space<vmem>>, %arg7: memref<2048xi32, #tpu.memory_space<vmem>>, %arg8: memref<2048xi32, #tpu.memory_space<vmem>>, %arg9: memref<2048xi32, #tpu.memory_space<vmem>>, %arg10: memref<2048xi32, #tpu.memory_space<vmem>>, %arg11: memref<2048xi32, #tpu.memory_space<vmem>>, %arg12: memref<2048xi32, #tpu.memory_space<vmem>>, %arg13: memref<2048xi32, #tpu.memory_space<vmem>>, %arg14: memref<2048xi32, #tpu.memory_space<vmem>>, %arg15: memref<2048xi32, #tpu.memory_space<vmem>>, %arg16: memref<2048xi32, #tpu.memory_space<vmem>>, %arg17: memref<2048xi32, #tpu.memory_space<vmem>>, %arg18: memref<2048xi32, #tpu.memory_space<vmem>>, %arg19: memref<2048xf32, #tpu.memory_space<vmem>>, %arg20: memref<2048xf32, #tpu.memory_space<vmem>>) attributes {dimension_semantics = [#tpu.dimension_semantics<arbitrary>], iteration_bounds = array<i64: 25>, scalar_prefetch = 0 : i64, scratch_operands = 0 : i64, tpu.core_type = #tpu.core_type<tc>, window_params = [{transform_indices = @transform_0, window_bounds = array<i64: 2, 2048, 16>}, {transform_indices = @transform_1, window_bounds = array<i64: 2, 2048, 16>}, {transform_indices = @transform_2, window_bounds = array<i64: 2048>}, {transform_indices = @transform_3, window_bounds = array<i64: 2048>}, {transform_indices = @transform_4, window_bounds = array<i64: 2048>}, {transform_indices = @transform_5, window_bounds = array<i64: 2048>}, {transform_indices = @transform_6, window_bounds = array<i64: 2048>}, {transform_indices = @transform_7, window_bounds = array<i64: 2048>}, {transform_indices = @transform_8, window_bounds = array<i64: 2048>}, {transform_indices = @transform_9, window_bounds = array<i64: 2048>}, {transform_indices = @transform_10, window_bounds = array<i64: 2048>}, {transform_indices = @transform_11, window_bounds = array<i64: 2048>}, {transform_indices = @transform_12, window_bounds = array<i64: 2048>}, {transform_indices = @transform_13, window_bounds = array<i64: 2048>}, {transform_indices = @transform_14, window_bounds = array<i64: 2048>}, {transform_indices = @transform_15, window_bounds = array<i64: 2048>}, {transform_indices = @transform_16, window_bounds = array<i64: 2048>}, {transform_indices = @transform_17, window_bounds = array<i64: 2048>}, {transform_indices = @transform_18, window_bounds = array<i64: 2048>}, {transform_indices = @transform_19, window_bounds = array<i64: 2048>}]} {
    %get3A = arith.constant 0 : index
    %get3A_0 = arith.constant 0 : index
    %get3A_1 = arith.constant 0 : index
    %get3A_2 = vector.load %arg1[%get3A, %get3A_0, %get3A_1] : memref<2x2048x16xi32, #tpu.memory_space<vmem>>, vector<2x2048x16xi32>
    %get3A_3 = arith.constant 0 : index
    %get3A_4 = arith.constant 0 : index
    %get3A_5 = arith.constant 0 : index
    %get3A_6 = vector.load %arg2[%get3A_3, %get3A_4, %get3A_5] : memref<2x2048x16xf32, #tpu.memory_space<vmem>>, vector<2x2048x16xf32>
    %slice3A = vector.extract_strided_slice %get3A_2 {offsets = [0, 0, 0], sizes = [1, 2048, 16], strides = [1, 1, 1]} : vector<2x2048x16xi32> to vector<1x2048x16xi32>
    %squeeze3A = vector.shape_cast %slice3A : vector<1x2048x16xi32> to vector<2048x16xi32>
    %transpose3A = tpu.transpose %squeeze3A, [1, 0] : vector<2048x16xi32> -> vector<16x2048xi32>
    %slice3A_7 = vector.extract_strided_slice %transpose3A {offsets = [0, 0], sizes = [8, 2048], strides = [1, 1]} : vector<16x2048xi32> to vector<8x2048xi32>
    %slice3A_8 = vector.extract_strided_slice %transpose3A {offsets = [8, 0], sizes = [8, 2048], strides = [1, 1]} : vector<16x2048xi32> to vector<8x2048xi32>
    %shift_left3A = arith.constant 16 : i32
    %shift_left3A_9 = vector.broadcast %shift_left3A : i32 to vector<8x2048xi32>
    %shift_left3A_10 = arith.shli %slice3A_8, %shift_left3A_9 : vector<8x2048xi32>
    %or3A = arith.ori %slice3A_7, %shift_left3A_10 : vector<8x2048xi32>
    %slice3A_11 = vector.extract_strided_slice %or3A {offsets = [0, 0], sizes = [1, 2048], strides = [1, 1]} : vector<8x2048xi32> to vector<1x2048xi32>
    %squeeze3A_12 = vector.shape_cast %slice3A_11 : vector<1x2048xi32> to vector<2048xi32>
    %swap3A = arith.constant 0 : index
    %swap3A_13 = vector.load %arg3[%swap3A] : memref<2048xi32, #tpu.memory_space<vmem>>, vector<2048xi32>
    tpu.vector_store %arg3[%swap3A], %squeeze3A_12 {strides = array<i32>} : memref<2048xi32, #tpu.memory_space<vmem>>, vector<2048xi32>,
    %slice3A_14 = vector.extract_strided_slice %or3A {offsets = [1, 0], sizes = [1, 2048], strides = [1, 1]} : vector<8x2048xi32> to vector<1x2048xi32>
    %squeeze3A_15 = vector.shape_cast %slice3A_14 : vector<1x2048xi32> to vector<2048xi32>
    %swap3A_16 = arith.constant 0 : index
    %swap3A_17 = vector.load %arg4[%swap3A_16] : memref<2048xi32, #tpu.memory_space<vmem>>, vector<2048xi32>
    tpu.vector_store %arg4[%swap3A_16], %squeeze3A_15 {strides = array<i32>} : memref<2048xi32, #tpu.memory_space<vmem>>, vector<2048xi32>,
    %slice3A_18 = vector.extract_strided_slice %or3A {offsets = [2, 0], sizes = [1, 2048], strides = [1, 1]} : vector<8x2048xi32> to vector<1x2048xi32>
    %squeeze3A_19 = vector.shape_cast %slice3A_18 : vector<1x2048xi32> to vector<2048xi32>
    %swap3A_20 = arith.constant 0 : index
    %swap3A_21 = vector.load %arg5[%swap3A_20] : memref<2048xi32, #tpu.memory_space<vmem>>, vector<2048xi32>
    tpu.vector_store %arg5[%swap3A_20], %squeeze3A_19 {strides = array<i32>} : memref<2048xi32, #tpu.memory_space<vmem>>, vector<2048xi32>,
    %slice3A_22 = vector.extract_strided_slice %or3A {offsets = [3, 0], sizes = [1, 2048], strides = [1, 1]} : vector<8x2048xi32> to vector<1x2048xi32>
    %squeeze3A_23 = vector.shape_cast %slice3A_22 : vector<1x2048xi32> to vector<2048xi32>
    %swap3A_24 = arith.constant 0 : index
    %swap3A_25 = vector.load %arg6[%swap3A_24] : memref<2048xi32, #tpu.memory_space<vmem>>, vector<2048xi32>
    tpu.vector_store %arg6[%swap3A_24], %squeeze3A_23 {strides = array<i32>} : memref<2048xi32, #tpu.memory_space<vmem>>, vector<2048xi32>,
    %slice3A_26 = vector.extract_strided_slice %or3A {offsets = [4, 0], sizes = [1, 2048], strides = [1, 1]} : vector<8x2048xi32> to vector<1x2048xi32>
    %squeeze3A_27 = vector.shape_cast %slice3A_26 : vector<1x2048xi32> to vector<2048xi32>
    %swap3A_28 = arith.constant 0 : index
    %swap3A_29 = vector.load %arg7[%swap3A_28] : memref<2048xi32, #tpu.memory_space<vmem>>, vector<2048xi32>
    tpu.vector_store %arg7[%swap3A_28], %squeeze3A_27 {strides = array<i32>} : memref<2048xi32, #tpu.memory_space<vmem>>, vector<2048xi32>,
    %slice3A_30 = vector.extract_strided_slice %or3A {offsets = [5, 0], sizes = [1, 2048], strides = [1, 1]} : vector<8x2048xi32> to vector<1x2048xi32>
    %squeeze3A_31 = vector.shape_cast %slice3A_30 : vector<1x2048xi32> to vector<2048xi32>
    %swap3A_32 = arith.constant 0 : index
    %swap3A_33 = vector.load %arg8[%swap3A_32] : memref<2048xi32, #tpu.memory_space<vmem>>, vector<2048xi32>
    tpu.vector_store %arg8[%swap3A_32], %squeeze3A_31 {strides = array<i32>} : memref<2048xi32, #tpu.memory_space<vmem>>, vector<2048xi32>,
    %slice3A_34 = vector.extract_strided_slice %or3A {offsets = [6, 0], sizes = [1, 2048], strides = [1, 1]} : vector<8x2048xi32> to vector<1x2048xi32>
    %squeeze3A_35 = vector.shape_cast %slice3A_34 : vector<1x2048xi32> to vector<2048xi32>
    %swap3A_36 = arith.constant 0 : index
    %swap3A_37 = vector.load %arg9[%swap3A_36] : memref<2048xi32, #tpu.memory_space<vmem>>, vector<2048xi32>
    tpu.vector_store %arg9[%swap3A_36], %squeeze3A_35 {strides = array<i32>} : memref<2048xi32, #tpu.memory_space<vmem>>, vector<2048xi32>,
    %slice3A_38 = vector.extract_strided_slice %or3A {offsets = [7, 0], sizes = [1, 2048], strides = [1, 1]} : vector<8x2048xi32> to vector<1x2048xi32>
    %squeeze3A_39 = vector.shape_cast %slice3A_38 : vector<1x2048xi32> to vector<2048xi32>
    %swap3A_40 = arith.constant 0 : index
    %swap3A_41 = vector.load %arg10[%swap3A_40] : memref<2048xi32, #tpu.memory_space<vmem>>, vector<2048xi32>
    tpu.vector_store %arg10[%swap3A_40], %squeeze3A_39 {strides = array<i32>} : memref<2048xi32, #tpu.memory_space<vmem>>, vector<2048xi32>,
    %slice3A_42 = vector.extract_strided_slice %get3A_6 {offsets = [0, 0, 0], sizes = [1, 2048, 16], strides = [1, 1, 1]} : vector<2x2048x16xf32> to vector<1x2048x16xf32>
    %squeeze3A_43 = vector.shape_cast %slice3A_42 : vector<1x2048x16xf32> to vector<2048x16xf32>
    %transpose3A_44 = tpu.transpose %squeeze3A_43, [1, 0] : vector<2048x16xf32> -> vector<16x2048xf32>
    %reduce_max3A = arith.constant dense<0xFF800000> : vector<2048xf32>
    %reduce_max3A_45 = vector.multi_reduction <maximumf>, %transpose3A_44, %reduce_max3A [0] : vector<16x2048xf32> to vector<2048xf32>
    %swap3A_46 = arith.constant 0 : index
    %swap3A_47 = vector.load %arg19[%swap3A_46] : memref<2048xf32, #tpu.memory_space<vmem>>, vector<2048xf32>
    tpu.vector_store %arg19[%swap3A_46], %reduce_max3A_45 {strides = array<i32>} : memref<2048xf32, #tpu.memory_space<vmem>>, vector<2048xf32>,
    %slice3A_48 = vector.extract_strided_slice %get3A_2 {offsets = [1, 0, 0], sizes = [1, 2048, 16], strides = [1, 1, 1]} : vector<2x2048x16xi32> to vector<1x2048x16xi32>
    %squeeze3A_49 = vector.shape_cast %slice3A_48 : vector<1x2048x16xi32> to vector<2048x16xi32>
    %transpose3A_50 = tpu.transpose %squeeze3A_49, [1, 0] : vector<2048x16xi32> -> vector<16x2048xi32>
    %slice3A_51 = vector.extract_strided_slice %transpose3A_50 {offsets = [0, 0], sizes = [8, 2048], strides = [1, 1]} : vector<16x2048xi32> to vector<8x2048xi32>
    %slice3A_52 = vector.extract_strided_slice %transpose3A_50 {offsets = [8, 0], sizes = [8, 2048], strides = [1, 1]} : vector<16x2048xi32> to vector<8x2048xi32>
    %shift_left3A_53 = arith.constant 16 : i32
    %shift_left3A_54 = vector.broadcast %shift_left3A_53 : i32 to vector<8x2048xi32>
    %shift_left3A_55 = arith.shli %slice3A_52, %shift_left3A_54 : vector<8x2048xi32>
    %or3A_56 = arith.ori %slice3A_51, %shift_left3A_55 : vector<8x2048xi32>
    %slice3A_57 = vector.extract_strided_slice %or3A_56 {offsets = [0, 0], sizes = [1, 2048], strides = [1, 1]} : vector<8x2048xi32> to vector<1x2048xi32>
    %squeeze3A_58 = vector.shape_cast %slice3A_57 : vector<1x2048xi32> to vector<2048xi32>
    %swap3A_59 = arith.constant 0 : index
    %swap3A_60 = vector.load %arg11[%swap3A_59] : memref<2048xi32, #tpu.memory_space<vmem>>, vector<2048xi32>
    tpu.vector_store %arg11[%swap3A_59], %squeeze3A_58 {strides = array<i32>} : memref<2048xi32, #tpu.memory_space<vmem>>, vector<2048xi32>,
    %slice3A_61 = vector.extract_strided_slice %or3A_56 {offsets = [1, 0], sizes = [1, 2048], strides = [1, 1]} : vector<8x2048xi32> to vector<1x2048xi32>
    %squeeze3A_62 = vector.shape_cast %slice3A_61 : vector<1x2048xi32> to vector<2048xi32>
    %swap3A_63 = arith.constant 0 : index
    %swap3A_64 = vector.load %arg12[%swap3A_63] : memref<2048xi32, #tpu.memory_space<vmem>>, vector<2048xi32>
    tpu.vector_store %arg12[%swap3A_63], %squeeze3A_62 {strides = array<i32>} : memref<2048xi32, #tpu.memory_space<vmem>>, vector<2048xi32>,
    %slice3A_65 = vector.extract_strided_slice %or3A_56 {offsets = [2, 0], sizes = [1, 2048], strides = [1, 1]} : vector<8x2048xi32> to vector<1x2048xi32>
    %squeeze3A_66 = vector.shape_cast %slice3A_65 : vector<1x2048xi32> to vector<2048xi32>
    %swap3A_67 = arith.constant 0 : index
    %swap3A_68 = vector.load %arg13[%swap3A_67] : memref<2048xi32, #tpu.memory_space<vmem>>, vector<2048xi32>
    tpu.vector_store %arg13[%swap3A_67], %squeeze3A_66 {strides = array<i32>} : memref<2048xi32, #tpu.memory_space<vmem>>, vector<2048xi32>,
    %slice3A_69 = vector.extract_strided_slice %or3A_56 {offsets = [3, 0], sizes = [1, 2048], strides = [1, 1]} : vector<8x2048xi32> to vector<1x2048xi32>
    %squeeze3A_70 = vector.shape_cast %slice3A_69 : vector<1x2048xi32> to vector<2048xi32>
    %swap3A_71 = arith.constant 0 : index
    %swap3A_72 = vector.load %arg14[%swap3A_71] : memref<2048xi32, #tpu.memory_space<vmem>>, vector<2048xi32>
    tpu.vector_store %arg14[%swap3A_71], %squeeze3A_70 {strides = array<i32>} : memref<2048xi32, #tpu.memory_space<vmem>>, vector<2048xi32>,
    %slice3A_73 = vector.extract_strided_slice %or3A_56 {offsets = [4, 0], sizes = [1, 2048], strides = [1, 1]} : vector<8x2048xi32> to vector<1x2048xi32>
    %squeeze3A_74 = vector.shape_cast %slice3A_73 : vector<1x2048xi32> to vector<2048xi32>
    %swap3A_75 = arith.constant 0 : index
    %swap3A_76 = vector.load %arg15[%swap3A_75] : memref<2048xi32, #tpu.memory_space<vmem>>, vector<2048xi32>
    tpu.vector_store %arg15[%swap3A_75], %squeeze3A_74 {strides = array<i32>} : memref<2048xi32, #tpu.memory_space<vmem>>, vector<2048xi32>,
    %slice3A_77 = vector.extract_strided_slice %or3A_56 {offsets = [5, 0], sizes = [1, 2048], strides = [1, 1]} : vector<8x2048xi32> to vector<1x2048xi32>
    %squeeze3A_78 = vector.shape_cast %slice3A_77 : vector<1x2048xi32> to vector<2048xi32>
    %swap3A_79 = arith.constant 0 : index
    %swap3A_80 = vector.load %arg16[%swap3A_79] : memref<2048xi32, #tpu.memory_space<vmem>>, vector<2048xi32>
    tpu.vector_store %arg16[%swap3A_79], %squeeze3A_78 {strides = array<i32>} : memref<2048xi32, #tpu.memory_space<vmem>>, vector<2048xi32>,
    %slice3A_81 = vector.extract_strided_slice %or3A_56 {offsets = [6, 0], sizes = [1, 2048], strides = [1, 1]} : vector<8x2048xi32> to vector<1x2048xi32>
    %squeeze3A_82 = vector.shape_cast %slice3A_81 : vector<1x2048xi32> to vector<2048xi32>
    %swap3A_83 = arith.constant 0 : index
    %swap3A_84 = vector.load %arg17[%swap3A_83] : memref<2048xi32, #tpu.memory_space<vmem>>, vector<2048xi32>
    tpu.vector_store %arg17[%swap3A_83], %squeeze3A_82 {strides = array<i32>} : memref<2048xi32, #tpu.memory_space<vmem>>, vector<2048xi32>,
    %slice3A_85 = vector.extract_strided_slice %or3A_56 {offsets = [7, 0], sizes = [1, 2048], strides = [1, 1]} : vector<8x2048xi32> to vector<1x2048xi32>
    %squeeze3A_86 = vector.shape_cast %slice3A_85 : vector<1x2048xi32> to vector<2048xi32>
    %swap3A_87 = arith.constant 0 : index
    %swap3A_88 = vector.load %arg18[%swap3A_87] : memref<2048xi32, #tpu.memory_space<vmem>>, vector<2048xi32>
    tpu.vector_store %arg18[%swap3A_87], %squeeze3A_86 {strides = array<i32>} : memref<2048xi32, #tpu.memory_space<vmem>>, vector<2048xi32>,
    %slice3A_89 = vector.extract_strided_slice %get3A_6 {offsets = [1, 0, 0], sizes = [1, 2048, 16], strides = [1, 1, 1]} : vector<2x2048x16xf32> to vector<1x2048x16xf32>
    %squeeze3A_90 = vector.shape_cast %slice3A_89 : vector<1x2048x16xf32> to vector<2048x16xf32>
    %transpose3A_91 = tpu.transpose %squeeze3A_90, [1, 0] : vector<2048x16xf32> -> vector<16x2048xf32>
    %reduce_max3A_92 = arith.constant dense<0xFF800000> : vector<2048xf32>
    %reduce_max3A_93 = vector.multi_reduction <maximumf>, %transpose3A_91, %reduce_max3A_92 [0] : vector<16x2048xf32> to vector<2048xf32>
    %swap3A_94 = arith.constant 0 : index
    %swap3A_95 = vector.load %arg20[%swap3A_94] : memref<2048xf32, #tpu.memory_space<vmem>>, vector<2048xf32>
    tpu.vector_store %arg20[%swap3A_94], %reduce_max3A_93 {strides = array<i32>} : memref<2048xf32, #tpu.memory_space<vmem>>, vector<2048xf32>,
    return
  }
  func.func @transform_0(%arg0: i32) -> (i32, i32, i32) {
    %c0_i32 = arith.constant 0 : i32
    %c0_i32_0 = arith.constant 0 : i32
    %c0_i32_1 = arith.constant 0 : i32
    return %c0_i32, %arg0, %c0_i32_0 : i32, i32, i32
  }
  func.func @transform_1(%arg0: i32) -> (i32, i32, i32) {
    %c0_i32 = arith.constant 0 : i32
    %c0_i32_0 = arith.constant 0 : i32
    %c0_i32_1 = arith.constant 0 : i32
    return %c0_i32, %arg0, %c0_i32_0 : i32, i32, i32
  }
  func.func @transform_2(%arg0: i32) -> i32 {
    %c0_i32 = arith.constant 0 : i32
    return %arg0 : i32
  }
  func.func @transform_3(%arg0: i32) -> i32 {
    %c0_i32 = arith.constant 0 : i32
    return %arg0 : i32
  }
  func.func @transform_4(%arg0: i32) -> i32 {
    %c0_i32 = arith.constant 0 : i32
    return %arg0 : i32
  }
  func.func @transform_5(%arg0: i32) -> i32 {
    %c0_i32 = arith.constant 0 : i32
    return %arg0 : i32
  }
  func.func @transform_6(%arg0: i32) -> i32 {
    %c0_i32 = arith.constant 0 : i32
    return %arg0 : i32
  }
  func.func @transform_7(%arg0: i32) -> i32 {
    %c0_i32 = arith.constant 0 : i32
    return %arg0 : i32
  }
  func.func @transform_8(%arg0: i32) -> i32 {
    %c0_i32 = arith.constant 0 : i32
    return %arg0 : i32
  }
  func.func @transform_9(%arg0: i32) -> i32 {
    %c0_i32 = arith.constant 0 : i32
    return %arg0 : i32
  }
  func.func @transform_10(%arg0: i32) -> i32 {
    %c0_i32 = arith.constant 0 : i32
    return %arg0 : i32
  }
  func.func @transform_11(%arg0: i32) -> i32 {
    %c0_i32 = arith.constant 0 : i32
    return %arg0 : i32
  }
  func.func @transform_12(%arg0: i32) -> i32 {
    %c0_i32 = arith.constant 0 : i32
    return %arg0 : i32
  }
  func.func @transform_13(%arg0: i32) -> i32 {
    %c0_i32 = arith.constant 0 : i32
    return %arg0 : i32
  }
  func.func @transform_14(%arg0: i32) -> i32 {
    %c0_i32 = arith.constant 0 : i32
    return %arg0 : i32
  }
  func.func @transform_15(%arg0: i32) -> i32 {
    %c0_i32 = arith.constant 0 : i32
    return %arg0 : i32
  }
  func.func @transform_16(%arg0: i32) -> i32 {
    %c0_i32 = arith.constant 0 : i32
    return %arg0 : i32
  }
  func.func @transform_17(%arg0: i32) -> i32 {
    %c0_i32 = arith.constant 0 : i32
    return %arg0 : i32
  }
  func.func @transform_18(%arg0: i32) -> i32 {
    %c0_i32 = arith.constant 0 : i32
    return %arg0 : i32
  }
  func.func @transform_19(%arg0: i32) -> i32 {
    %c0_i32 = arith.constant 0 : i32
    return %arg0 : i32
  }
}

module attributes {stable_mosaic.version = 14 : i64} {
  func.func @_mlp_body(%arg0: i32, %arg1: i32, %arg2: memref<10x2048xf32, #tpu.memory_space<vmem>>, %arg3: memref<10x128xf32, #tpu.memory_space<vmem>>, %arg4: memref<1x128xf32, #tpu.memory_space<vmem>>, %arg5: memref<1x2048x128xf32, #tpu.memory_space<vmem>>) attributes {dimension_semantics = [#tpu.dimension_semantics<arbitrary>, #tpu.dimension_semantics<arbitrary>], iteration_bounds = array<i64: 2, 25>, scalar_prefetch = 0 : i64, scratch_operands = 0 : i64, tpu.core_type = #tpu.core_type<tc>, window_params = [{transform_indices = @transform_0, window_bounds = array<i64: 10, 2048>}, {pipeline_mode = #tpu.pipeline_mode<synchronous>, transform_indices = @transform_1, window_bounds = array<i64: 10, 128>}, {pipeline_mode = #tpu.pipeline_mode<synchronous>, transform_indices = @transform_2, window_bounds = array<i64: 1, 128>}, {transform_indices = @transform_3, window_bounds = array<i64: 1, 2048, 128>}]} {
    %get3A = arith.constant 0 : index
    %get3A_0 = arith.constant 0 : index
    %get3A_1 = vector.load %arg2[%get3A, %get3A_0] : memref<10x2048xf32, #tpu.memory_space<vmem>>, vector<10x2048xf32>
    %get3A_2 = arith.constant 0 : index
    %get3A_3 = arith.constant 0 : index
    %get3A_4 = vector.load %arg3[%get3A_2, %get3A_3] : memref<10x128xf32, #tpu.memory_space<vmem>>, vector<10x128xf32>
    %dot_general3A = arith.constant dense<0.000000e+00> : vector<2048x128xf32>
    %dot_general3A_5 = tpu.matmul %get3A_1, %get3A_4, %dot_general3A {dimension_numbers = #tpu.dot_dimension_numbers<[0], [0], [1], [1], [0, 1, 1, 1], [], []>, transpose_lhs_hint = false} : vector<10x2048xf32>, vector<10x128xf32>, vector<2048x128xf32> -> vector<2048x128xf32>
    %get3A_6 = arith.constant 0 : index
    %get3A_7 = arith.constant 0 : index
    %get3A_8 = vector.load %arg4[%get3A_6, %get3A_7] : memref<1x128xf32, #tpu.memory_space<vmem>>, vector<1x128xf32>
    %add3A = vector.broadcast %get3A_8 : vector<1x128xf32> to vector<2048x128xf32>
    %add3A_9 = arith.addf %dot_general3A_5, %add3A : vector<2048x128xf32>
    %max3A = arith.constant 0.000000e+00 : f32
    %max3A_10 = vector.broadcast %max3A : f32 to vector<2048x128xf32>
    %max3A_11 = arith.maximumf %add3A_9, %max3A_10 : vector<2048x128xf32>
    %swap3A = arith.constant 0 : index
    %swap3A_12 = arith.constant 0 : index
    %swap3A_13 = arith.constant 0 : index
    %swap3A_14 = vector.load %arg5[%swap3A, %swap3A_12, %swap3A_13] : memref<1x2048x128xf32, #tpu.memory_space<vmem>>, vector<1x2048x128xf32>
    %swap3A_15 = vector.shape_cast %swap3A_14 : vector<1x2048x128xf32> to vector<2048x128xf32>
    %swap3A_16 = vector.shape_cast %max3A_11 : vector<2048x128xf32> to vector<1x2048x128xf32>
    tpu.vector_store %arg5[%swap3A, %swap3A_12, %swap3A_13], %swap3A_16 {strides = array<i32>} : memref<1x2048x128xf32, #tpu.memory_space<vmem>>, vector<1x2048x128xf32>,
    return
  }
  func.func @transform_0(%arg0: i32, %arg1: i32) -> (i32, i32) {
    %mul3A = arith.constant 25 : i32
    %mul3A_0 = arith.muli %arg0, %mul3A : i32
    %add3A = arith.addi %mul3A_0, %arg1 : i32
    %c0_i32 = arith.constant 0 : i32
    %c0_i32_1 = arith.constant 0 : i32
    return %c0_i32, %add3A : i32, i32
  }
  func.func @transform_1(%arg0: i32, %arg1: i32) -> (i32, i32) {
    %c0_i32 = arith.constant 0 : i32
    %c0_i32_0 = arith.constant 0 : i32
    %c0_i32_1 = arith.constant 0 : i32
    return %c0_i32, %c0_i32_0 : i32, i32
  }
  func.func @transform_2(%arg0: i32, %arg1: i32) -> (i32, i32) {
    %c0_i32 = arith.constant 0 : i32
    %c0_i32_0 = arith.constant 0 : i32
    %c0_i32_1 = arith.constant 0 : i32
    return %c0_i32, %c0_i32_0 : i32, i32
  }
  func.func @transform_3(%arg0: i32, %arg1: i32) -> (i32, i32, i32) {
    %c0_i32 = arith.constant 0 : i32
    %c0_i32_0 = arith.constant 0 : i32
    return %arg0, %arg1, %c0_i32 : i32, i32, i32
  }
}

</mosaic_0001>

<sc_bundles>
// kernel: kernel.5.cloned.1.call-start
scs
__scs_entry_jumppad:
0x0: {  	(pc) =	sbr.rel $0x88, $3  }
0x1: {  	(tag) =	ssettag $0x0;
	lr =	simm.s32 $0x1  }
0x2: {  	[smem:$0x3F9C] =	sst lr;
	_ =	strace $0xD0000000  }
0x3: {  	_ = 	snop  }
0x4: {  	_ = 	snop  }
0x5: {  	_ = 	snop  }
0x6: {  	_ = 	snop  }
0x7: {  	_ = 	snop  }
__scs_overlays_trampoline_lowered:
0x8: {  	[smem:$0x3FAB] =	sst s0  }
0x9: {  	[smem:$0x3FAC] =	sst s1  }
0xa: {  	[smem:$0x3FAD] =	sst s2  }
0xb: {  	[smem:$0x3FAE] =	sst s3  }
0xc: {  	[smem:$0x3FAF] =	sst s4  }
0xd: {  	[smem:$0x3FB0] =	sst s5  }
0xe: {  	[smem:$0x3FB1] =	sst s6  }
0xf: {  	[smem:$0x3FB2] =	sst s7  }
0x10: {  	[smem:$0x3FB3] =	sst s8  }
0x11: {  	[smem:$0x3FB4] =	sst s9;
	s0 =	simm.s32 @!p0 $0x0  }
0x12: {  	s1 =	sld [smem:$0x3F9A];
	s0 =	simm.s32 @p0 $0x1  }
0x13: {  	[smem:$0x3FB5] =	sst s0;
	s0 =	simm.s32 @!p1 $0x0  }
0x14: {  	s2 =	sld [smem:$0x3F99];
	s0 =	simm.s32 @p1 $0x1  }
0x15: {  	[smem:$0x3FB6] =	sst s0;
	s0 =	simm.s32 @!p2 $0x0  }
0x16: {  	s3 =	sld [smem:$0x3FDB];
	s0 =	simm.s32 @p2 $0x1  }
0x17: {  	s4 =	simm.s32 $0x1BF5;
	[smem:$0x3FB8] =	sst s0  }
0x18: {  	s0 =	sld [smem:$0x3F9B];
	_ =	swait.ge [sflag:s4], $0x0  }
0x19: {  	s7 =	sld [smem:$0x3F9C]  }
0x1a: {  	s8 =	sadd.s32 $0xFFFFE003, lr  }
0x1b: {  	s9 =	sadd.s32 $0xFFFFFEF7, lr;
	s5 =	simm.s32 $0xFFFFFFFF;
	p2 =	slt.u32 s8, $0xFFFFF086  }
0x1c: {  	p1 =	slt.u32 s9, $0xF7A;
	s5 =	simm.s32 @!p2 $0x0  }
0x1d: {  	s5 =	simm.s32 @p1 $0x1;
	p0 =	seq.s32 s7, s2  }
0x1e: {  	s7 =	smul.u32 @!p0 $0xF7A, s2;
	p2 =	seq.s32 @!p0 s5, $0x0  }
0x1f: {  	s9 =	smul.u32 $0xF7A, s1;
	s8 =	simm.s32 @!p0 $0x1BF5;
	p2 =	por !p2, p0  }
0x20: {  	[sflag:s8] =	ssyncset.s32 @!p0 $0xFFFFF086;
	s6 =	sadd.s32 @!p0 s3, s7;
	s7 =	simm.s32 @!p0 $0x108  }
0x21: {  	s3 =	sadd.s32 s3, s9;
	s6 =	sadd.s32 @!p0 $0x88, s6;
	s7 =	simm.s32 @p2 $0x1082  }
0x22: {  	[simem:s7], [sflag:s8] =	dma.local @!p0 [hbm:s6], $0xF7A  }
0x23: {  	s9 =	sor.u32 $0xD0000000, s2;
	s6 =	simm.s32 $0x108;
	_ =	swait.ge @!p0 [sflag:s8], $0x0  }
0x24: {  	s3 =	sadd.s32 $0x88, s3;
	s6 =	simm.s32 @!p1 $0x1082;
	[sflag:s4] =	ssyncset.s32 $0xFFFFF086  }
0x25: {  	[simem:s6], [sflag:s4] =	dma.local [hbm:s3], $0xF7A  }
0x26: {  	[smem:$0x3F9C] =	sst s1;
	(tag) =	ssettag s2;
	_ =	strace s9  }
0x27: {  	s1 =	sld [smem:$0x3FAC]  }
0x28: {  	s2 =	sld [smem:$0x3FAD]  }
0x29: {  	s4 =	sld [smem:$0x3FAF]  }
0x2a: {  	p0 =	seq.s32 s5, $0x0;
	s5 =	sld [smem:$0x3FB0]  }
0x2b: {  	s6 =	sld [smem:$0x3FB1]  }
0x2c: {  	s7 =	sld [smem:$0x3FB2]  }
0x2d: {  	s3 =	simm.s32 $0x108;
	s8 =	sld [smem:$0x3FB3]  }
0x2e: {  	s3 =	simm.s32 @!p0 $0x1082;
	s9 =	sld [smem:$0x3FB4]  }
0x2f: {  	lr =	sadd.s32 s0, s3;
	s0 =	sld [smem:$0x3FAB]  }
0x30: {  	s3 =	sld [smem:$0x3FAE]  }
0x31: {  	[smem:$0x3FB7] =	sst s10  }
0x32: {  	s10 =	sld [smem:$0x3FB5];
	_ =	sdelay $0x3  }
0x33: {  	p0 =	seq.s32 s10, $0x1;
	s10 =	sld [smem:$0x3FB7];
	_ =	sdelay $0x3  }
0x34: {  	[smem:$0x3FB7] =	sst s10  }
0x35: {  	s10 =	sld [smem:$0x3FB6];
	_ =	sdelay $0x3  }
0x36: {  	p1 =	seq.s32 s10, $0x1;
	s10 =	sld [smem:$0x3FB7];
	_ =	sdelay $0x3  }
0x37: {  	[smem:$0x3FB7] =	sst s10  }
0x38: {  	s10 =	sld [smem:$0x3FB8]  }
0x39: {  	_ = 	snop;
	(pc) =	sbr.ind lr, $3  }
0x3a: {  	_ = 	snop  }
0x3b: {  	_ = 	snop  }
0x3c: {  	p2 =	seq.s32 s10, $0x1;
	s10 =	sld [smem:$0x3FB7]  }
0x3d: {  	_ =	shalt  }
0x3e: {  	_ =	shalt  }
0x3f: {  	_ =	shalt  }
0x40: {  	_ =	shalt  }
0x41: {  	_ =	shalt  }
0x42: {  	_ =	shalt  }
0x43: {  	_ =	shalt  }
0x44: {  	_ =	shalt  }
0x45: {  	_ =	shalt  }
0x46: {  	_ =	shalt  }
0x47: {  	_ =	shalt  }
0x48: {  	_ =	shalt  }
0x49: {  	_ =	shalt  }
0x4a: {  	_ =	shalt  }
0x4b: {  	_ =	shalt  }
0x4c: {  	_ =	shalt  }
0x4d: {  	_ =	shalt  }
0x4e: {  	_ =	shalt  }
0x4f: {  	_ =	shalt  }
0x50: {  	_ =	shalt  }
0x51: {  	_ =	shalt  }
0x52: {  	_ =	shalt  }
0x53: {  	_ =	shalt  }
0x54: {  	_ =	shalt  }
0x55: {  	_ =	shalt  }
0x56: {  	_ =	shalt  }
0x57: {  	_ =	shalt  }
0x58: {  	_ =	shalt  }
0x59: {  	_ =	shalt  }
0x5a: {  	_ =	shalt  }
0x5b: {  	_ =	shalt  }
0x5c: {  	_ =	shalt  }
0x5d: {  	_ =	shalt  }
0x5e: {  	_ =	shalt  }
0x5f: {  	_ =	shalt  }
0x60: {  	_ =	shalt  }
0x61: {  	_ =	shalt  }
0x62: {  	_ =	shalt  }
0x63: {  	_ =	shalt  }
0x64: {  	_ =	shalt  }
0x65: {  	_ =	shalt  }
0x66: {  	_ =	shalt  }
0x67: {  	_ =	shalt  }
0x68: {  	_ =	shalt  }
0x69: {  	_ =	shalt  }
0x6a: {  	_ =	shalt  }
0x6b: {  	_ =	shalt  }
0x6c: {  	_ =	shalt  }
0x6d: {  	_ =	shalt  }
0x6e: {  	_ =	shalt  }
0x6f: {  	_ =	shalt  }
0x70: {  	_ =	shalt  }
0x71: {  	_ =	shalt  }
0x72: {  	_ =	shalt  }
0x73: {  	_ =	shalt  }
0x74: {  	_ =	shalt  }
0x75: {  	_ =	shalt  }
0x76: {  	_ =	shalt  }
0x77: {  	_ =	shalt  }
0x78: {  	_ =	shalt  }
0x79: {  	_ =	shalt  }
0x7a: {  	_ =	shalt  }
0x7b: {  	_ =	shalt  }
0x7c: {  	_ =	shalt  }
0x7d: {  	_ =	shalt  }
0x7e: {  	_ =	shalt  }
0x7f: {  	_ =	shalt  }
0x80: {  	_ =	shalt  }
0x81: {  	_ =	shalt  }
0x82: {  	_ =	shalt  }
0x83: {  	_ =	shalt  }
0x84: {  	_ =	shalt  }
0x85: {  	_ =	shalt  }
0x86: {  	_ =	shalt  }
0x87: {  	_ =	shalt  }
.Lfunc_end0:
.L_simem_size_0:
called_computation_lowered:
.L_overlay_start_0:
0x88: {  	s2 =	sld [smem:$0x3FD9]  }
0x89: {  	s3 =	sld [smem:$0x3FFE];
	_ =	sdelay $0x1  }
0x8a: {  	s1 =	srdreg.scid  }
0x8b: {  	s0 =	sand.u32 $0x1, s1  }
0x8c: {  	s17 =	sshll.u32 s0, $0xA;
	s2 =	sadd.s32 s3, s2  }
0x8d: {  	s2 =	sadd.s32 s2, s17  }
0x8e: {  	[smem:$0x3FC3] =	sst s2  }
0x8f: {  	_ = 	snop  }
0x90: {  	s2 =	sld [smem:$0x3FD0];
	(tm) =	ssettm $0x1  }
0x91: {  	s18 =	sld [smem:$0x3FFB];
	_ =	sdelay $0x3  }
0x92: {  	_ =	strace s18  }
0x93: {  	s3 =	sld [smem:$0x3FFC];
	_ =	sdelay $0x3  }
0x94: {  	_ =	strace s3  }
0x95: {  	s3 =	sld [smem:$0x3FFD];
	_ =	sdelay $0x3  }
0x96: {  	_ =	strace s3  }
0x97: {  	_ =	strace $0x8FFFFFFF  }
0x98: {  	s19 =	sld [smem:$0x3FDB];
	_ =	sdelay $0x1  }
0x99: {  	s4 =	simm.s32 $_scs_section_size  }
0x9a: {  	s5 =	simm.s32 $_size__tile_overlayer_lowered;
	s6 =	simm.s32 $_tile_overlayer_lowered  }
0x9b: {  	s22 =	simm.s32 $0x1BFF;
	s21 =	sshll.u32 s6, $0x1;
	s3 =	sadd.s32 s4, s19  }
0x9c: {  	s7 =	simm.s32 $0x0;
	s20 =	sshll.u32 s5, $0x1;
	s5 =	sadd.s32 s21, s3  }
0x9d: {  	[timem:s7], [sflag:s22] =	dma.local [hbm:s5], s20  }
0x9e: {  	_ =	swait.ge [sflag:s22], s20  }
0x9f: {  	s4 =	ssub.s32 $0x0, s20;
	[sflag:s22] =	ssyncset.done $0x0  }
0xa0: {  	[sflag:s22] =	ssyncadd.s32 s4;
	_ =	sdelay $0x1  }
0xa1: {  	s23 =	simm.s32 $0x1B8B  }
0xa2: {  	_ =	swait.ge [sflag:s23], $0x1  }
0xa3: {  	[sflag:s23] =	ssyncset.done $0x0  }
0xa4: {  	s25 =	simm.s32 $0x1B8E;
	s24 =	sld [smem:$0x3FFE];
	[sflag:s23] =	ssyncadd.s32 $0xFFFFFFFF  }
0xa5: {  	s26 =	simm.s32 $execute0_lowered;
	[smem:$0x3FD2] =	sst s25  }
0xa6: {  	s5 =	sshll.u32 s26, $0x1;
	_ =	strace $0x80000046;
	[dreg:$0x1] =	wrdreg $0xFFFFFFFF  }
0xa7: {  	s28 =	simm.s32 $_size_execute0_lowered;
	s3 =	sadd.s32 s3, s5;
	[dreg:$0x0] =	wrdreg $0x0  }
0xa8: {  	s5 =	sshll.u32 s28, $0x1;
	[dreg:$0x2] =	wrdreg s3  }
0xa9: {  	[dreg:$0x3] =	wrdreg s5  }
0xaa: {  	[dreg:$0x4] =	wrdreg $0xC0  }
0xab: {  	_ =	task [dreg:s7], $0x5FFFF  }
0xac: {  	[dreg:$0x1] =	wrdreg $0xFFFFFFFF  }
0xad: {  	[dreg:$0x0] =	wrdreg $0x60  }
0xae: {  	[dreg:$0x2] =	wrdreg s24  }
0xaf: {  	[dreg:$0x3] =	wrdreg s2  }
0xb0: {  	[dreg:$0x4] =	wrdreg $0x9  }
0xb1: {  	_ =	task.clear_ibuf [dreg:s7], $0x5FFFF;
	_ =	strace $0x90000046  }
0xb2: {  	s29 =	simm.s32 $0x9;
	_ =	strace $0x80000048  }
0xb3: {  	_ =	swait.ge [sflag:s29], $0x1  }
0xb4: {  	[sflag:s29] =	ssyncadd.s32 $0xFFFFFFFF  }
0xb5: {  	_ =	strace $0x90000048  }
0xb6: {  	_ =	sfence  }
0xb7: {  	s30 =	sld [smem:$0x0];
	_ =	sdelay $0x2  }
0xb8: {  	s31 =	sshll.u32 s1, $0xD;
	s1 =	sshrl.u32 s1, $0x2  }
0xb9: {  	s3 =	sand.u32 $0x4000, s31;
	s1 =	sadd.s32 s1, s30  }
0xba: {  	s0 =	sor.u32 s3, s0;
	s1 =	sshll.u32 s1, $0x11  }
0xbb: {  	s0 =	sor.u32 s1, s0  }
0xbc: {  	s0 =	sadd.s32 $0x8F2B, s0  }
0xbd: {  	[sflag:s0] =	ssyncadd.remote.s32 $0x1  }
0xbe: {  	_ =	sfence.sel $0xFFFF  }
0xbf: {  	[dreg:$0x0] =	wrdreg $0xFFFFFFFF;
	(pc) =	sbr.abs _section_cstart, $3  }
0xc0: {  	[dreg:$0x1] =	wrdreg $0xFFFFFFFF  }
0xc1: {  	_ =	task.clear_ibuf [dreg:s7], $0x2FFFF;
	_ =	strace $0x9FFFFFFF  }
0xc2: {  	(tm) =	ssettm $0x7FFFFFFF  }
0xc3: {  	_ =	shalt  }
tec
execute0_lowered:
.L_overlay_start_1:
0x0: {  	(tag) =	ssettag $0x1  }
0x1: {  	s0 =	srdreg.scid;
	s8 =	stileid.u32  }
0x2: {  	s0 =	sand.u32 $0x1, s0;
	s1 =	sshll.u32 s8, $0x1  }
0x3: {  	s1 =	sor.u32 s0, s1  }
0x4: {  	s1 =	smul.u32 $0x620, s1;
	_ =	sdelay $0x1  }
0x5: {  	s3 =	rddreg [dreg:$0x0];
	s1 =	smin.u32 s1, $0xBD30  }
0x6: {  	s4 =	rddreg [dreg:$0x1];
	s2 =	simm.s32 $0x0;
	s1 =	sshrl.u32 s1, $0x3  }
0x7: {  	[smem:$0x7FF] =	sst s2;
	s10 =	sadd.s32 $0x18B46A, s3;
	s7 =	sadd.s32 s1, s3  }
0x8: {  	_ =	strace $0x80000047;
	[dreg:$0x16] =	wrdreg s10;
	s11 =	sadd.s32 $0x3200, s7  }
0x9: {  	s12 =	sadd.s32 $0x4C00, s7;
	[dreg:$0x3] =	wrdreg s11  }
0xa: {  	s13 =	sadd.s32 $0x6600, s7;
	[dreg:$0x4] =	wrdreg s12  }
0xb: {  	s14 =	sadd.s32 $0x8000, s7;
	[dreg:$0x5] =	wrdreg s13  }
0xc: {  	s15 =	sadd.s32 $0x9A00, s7;
	[dreg:$0x6] =	wrdreg s14  }
0xd: {  	s16 =	sadd.s32 $0xB400, s7;
	[dreg:$0x7] =	wrdreg s15  }
0xe: {  	s17 =	sadd.s32 $0xCE00, s7;
	[dreg:$0x8] =	wrdreg s16  }
0xf: {  	s18 =	sadd.s32 $0xE800, s7;
	[dreg:$0x9] =	wrdreg s17  }
0x10: {  	s19 =	sadd.s32 $0x1D200, s7;
	[dreg:$0xa] =	wrdreg s18  }
0x11: {  	s20 =	sadd.s32 $0x10200, s7;
	[dreg:$0xb] =	wrdreg s19  }
0x12: {  	s21 =	sadd.s32 $0x11C00, s7;
	[dreg:$0xc] =	wrdreg s20  }
0x13: {  	s22 =	sadd.s32 $0x13600, s7;
	[dreg:$0xd] =	wrdreg s21  }
0x14: {  	s23 =	sadd.s32 $0x15000, s7;
	[dreg:$0xe] =	wrdreg s22  }
0x15: {  	s24 =	sadd.s32 $0x16A00, s7;
	[dreg:$0xf] =	wrdreg s23  }
0x16: {  	s25 =	sadd.s32 $0x18400, s7;
	[dreg:$0x10] =	wrdreg s24  }
0x17: {  	s26 =	sadd.s32 $0x19E00, s7;
	[dreg:$0x11] =	wrdreg s25  }
0x18: {  	s29 =	sadd.s32 $0x1B800, s7;
	[dreg:$0x12] =	wrdreg s26  }
0x19: {  	s31 =	sadd.s32 $0x1EC00, s7;
	[dreg:$0x13] =	wrdreg s29  }
0x1a: {  	s7 =	sadd.s32 $0x189C00, s3;
	[dreg:$0x14] =	wrdreg s31  }
0x1b: {  	s9 =	smul.u32 $0xC40, s8;
	[dreg:$0x15] =	wrdreg s7;
	s11 =	sadd.s32 $0x18CCD4, s3  }
0x1c: {  	s5 =	ssub.s32 $0x2, s0;
	s12 =	sadd.s32 $0x18E53E, s3;
	[dreg:$0x17] =	wrdreg s11  }
0x1d: {  	s6 =	sshrl.u32 s5, $0x1;
	s13 =	sadd.s32 $0x18FDA8, s3;
	[dreg:$0x18] =	wrdreg s12  }
0x1e: {  	s5 =	ssub.s32 s5, s6;
	s14 =	sadd.s32 $0x191612, s3;
	[dreg:$0x19] =	wrdreg s13  }
0x1f: {  	s22 =	sadd.s32 s4, s1;
	s15 =	smax.u32 s5, $0x1;
	[dreg:$0x1a] =	wrdreg s14  }
0x20: {  	s0 =	smul.u32 $0x620, s0;
	[dreg:$0x1b] =	wrdreg s15;
	s16 =	sadd.s32 $0x3200, s22  }
0x21: {  	s28 =	simm.s32 $0x1;
	s17 =	sadd.s32 $0x6400, s22;
	[dreg:$0x1c] =	wrdreg s16  }
0x22: {  	s0 =	sadd.s32 s0, s9;
	s18 =	sadd.s32 $0x9600, s22;
	[dreg:$0x1d] =	wrdreg s17  }
0x23: {  	s30 =	smin.u32 s0, $0xBD30;
	s19 =	sadd.s32 $0xC800, s22;
	[dreg:$0x1e] =	wrdreg s18  }
0x24: {  	s0 =	simm.s32 $0x1E2E0;
	s20 =	sadd.s32 $0xFA00, s22;
	[dreg:$0x1f] =	wrdreg s19  }
0x25: {  	s1 =	simm.s32 $0x1DCC0;
	s21 =	sadd.s32 $0x12C00, s22;
	[smem:$0x7F6] =	sst s20  }
0x26: {  	s3 =	simm.s32 $0x1E900;
	s23 =	sadd.s32 $0x15E00, s22;
	[smem:$0x7F7] =	sst s21  }
0x27: {  	s4 =	simm.s32 $0x3;
	s24 =	sadd.s32 $0x19000, s22;
	[smem:$0x7F8] =	sst s23  }
0x28: {  	s5 =	simm.s32 $0x0;
	s25 =	sadd.s32 $0x1C200, s22;
	[smem:$0x7F9] =	sst s24  }
0x29: {  	s26 =	sadd.s32 $0x1900, s22;
	s29 =	sadd.s32 $0x4B00, s22;
	[smem:$0x7FA] =	sst s25  }
0x2a: {  	s31 =	sadd.s32 $0x7D00, s22;
	s12 =	sadd.s32 $0xAF00, s22;
	[smem:$0x7FB] =	sst s26  }
0x2b: {  	s13 =	sadd.s32 $0xE100, s22;
	s14 =	sadd.s32 $0x11300, s22;
	[smem:$0x7FC] =	sst s29  }
0x2c: {  	s15 =	sadd.s32 $0x14500, s22;
	[smem:$0x7FD] =	sst s31;
	s16 =	sadd.s32 $0x17700, s22  }
0x2d: {  	s17 =	sadd.s32 $0x1A900, s22;
	s18 =	sadd.s32 $0x1DB00, s22;
	s19 =	sadd.s32 $0xC380, s30  }
0x2e: {  	s26 =	simm.s32 $0x1EF20;
	s23 =	simm.s32 $0x2;
	s24 =	simm.s32 $0xC380  }
.LBB2_1:
0x2f: {  	s6 =	rddreg [dreg:$0x15]  }
0x30: {  	[tilespmem:s2], [sflag:$0x1] =	stream.linear.gather [hbm4b:s6+s2], $0xC350, $0x38;
	[tilespmem:$0x1F580] =	vst v63  }
0x31: {  	s25 =	rddreg [dreg:$0x3];
	s7 =	simm.s32 $0x18700  }
0x32: {  	[tilespmem:s7], [sflag:$0x2] =	stream.linear.gather [hbm4b:s25+s2], $0x620, $0x38;
	[tilespmem:$0x1F580] =	vst v63  }
0x33: {  	s8 =	simm.s32 $0x18D20;
	s7 =	rddreg [dreg:$0x4]  }
0x34: {  	[tilespmem:s8], [sflag:$0x2] =	stream.linear.gather [hbm4b:s7+s2], $0x620, $0x38;
	[tilespmem:$0x1F580] =	vst v63  }
0x35: {  	s9 =	rddreg [dreg:$0x5];
	s10 =	simm.s32 $0x19340  }
0x36: {  	[tilespmem:s10], [sflag:$0x2] =	stream.linear.gather [hbm4b:s9+s2], $0x620, $0x38;
	[tilespmem:$0x1F580] =	vst v63  }
0x37: {  	s11 =	rddreg [dreg:$0x6];
	s20 =	simm.s32 $0x19960  }
0x38: {  	[tilespmem:s20], [sflag:$0x2] =	stream.linear.gather [hbm4b:s11+s2], $0x620, $0x38;
	[tilespmem:$0x1F580] =	vst v63  }
0x39: {  	s21 =	rddreg [dreg:$0x7];
	s25 =	simm.s32 $0x19F80  }
0x3a: {  	[tilespmem:s25], [sflag:$0x2] =	stream.linear.gather [hbm4b:s21+s2], $0x620, $0x38;
	[tilespmem:$0x1F580] =	vst v63  }
0x3b: {  	s6 =	simm.s32 $0x1A5A0;
	s8 =	rddreg [dreg:$0x8]  }
0x3c: {  	[tilespmem:s6], [sflag:$0x2] =	stream.linear.gather [hbm4b:s8+s2], $0x620, $0x38;
	[tilespmem:$0x1F580] =	vst v63  }
0x3d: {  	s9 =	rddreg [dreg:$0x9];
	s8 =	simm.s32 $0x1ABC0  }
0x3e: {  	[tilespmem:s8], [sflag:$0x2] =	stream.linear.gather [hbm4b:s9+s2], $0x620, $0x38;
	[tilespmem:$0x1F580] =	vst v63  }
0x3f: {  	s10 =	rddreg [dreg:$0xa];
	s11 =	simm.s32 $0x1B1E0  }
0x40: {  	[tilespmem:s11], [sflag:$0x2] =	stream.linear.gather [hbm4b:s10+s2], $0x620, $0x38;
	[tilespmem:$0x1F580] =	vst v63  }
0x41: {  	s20 =	rddreg [dreg:$0xb]  }
0x42: {  	[tilespmem:s26], [sflag:$0x2] =	stream.linear.gather [hbm4b:s20+s2], $0x620, $0x38;
	[tilespmem:$0x1F580] =	vst v63  }
0x43: {  	_ =	swait.ge [sflag:s23], $0x620  }
0x44: {  	[sflag:s23] =	ssyncset.done $0x0  }
0x45: {  	[sflag:s23] =	ssyncadd.s32 $0xFFFFF9E0  }
0x46: {  	_ =	swait.ge [sflag:s23], $0x620  }
0x47: {  	[sflag:s23] =	ssyncset.done $0x0  }
0x48: {  	[sflag:s23] =	ssyncadd.s32 $0xFFFFF9E0  }
0x49: {  	_ =	swait.ge [sflag:s23], $0x620  }
0x4a: {  	[sflag:s23] =	ssyncset.done $0x0  }
0x4b: {  	[sflag:s23] =	ssyncadd.s32 $0xFFFFF9E0  }
0x4c: {  	_ =	swait.ge [sflag:s23], $0x620  }
0x4d: {  	[sflag:s23] =	ssyncset.done $0x0  }
0x4e: {  	[sflag:s23] =	ssyncadd.s32 $0xFFFFF9E0  }
0x4f: {  	_ =	swait.ge [sflag:s23], $0x620  }
0x50: {  	[sflag:s23] =	ssyncset.done $0x0  }
0x51: {  	[sflag:s23] =	ssyncadd.s32 $0xFFFFF9E0  }
0x52: {  	_ =	swait.ge [sflag:s23], $0x620  }
0x53: {  	[sflag:s23] =	ssyncset.done $0x0  }
0x54: {  	[sflag:s23] =	ssyncadd.s32 $0xFFFFF9E0  }
0x55: {  	_ =	swait.ge [sflag:s23], $0x620  }
0x56: {  	[sflag:s23] =	ssyncset.done $0x0  }
0x57: {  	[sflag:s23] =	ssyncadd.s32 $0xFFFFF9E0  }
0x58: {  	_ =	swait.ge [sflag:s23], $0x620  }
0x59: {  	[sflag:s23] =	ssyncset.done $0x0  }
0x5a: {  	[sflag:s23] =	ssyncadd.s32 $0xFFFFF9E0  }
0x5b: {  	_ =	swait.ge [sflag:s23], $0x620  }
0x5c: {  	[sflag:s23] =	ssyncset.done $0x0  }
0x5d: {  	[sflag:s23] =	ssyncadd.s32 $0xFFFFF9E0  }
0x5e: {  	_ =	swait.ge [sflag:s28], $0xC350  }
0x5f: {  	[sflag:s28] =	ssyncset.done $0x0  }
0x60: {  	s21 =	rddreg [dreg:$0x16];
	[sflag:s28] =	ssyncadd.s32 $0xFFFF3CB0  }
0x61: {  	[tilespmem:s24], [sflag:$0x1] =	stream.linear.gather [hbm4b:s21+s2], $0xC350, $0x38;
	[tilespmem:$0x1F580] =	vst v63  }
0x62: {  	v1 =	vld [tilespmem:s6+$0xFFFFE160];
	_ =	sdelay $0x1  }
0x63: {  	v2 =	vld [tilespmem:s6+$0xFFFFEDA0]  }
0x64: {  	s25 =	sand.u32 $0x7F0, s2;
	v3 =	vld [tilespmem:s6+$0xFFFFE780]  }
0x65: {  	v5 =	vld [tilespmem:s25+$0x19F80]  }
0x66: {  	v0 =	vld [tilespmem:s30+$0x0];
	v4 =	vand.u32 $0xFFFF, v1  }
0x67: {  	v6 =	vld [tilespmem:s6+$0x620];
	v1 =	vshrl.u32 v1, $0x10  }
0x68: {  	v11 =	vld [tilespmem:s6+$0x0];
	v8 =	vshrl.u32 v2, $0x10  }
0x69: {  	v15 =	vld [tilespmem:s6+$0xC40];
	v14 =	vshrl.u32 v3, $0x10  }
0x6a: {  	v17 =	vld [tilespmem:s6+$0xFFFFF3C0];
	v16 =	vand.u32 $0xFFFF, v3  }
0x6b: {  	v13 =	vand.u32 $0xFFFF, v5;
	v4 =	vld.idx.msk [tilespmem:v4+s2+$0x0], $0xffff  }
0x6c: {  	v9 =	vshrl.u32 v5, $0x10;
	v7 =	vld.idx.msk [tilespmem:v1+s2+$0x0], $0xffff  }
0x6d: {  	s29 =	sadd.s32 $0x10, s30;
	s31 =	simm.s32 $0x1A5B0;
	s7 =	simm.s32 $0x10;
	v2 =	vand.u32 $0xFFFF, v2;
	v12 =	vshrl.u32 v6, $0x10;
	v10 =	vand.u32 $0xFFFF, v6;
	v1 =	vld.idx.msk [tilespmem:v8+s2+$0x0], $0xffff  }
0x6e: {  	s9 =	simm.s32 $0x1CA70;
	s8 =	simm.s32 $0x1CA60;
	s10 =	simm.s32 $0x20;
	v5 =	vand.u32 $0xFFFF, v11;
	v6 =	vshrl.u32 v15, $0x10;
	v8 =	vshrl.u32 v11, $0x10;
	v11 =	vld.idx.msk [tilespmem:v14+s2+$0x0], $0xffff  }
0x6f: {  	s20 =	simm.s32 $0x1A5B0;
	s6 =	simm.s32 $0x1CA70;
	s25 =	smov.u32 s29;
	v3 =	vand.u32 $0xFFFF, v15;
	v15 =	vshrl.u32 v17, $0x10;
	v14 =	vld.idx.msk [tilespmem:v16+s2+$0x0], $0xffff;
	v16 =	vand.u32 $0xFFFF, v17  }
.LBB2_2:
0x70: {  	s29 =	sadd.s32 $0x10, s29;
	s9 =	sadd.s32 $0x10, s9;
	s31 =	sadd.s32 $0x10, s31;
	v13 =	vld.idx.msk [tilespmem:v13+s2+$0x0], $0xffff  }
0x71: {  	p0 =	sne.s32 s10, $0x610;
	s21 =	smov.u32 s10;
	s10 =	sadd.s32 $0x10, s10;
	v9 =	vld.idx.msk [tilespmem:v9+s2+$0x0], $0xffff  }
0x72: {  	v17 =	vmax.f32 v4, v7;
	v4 =	vmin.f32 v4, v7;
	v7 =	vld.idx.msk [tilespmem:v12+s2+$0x0], $0xffff  }
0x73: {  	v10 =	vld.idx.msk [tilespmem:v10+s2+$0x0], $0xffff  }
0x74: {  	v2 =	vld.idx.msk [tilespmem:v2+s2+$0x0], $0xffff  }
0x75: {  	v12 =	vmax.f32 v14, v11;
	v11 =	vmin.f32 v14, v11;
	v14 =	vld.idx.msk [tilespmem:v16+s2+$0x0], $0xffff  }
0x76: {  	v15 =	vld.idx.msk [tilespmem:v15+s2+$0x0], $0xffff  }
0x77: {  	v8 =	vld.idx.msk [tilespmem:v8+s2+$0x0], $0xffff  }
0x78: {  	v4 =	vmin.f32 v4, v11;
	v5 =	vld.idx.msk [tilespmem:v5+s2+$0x0], $0xffff  }
0x79: {  	v11 =	vmax.f32 v17, v12;
	v6 =	vld.idx.msk [tilespmem:v6+s2+$0x0], $0xffff  }
0x7a: {  	v12 =	vmax.f32 v2, v1;
	v1 =	vmin.f32 v2, v1;
	v2 =	vmax.f32 v13, v9;
	v3 =	vld.idx.msk [tilespmem:v3+s2+$0x0], $0xffff  }
0x7b: {  	v11 =	vmax.f32 v11, v12;
	v1 =	vmin.f32 v4, v1;
	[tilespmem:s8+$0xFFFFEDA0] =	vst v0  }
0x7c: {  	v9 =	vmin.f32 v13, v9;
	v4 =	vmax.f32 v14, v15;
	v12 =	vmin.f32 v14, v15  }
0x7d: {  	v4 =	vmax.f32 v11, v4;
	v1 =	vmin.f32 v1, v12;
	v11 =	vmin.f32 v10, v7  }
0x7e: {  	v7 =	vmax.f32 v10, v7;
	v1 =	vmin.f32 v1, v9;
	v9 =	vmin.f32 v5, v8  }
0x7f: {  	v2 =	vmax.f32 v4, v2;
	v4 =	vmax.f32 v5, v8;
	v1 =	vmin.f32 v1, v9  }
0x80: {  	v2 =	vmax.f32 v2, v4;
	v1 =	vmin.f32 v1, v11;
	v4 =	vmin.f32 v3, v6  }
0x81: {  	v2 =	vmax.f32 v2, v7;
	v3 =	vmax.f32 v3, v6;
	v1 =	vmin.f32 v1, v4  }
0x82: {  	v2 =	vmax.f32 v2, v3;
	v0 =	vsub.f32 v0, v1  }
0x83: {  	[tilespmem:s8+$0x0] =	vst v2  }
0x84: {  	[tilespmem:s8+$0x1260] =	vst v0;
	s8 =	smov.u32 s6;
	s6 =	smov.u32 s9  }
0x85: {  	v1 =	vld [tilespmem:s20+$0xFFFFE160]  }
0x86: {  	v2 =	vld [tilespmem:s20+$0xFFFFE780]  }
0x87: {  	s11 =	sand.u32 $0x7F0, s7;
	s7 =	smov.u32 s21;
	v3 =	vld [tilespmem:s20+$0xFFFFEDA0]  }
0x88: {  	v4 =	vld [tilespmem:s11+$0x19F80];
	_ =	sdelay $0x1  }
0x89: {  	v0 =	vld [tilespmem:s25+$0x0];
	v5 =	vshrl.u32 v1, $0x10;
	v1 =	vand.u32 $0xFFFF, v1;
	s25 =	smov.u32 s29  }
0x8a: {  	v6 =	vshrl.u32 v2, $0x10;
	v14 =	vand.u32 $0xFFFF, v2;
	v8 =	vld [tilespmem:s20+$0x620]  }
0x8b: {  	v11 =	vshrl.u32 v3, $0x10;
	v2 =	vand.u32 $0xFFFF, v3;
	v3 =	vld [tilespmem:s20+$0x0]  }
0x8c: {  	v9 =	vshrl.u32 v4, $0x10;
	v13 =	vand.u32 $0xFFFF, v4;
	v15 =	vld [tilespmem:s20+$0xC40]  }
0x8d: {  	v16 =	vld [tilespmem:s20+$0xFFFFF3C0];
	s20 =	smov.u32 s31  }
.Ltmp0:
0x8e: {  	v4 =	vld.idx.msk [tilespmem:v1+s2+$0x0], $0xffff;
	(pc) =	sbr.rel @p0 .LBB2_2-.Ltmp0, $4  }
0x8f: {  	v7 =	vld.idx.msk [tilespmem:v5+s2+$0x0], $0xffff;
	v12 =	vshrl.u32 v8, $0x10;
	v10 =	vand.u32 $0xFFFF, v8  }
0x90: {  	v1 =	vld.idx.msk [tilespmem:v11+s2+$0x0], $0xffff;
	v8 =	vshrl.u32 v3, $0x10;
	v5 =	vand.u32 $0xFFFF, v3  }
0x91: {  	v11 =	vld.idx.msk [tilespmem:v6+s2+$0x0], $0xffff;
	v6 =	vshrl.u32 v15, $0x10;
	v3 =	vand.u32 $0xFFFF, v15  }
0x92: {  	v14 =	vld.idx.msk [tilespmem:v14+s2+$0x0], $0xffff;
	v15 =	vshrl.u32 v16, $0x10;
	v16 =	vand.u32 $0xFFFF, v16  }
0x93: {  	_ =	sdelay $0x3  }
0x94: {  	v13 =	vld.idx.msk [tilespmem:v13+s2+$0x0], $0xffff  }
0x95: {  	v9 =	vld.idx.msk [tilespmem:v9+s2+$0x0], $0xffff  }
0x96: {  	v12 =	vld.idx.msk [tilespmem:v12+s2+$0x0], $0xffff  }
0x97: {  	v10 =	vld.idx.msk [tilespmem:v10+s2+$0x0], $0xffff  }
0x98: {  	v2 =	vld.idx.msk [tilespmem:v2+s2+$0x0], $0xffff  }
0x99: {  	v16 =	vld.idx.msk [tilespmem:v16+s2+$0x0], $0xffff  }
0x9a: {  	v15 =	vld.idx.msk [tilespmem:v15+s2+$0x0], $0xffff  }
0x9b: {  	v8 =	vld.idx.msk [tilespmem:v8+s2+$0x0], $0xffff  }
0x9c: {  	v5 =	vld.idx.msk [tilespmem:v5+s2+$0x0], $0xffff;
	v17 =	vmin.f32 v4, v7;
	v18 =	vmin.f32 v14, v11  }
0x9d: {  	v4 =	vmax.f32 v4, v7;
	v40 =	vmax.f32 v14, v11;
	v41 =	vmin.f32 v17, v18  }
0x9e: {  	v6 =	vld.idx.msk [tilespmem:v6+s2+$0x0], $0xffff;
	v4 =	vmax.f32 v4, v40;
	v42 =	vmax.f32 v2, v1;
	v1 =	vmin.f32 v2, v1  }
0x9f: {  	v3 =	vld.idx.msk [tilespmem:v3+s2+$0x0], $0xffff;
	v2 =	vmax.f32 v13, v9;
	v43 =	vmax.f32 v16, v15;
	v44 =	vmin.f32 v16, v15  }
0xa0: {  	v9 =	vmin.f32 v13, v9;
	v45 =	vmin.f32 v10, v12;
	v1 =	vmin.f32 v41, v1  }
0xa1: {  	v46 =	vmin.f32 v5, v8;
	v4 =	vmax.f32 v4, v42;
	v1 =	vmin.f32 v1, v44  }
0xa2: {  	v10 =	vmax.f32 v10, v12;
	v4 =	vmax.f32 v4, v43;
	v1 =	vmin.f32 v1, v9  }
0xa3: {  	v2 =	vmax.f32 v4, v2;
	v4 =	vmax.f32 v5, v8;
	v1 =	vmin.f32 v1, v46  }
0xa4: {  	v2 =	vmax.f32 v2, v4;
	v4 =	vmin.f32 v3, v6;
	v1 =	vmin.f32 v1, v45  }
0xa5: {  	v3 =	vmax.f32 v3, v6;
	v2 =	vmax.f32 v2, v10;
	v1 =	vmin.f32 v1, v4  }
0xa6: {  	[tilespmem:s8+$0xFFFFEDA0] =	vst v0;
	v2 =	vmax.f32 v2, v3;
	v0 =	vsub.f32 v0, v1  }
0xa7: {  	[tilespmem:s8+$0x0] =	vst v2  }
0xa8: {  	[tilespmem:s8+$0x1260] =	vst v0  }
0xa9: {  	v0 =	vld [tilespmem:s20+$0xFFFFE160];
	_ =	sdelay $0x1  }
0xaa: {  	v1 =	vld [tilespmem:s20+$0xFFFFEDA0]  }
0xab: {  	v2 =	vld [tilespmem:s20+$0xFFFFE780]  }
0xac: {  	s7 =	sand.u32 $0x7F0, s7  }
0xad: {  	v3 =	vld [tilespmem:s7+$0x19F80];
	v4 =	vand.u32 $0xFFFF, v0  }
0xae: {  	v5 =	vld [tilespmem:s20+$0x620];
	v0 =	vshrl.u32 v0, $0x10  }
0xaf: {  	v48 =	vld [tilespmem:s20+$0x0];
	v47 =	vshrl.u32 v1, $0x10  }
0xb0: {  	v51 =	vld [tilespmem:s20+$0xFFFFF3C0];
	v49 =	vshrl.u32 v2, $0x10  }
0xb1: {  	v50 =	vld [tilespmem:s20+$0xC40];
	v2 =	vand.u32 $0xFFFF, v2  }
0xb2: {  	v52 =	vand.u32 $0xFFFF, v3;
	v4 =	vld.idx.msk [tilespmem:v4+s2+$0x0], $0xffff  }
0xb3: {  	v3 =	vshrl.u32 v3, $0x10;
	v0 =	vld.idx.msk [tilespmem:v0+s2+$0x0], $0xffff  }
0xb4: {  	v1 =	vand.u32 $0xFFFF, v1;
	v6 =	vld.idx.msk [tilespmem:v47+s2+$0x0], $0xffff  }
0xb5: {  	v54 =	vand.u32 $0xFFFF, v51;
	v8 =	vld.idx.msk [tilespmem:v49+s2+$0x0], $0xffff  }
0xb6: {  	v10 =	vshrl.u32 v51, $0x10;
	v2 =	vld.idx.msk [tilespmem:v2+s2+$0x0], $0xffff  }
0xb7: {  	v53 =	vshrl.u32 v5, $0x10;
	v11 =	vld.idx.msk [tilespmem:v52+s2+$0x0], $0xffff  }
0xb8: {  	v55 =	vshrl.u32 v48, $0x10;
	v3 =	vld.idx.msk [tilespmem:v3+s2+$0x0], $0xffff  }
0xb9: {  	v7 =	vand.u32 $0xFFFF, v48;
	v1 =	vld.idx.msk [tilespmem:v1+s2+$0x0], $0xffff  }
0xba: {  	v5 =	vand.u32 $0xFFFF, v5;
	v13 =	vld.idx.msk [tilespmem:v54+s2+$0x0], $0xffff  }
0xbb: {  	v9 =	vand.u32 $0xFFFF, v50;
	v10 =	vld.idx.msk [tilespmem:v10+s2+$0x0], $0xffff  }
0xbc: {  	v56 =	vshrl.u32 v50, $0x10;
	v12 =	vld.idx.msk [tilespmem:v53+s2+$0x0], $0xffff  }
0xbd: {  	v14 =	vld.idx.msk [tilespmem:v55+s2+$0x0], $0xffff  }
0xbe: {  	v7 =	vld.idx.msk [tilespmem:v7+s2+$0x0], $0xffff;
	v57 =	vmin.f32 v4, v0;
	v58 =	vmin.f32 v2, v8  }
0xbf: {  	v5 =	vld.idx.msk [tilespmem:v5+s2+$0x0], $0xffff;
	v0 =	vmax.f32 v4, v0;
	v2 =	vmax.f32 v2, v8;
	v59 =	vmax.f32 v1, v6  }
0xc0: {  	v9 =	vld.idx.msk [tilespmem:v9+s2+$0x0], $0xffff;
	v1 =	vmin.f32 v1, v6;
	v60 =	vmax.f32 v11, v3;
	v61 =	vmin.f32 v13, v10  }
0xc1: {  	v3 =	vmin.f32 v11, v3;
	v4 =	vmin.f32 v57, v58;
	v0 =	vmax.f32 v0, v2;
	v2 =	vld.idx.msk [tilespmem:v56+s2+$0x0], $0xffff  }
0xc2: {  	v0 =	vmax.f32 v0, v59;
	v1 =	vmin.f32 v4, v1;
	v4 =	vmax.f32 v13, v10  }
0xc3: {  	v62 =	vld [tilespmem:s25+$0x0];
	v63 =	vmax.f32 v7, v14;
	v0 =	vmax.f32 v0, v4;
	v1 =	vmin.f32 v1, v61  }
0xc4: {  	v4 =	vmin.f32 v5, v12;
	v1 =	vmin.f32 v1, v3;
	v3 =	vmin.f32 v7, v14  }
0xc5: {  	v5 =	vmax.f32 v5, v12;
	v0 =	vmax.f32 v0, v60;
	v1 =	vmin.f32 v1, v3  }
0xc6: {  	v0 =	vmax.f32 v0, v63;
	v1 =	vmin.f32 v1, v4;
	v3 =	vmin.f32 v9, v2  }
0xc7: {  	v0 =	vmax.f32 v0, v5;
	v2 =	vmax.f32 v9, v2;
	v1 =	vmin.f32 v1, v3  }
0xc8: {  	[tilespmem:s6+$0xFFFFEDA0] =	vst v62;
	v0 =	vmax.f32 v0, v2;
	v1 =	vsub.f32 v62, v1  }
0xc9: {  	[tilespmem:s6+$0x0] =	vst v0  }
0xca: {  	[tilespmem:s6+$0x1260] =	vst v1  }
0xcb: {  	_ =	swait.ge [sflag:s28], $0xC350  }
0xcc: {  	s29 =	simm.s32 $0x0;
	[sflag:s28] =	ssyncset.done $0x0  }
0xcd: {  	s6 =	sand.u32 $0x7F0, s29;
	s31 =	rddreg [dreg:$0x17];
	[sflag:s28] =	ssyncadd.s32 $0xFFFF3CB0  }
0xce: {  	[tilespmem:s29], [sflag:$0x1] =	stream.linear.gather [hbm4b:s31+s29], $0xC350, $0x38;
	[tilespmem:$0x1F580] =	vst v63  }
0xcf: {  	s10 =	simm.s32 $0x1A5A0;
	v3 =	vld [tilespmem:s6+$0x19F80]  }
0xd0: {  	v2 =	vld [tilespmem:s10+$0x0];
	_ =	sdelay $0x1  }
0xd1: {  	s9 =	simm.s32 $0x1A5A0;
	s8 =	smov.u32 s19;
	v0 =	vld [tilespmem:s10+$0xFFFFE160]  }
0xd2: {  	s20 =	simm.s32 $0x1E2E0;
	s25 =	simm.s32 $0x10;
	s7 =	simm.s32 $0x1E2E0;
	v1 =	vld [tilespmem:s10+$0xFFFFE780]  }
.LBB2_4:
0xd3: {  	v4 =	vld [tilespmem:s8+$0x0];
	v5 =	vshrl.u32 v3, $0x10;
	v3 =	vand.u32 $0xFFFF, v3;
	s20 =	sadd.s32 $0x10, s20;
	s8 =	sadd.s32 $0x10, s8;
	s10 =	sadd.s32 $0x10, s10  }
0xd4: {  	p0 =	sne.s32 s25, $0x610;
	s11 =	smov.u32 s25;
	s25 =	sadd.s32 $0x10, s25;
	v6 =	vld [tilespmem:s9+$0xFFFFEDA0];
	v7 =	vshrl.u32 v2, $0x10;
	v2 =	vand.u32 $0xFFFF, v2  }
0xd5: {  	v8 =	vld [tilespmem:s9+$0xC40]  }
0xd6: {  	v9 =	vshrl.u32 v0, $0x10;
	v0 =	vand.u32 $0xFFFF, v0;
	v10 =	vld [tilespmem:s9+$0x620]  }
0xd7: {  	v11 =	vshrl.u32 v1, $0x10;
	v1 =	vand.u32 $0xFFFF, v1;
	v12 =	vld [tilespmem:s9+$0xFFFFF3C0];
	s9 =	smov.u32 s10  }
0xd8: {  	v5 =	vld.idx.msk [tilespmem:v5+s24+$0x0], $0xffff  }
0xd9: {  	v13 =	vshrl.u32 v6, $0x10;
	v3 =	vld.idx.msk [tilespmem:v3+s24+$0x0], $0xffff  }
0xda: {  	v7 =	vld.idx.msk [tilespmem:v7+s24+$0x0], $0xffff;
	v14 =	vshrl.u32 v8, $0x10;
	v8 =	vand.u32 $0xFFFF, v8  }
0xdb: {  	v6 =	vand.u32 $0xFFFF, v6;
	v0 =	vld.idx.msk [tilespmem:v0+s24+$0x0], $0xffff;
	v15 =	vshrl.u32 v10, $0x10;
	v10 =	vand.u32 $0xFFFF, v10  }
0xdc: {  	v11 =	vld.idx.msk [tilespmem:v11+s24+$0x0], $0xffff;
	v16 =	vshrl.u32 v12, $0x10;
	v12 =	vand.u32 $0xFFFF, v12  }
0xdd: {  	v2 =	vld.idx.msk [tilespmem:v2+s24+$0x0], $0xffff  }
0xde: {  	v1 =	vld.idx.msk [tilespmem:v1+s24+$0x0], $0xffff  }
0xdf: {  	v17 =	vmax.f32 v3, v5;
	v13 =	vld.idx.msk [tilespmem:v13+s24+$0x0], $0xffff  }
0xe0: {  	v9 =	vld.idx.msk [tilespmem:v9+s24+$0x0], $0xffff  }
0xe1: {  	s11 =	sand.u32 $0x7F0, s11;
	v6 =	vld.idx.msk [tilespmem:v6+s24+$0x0], $0xffff  }
0xe2: {  	v16 =	vld.idx.msk [tilespmem:v16+s24+$0x0], $0xffff  }
0xe3: {  	v12 =	vld.idx.msk [tilespmem:v12+s24+$0x0], $0xffff  }
0xe4: {  	v18 =	vmax.f32 v1, v11;
	v1 =	vmin.f32 v1, v11;
	v10 =	vld.idx.msk [tilespmem:v10+s24+$0x0], $0xffff  }
0xe5: {  	v11 =	vld.idx.msk [tilespmem:v15+s24+$0x0], $0xffff  }
0xe6: {  	v15 =	vmax.f32 v0, v9;
	v0 =	vmin.f32 v0, v9;
	v9 =	vld.idx.msk [tilespmem:v14+s24+$0x0], $0xffff  }
0xe7: {  	v0 =	vmin.f32 v0, v1;
	v1 =	vmax.f32 v6, v13;
	v6 =	vmin.f32 v6, v13;
	v8 =	vld.idx.msk [tilespmem:v8+s24+$0x0], $0xffff  }
0xe8: {  	v3 =	vmin.f32 v3, v5;
	v13 =	vmax.f32 v15, v18;
	v0 =	vmin.f32 v0, v6;
	[tilespmem:s7+$0xFFFFDB40] =	vst v4  }
0xe9: {  	v5 =	vmax.f32 v12, v16;
	v6 =	vmin.f32 v12, v16;
	v12 =	vmin.f32 v2, v7  }
0xea: {  	v1 =	vmax.f32 v13, v1;
	v2 =	vmax.f32 v2, v7;
	v0 =	vmin.f32 v0, v6  }
0xeb: {  	v1 =	vmax.f32 v1, v5;
	v0 =	vmin.f32 v0, v3;
	v3 =	vmax.f32 v10, v11  }
0xec: {  	v1 =	vmax.f32 v1, v17;
	v5 =	vmin.f32 v10, v11;
	v0 =	vmin.f32 v0, v12  }
0xed: {  	v1 =	vmax.f32 v1, v2;
	v0 =	vmin.f32 v0, v5;
	v2 =	vmin.f32 v8, v9  }
0xee: {  	v1 =	vmax.f32 v1, v3;
	v3 =	vmax.f32 v8, v9;
	v0 =	vmin.f32 v0, v2  }
0xef: {  	v1 =	vmax.f32 v1, v3;
	v0 =	vsub.f32 v4, v0  }
0xf0: {  	[tilespmem:s6+$0x1D080] =	vst v1;
	s6 =	smov.u32 s11  }
0xf1: {  	[tilespmem:s7+$0x0] =	vst v0;
	s7 =	smov.u32 s20  }
.Ltmp1:
0xf2: {  	v3 =	vld [tilespmem:s6+$0x19F80];
	(pc) =	sbr.rel @p0 .LBB2_4-.Ltmp1, $3  }
0xf3: {  	v2 =	vld [tilespmem:s10+$0x0];
	_ =	sdelay $0x1  }
0xf4: {  	v0 =	vld [tilespmem:s10+$0xFFFFE160]  }
0xf5: {  	v1 =	vld [tilespmem:s10+$0xFFFFE780]  }
0xf6: {  	v4 =	vshrl.u32 v3, $0x10  }
0xf7: {  	v3 =	vand.u32 $0xFFFF, v3;
	v5 =	vld [tilespmem:s9+$0xFFFFEDA0]  }
0xf8: {  	v7 =	vld [tilespmem:s9+$0xC40];
	v6 =	vshrl.u32 v2, $0x10  }
0xf9: {  	v9 =	vld [tilespmem:s9+$0x620];
	v8 =	vand.u32 $0xFFFF, v0  }
0xfa: {  	v11 =	vld [tilespmem:s9+$0xFFFFF3C0];
	v0 =	vshrl.u32 v0, $0x10  }
0xfb: {  	v10 =	vshrl.u32 v1, $0x10;
	v4 =	vld.idx.msk [tilespmem:v4+s24+$0x0], $0xffff  }
0xfc: {  	v1 =	vand.u32 $0xFFFF, v1;
	v3 =	vld.idx.msk [tilespmem:v3+s24+$0x0], $0xffff  }
0xfd: {  	v12 =	vshrl.u32 v5, $0x10;
	v6 =	vld.idx.msk [tilespmem:v6+s24+$0x0], $0xffff  }
0xfe: {  	v5 =	vand.u32 $0xFFFF, v5;
	v8 =	vld.idx.msk [tilespmem:v8+s24+$0x0], $0xffff  }
0xff: {  	v13 =	vshrl.u32 v11, $0x10;
	v0 =	vld.idx.msk [tilespmem:v0+s24+$0x0], $0xffff  }
0x100: {  	v11 =	vand.u32 $0xFFFF, v11;
	v10 =	vld.idx.msk [tilespmem:v10+s24+$0x0], $0xffff  }
0x101: {  	v2 =	vand.u32 $0xFFFF, v2;
	v1 =	vld.idx.msk [tilespmem:v1+s24+$0x0], $0xffff  }
0x102: {  	v14 =	vand.u32 $0xFFFF, v9;
	v12 =	vld.idx.msk [tilespmem:v12+s24+$0x0], $0xffff  }
0x103: {  	v9 =	vshrl.u32 v9, $0x10;
	v5 =	vld.idx.msk [tilespmem:v5+s24+$0x0], $0xffff  }
0x104: {  	v15 =	vshrl.u32 v7, $0x10;
	v7 =	vand.u32 $0xFFFF, v7;
	v13 =	vld.idx.msk [tilespmem:v13+s24+$0x0], $0xffff  }
0x105: {  	v11 =	vld.idx.msk [tilespmem:v11+s24+$0x0], $0xffff  }
0x106: {  	v2 =	vld.idx.msk [tilespmem:v2+s24+$0x0], $0xffff  }
0x107: {  	v16 =	vmax.f32 v3, v4;
	v14 =	vld.idx.msk [tilespmem:v14+s24+$0x0], $0xffff;
	v17 =	vmax.f32 v1, v10  }
0x108: {  	v9 =	vld.idx.msk [tilespmem:v9+s24+$0x0], $0xffff;
	v1 =	vmin.f32 v1, v10;
	v10 =	vmax.f32 v8, v0;
	v0 =	vmin.f32 v8, v0  }
0x109: {  	v7 =	vld.idx.msk [tilespmem:v7+s24+$0x0], $0xffff;
	v3 =	vmin.f32 v3, v4;
	v0 =	vmin.f32 v0, v1;
	v1 =	vmax.f32 v5, v12  }
0x10a: {  	v8 =	vld.idx.msk [tilespmem:v15+s24+$0x0], $0xffff;
	v5 =	vmin.f32 v5, v12;
	v10 =	vmax.f32 v10, v17;
	v4 =	vmax.f32 v11, v13  }
0x10b: {  	v0 =	vmin.f32 v0, v5;
	v5 =	vmin.f32 v11, v13;
	v11 =	vmin.f32 v2, v6  }
0x10c: {  	v12 =	vld [tilespmem:s8+$0x0];
	v1 =	vmax.f32 v10, v1;
	v2 =	vmax.f32 v2, v6;
	v0 =	vmin.f32 v0, v5  }
0x10d: {  	v1 =	vmax.f32 v1, v4;
	v4 =	vmin.f32 v14, v9;
	v0 =	vmin.f32 v0, v3  }
0x10e: {  	v3 =	vmax.f32 v14, v9;
	v1 =	vmax.f32 v1, v16;
	v0 =	vmin.f32 v0, v11  }
0x10f: {  	v1 =	vmax.f32 v1, v2;
	v2 =	vmin.f32 v7, v8;
	v0 =	vmin.f32 v0, v4  }
0x110: {  	v1 =	vmax.f32 v1, v3;
	v3 =	vmax.f32 v7, v8;
	v0 =	vmin.f32 v0, v2  }
0x111: {  	[tilespmem:s7+$0xFFFFDB40] =	vst v12;
	v1 =	vmax.f32 v1, v3;
	v0 =	vsub.f32 v12, v0  }
0x112: {  	[tilespmem:s6+$0x1D080] =	vst v1  }
0x113: {  	[tilespmem:s7+$0x0] =	vst v0  }
0x114: {  	_ =	swait.ge [sflag:s28], $0xC350  }
0x115: {  	s29 =	simm.s32 $0x0;
	[sflag:s28] =	ssyncset.done $0x0  }
0x116: {  	s6 =	sand.u32 $0x7F0, s29;
	s31 =	rddreg [dreg:$0x18];
	[sflag:s28] =	ssyncadd.s32 $0xFFFF3CB0  }
0x117: {  	[tilespmem:s24], [sflag:$0x1] =	stream.linear.gather [hbm4b:s31+s29], $0xC350, $0x38;
	[tilespmem:$0x1F580] =	vst v63  }
0x118: {  	s8 =	simm.s32 $0x1A5A0;
	v0 =	vld [tilespmem:s6+$0x19F80]  }
0x119: {  	v1 =	vld [tilespmem:s8+$0xFFFFEDA0];
	_ =	sdelay $0x1  }
0x11a: {  	v2 =	vld [tilespmem:s8+$0xFFFFE780]  }
0x11b: {  	v3 =	vld [tilespmem:s8+$0xC40]  }
0x11c: {  	v4 =	vld [tilespmem:s8+$0xFFFFE160];
	v6 =	vand.u32 $0xFFFF, v0  }
0x11d: {  	v10 =	vld [tilespmem:s8+$0x620];
	v8 =	vand.u32 $0xFFFF, v1  }
0x11e: {  	v17 =	vld [tilespmem:s8+$0x0];
	v16 =	vshrl.u32 v0, $0x10  }
0x11f: {  	v13 =	vld [tilespmem:s8+$0xFFFFF3C0];
	v14 =	vshrl.u32 v2, $0x10  }
0x120: {  	v0 =	vld [tilespmem:s30+$0x0];
	v15 =	vshrl.u32 v3, $0x10  }
0x121: {  	v5 =	vshrl.u32 v1, $0x10;
	v7 =	vand.u32 $0xFFFF, v2;
	v11 =	vand.u32 $0xFFFF, v3;
	v1 =	vld.idx.msk [tilespmem:v6+s2+$0x0], $0xffff  }
0x122: {  	s9 =	simm.s32 $0x1D6A0;
	v9 =	vshrl.u32 v4, $0x10;
	v12 =	vand.u32 $0xFFFF, v4;
	v4 =	vshrl.u32 v10, $0x10;
	v3 =	vld.idx.msk [tilespmem:v8+s2+$0x0], $0xffff  }
0x123: {  	s10 =	simm.s32 $0x10;
	s20 =	smov.u32 s30;
	s7 =	simm.s32 $0x1D6A0;
	v6 =	vand.u32 $0xFFFF, v10;
	v2 =	vld.idx.msk [tilespmem:v16+s2+$0x0], $0xffff;
	v10 =	vshrl.u32 v17, $0x10;
	v8 =	vand.u32 $0xFFFF, v17  }
.LBB2_6:
0x124: {  	v14 =	vld.idx.msk [tilespmem:v14+s2+$0x0], $0xffff;
	v16 =	vshrl.u32 v13, $0x10;
	v13 =	vand.u32 $0xFFFF, v13;
	s9 =	sadd.s32 $0x10, s9;
	s20 =	sadd.s32 $0x10, s20;
	s8 =	sadd.s32 $0x10, s8  }
0x125: {  	p0 =	sne.s32 s10, $0x610;
	s21 =	smov.u32 s10;
	s10 =	sadd.s32 $0x10, s10;
	v15 =	vld.idx.msk [tilespmem:v15+s2+$0x0], $0xffff  }
0x126: {  	v11 =	vld.idx.msk [tilespmem:v11+s2+$0x0], $0xffff  }
0x127: {  	v7 =	vld.idx.msk [tilespmem:v7+s2+$0x0], $0xffff  }
0x128: {  	v12 =	vld.idx.msk [tilespmem:v12+s2+$0x0], $0xffff  }
0x129: {  	v9 =	vld.idx.msk [tilespmem:v9+s2+$0x0], $0xffff  }
0x12a: {  	v5 =	vld.idx.msk [tilespmem:v5+s2+$0x0], $0xffff  }
0x12b: {  	v16 =	vld.idx.msk [tilespmem:v16+s2+$0x0], $0xffff  }
0x12c: {  	v17 =	vmax.f32 v11, v15;
	v11 =	vmin.f32 v11, v15;
	v13 =	vld.idx.msk [tilespmem:v13+s2+$0x0], $0xffff  }
0x12d: {  	v15 =	vmax.f32 v7, v14;
	v7 =	vmin.f32 v7, v14;
	v10 =	vld.idx.msk [tilespmem:v10+s2+$0x0], $0xffff  }
0x12e: {  	v8 =	vld.idx.msk [tilespmem:v8+s2+$0x0], $0xffff  }
0x12f: {  	v6 =	vld.idx.msk [tilespmem:v6+s2+$0x0], $0xffff  }
0x130: {  	v14 =	vmax.f32 v12, v9;
	v9 =	vmin.f32 v12, v9;
	v12 =	vmax.f32 v3, v5;
	v4 =	vld.idx.msk [tilespmem:v4+s2+$0x0], $0xffff  }
0x131: {  	v14 =	vmax.f32 v14, v15;
	v7 =	vmin.f32 v9, v7;
	v3 =	vmin.f32 v3, v5;
	[tilespmem:s7+$0xFFFFEDA0] =	vst v0  }
0x132: {  	v3 =	vmin.f32 v7, v3;
	v5 =	vmax.f32 v13, v16;
	v7 =	vmin.f32 v13, v16  }
0x133: {  	v9 =	vmax.f32 v14, v12;
	v3 =	vmin.f32 v3, v7;
	v7 =	vmax.f32 v1, v2  }
0x134: {  	v5 =	vmax.f32 v9, v5;
	v1 =	vmin.f32 v1, v2;
	v2 =	vmax.f32 v8, v10  }
0x135: {  	v5 =	vmax.f32 v5, v7;
	v1 =	vmin.f32 v3, v1;
	v3 =	vmin.f32 v8, v10  }
0x136: {  	v1 =	vmin.f32 v1, v3;
	v3 =	vmax.f32 v6, v4;
	v4 =	vmin.f32 v6, v4  }
0x137: {  	v2 =	vmax.f32 v5, v2;
	v1 =	vmin.f32 v1, v4  }
0x138: {  	v2 =	vmax.f32 v2, v3;
	v1 =	vmin.f32 v1, v11  }
0x139: {  	v2 =	vmax.f32 v2, v17;
	v0 =	vsub.f32 v0, v1  }
0x13a: {  	s11 =	sand.u32 $0x7F0, s21;
	[tilespmem:s7+$0x0] =	vst v2;
	s7 =	smov.u32 s9  }
0x13b: {  	v1 =	vld [tilespmem:s11+$0x19F80];
	[tilespmem:s6+$0x1E900] =	vst v0;
	s6 =	smov.u32 s11  }
0x13c: {  	v0 =	vld [tilespmem:s8+$0xFFFFEDA0]  }
0x13d: {  	v2 =	vld [tilespmem:s8+$0xFFFFE780]  }
0x13e: {  	v3 =	vld [tilespmem:s8+$0xC40]  }
0x13f: {  	v4 =	vld [tilespmem:s8+$0xFFFFE160]  }
0x140: {  	v6 =	vand.u32 $0xFFFF, v1  }
0x141: {  	v5 =	vshrl.u32 v0, $0x10;
	v8 =	vand.u32 $0xFFFF, v0;
	v10 =	vld [tilespmem:s8+$0x620]  }
0x142: {  	v14 =	vshrl.u32 v2, $0x10;
	v7 =	vand.u32 $0xFFFF, v2;
	v2 =	vshrl.u32 v1, $0x10;
	v16 =	vld [tilespmem:s8+$0x0]  }
.Ltmp2:
0x143: {  	v13 =	vld [tilespmem:s8+$0xFFFFF3C0];
	v15 =	vshrl.u32 v3, $0x10;
	v11 =	vand.u32 $0xFFFF, v3;
	(pc) =	sbr.rel @p0 .LBB2_6-.Ltmp2, $4  }
0x144: {  	v0 =	vld [tilespmem:s20+$0x0];
	v9 =	vshrl.u32 v4, $0x10;
	v12 =	vand.u32 $0xFFFF, v4  }
0x145: {  	v1 =	vld.idx.msk [tilespmem:v6+s2+$0x0], $0xffff  }
0x146: {  	v3 =	vld.idx.msk [tilespmem:v8+s2+$0x0], $0xffff;
	v4 =	vshrl.u32 v10, $0x10;
	v6 =	vand.u32 $0xFFFF, v10  }
0x147: {  	v2 =	vld.idx.msk [tilespmem:v2+s2+$0x0], $0xffff;
	v10 =	vshrl.u32 v16, $0x10;
	v8 =	vand.u32 $0xFFFF, v16  }
0x148: {  	_ =	sdelay $0x3  }
0x149: {  	v14 =	vld.idx.msk [tilespmem:v14+s2+$0x0], $0xffff  }
0x14a: {  	v15 =	vld.idx.msk [tilespmem:v15+s2+$0x0], $0xffff  }
0x14b: {  	v16 =	vshrl.u32 v13, $0x10;
	v11 =	vld.idx.msk [tilespmem:v11+s2+$0x0], $0xffff  }
0x14c: {  	v13 =	vand.u32 $0xFFFF, v13;
	v7 =	vld.idx.msk [tilespmem:v7+s2+$0x0], $0xffff  }
0x14d: {  	v12 =	vld.idx.msk [tilespmem:v12+s2+$0x0], $0xffff  }
0x14e: {  	v9 =	vld.idx.msk [tilespmem:v9+s2+$0x0], $0xffff  }
0x14f: {  	v5 =	vld.idx.msk [tilespmem:v5+s2+$0x0], $0xffff  }
0x150: {  	v16 =	vld.idx.msk [tilespmem:v16+s2+$0x0], $0xffff  }
0x151: {  	v13 =	vld.idx.msk [tilespmem:v13+s2+$0x0], $0xffff  }
0x152: {  	v10 =	vld.idx.msk [tilespmem:v10+s2+$0x0], $0xffff  }
0x153: {  	v8 =	vld.idx.msk [tilespmem:v8+s2+$0x0], $0xffff;
	v17 =	vmax.f32 v7, v14;
	v7 =	vmin.f32 v7, v14  }
0x154: {  	v6 =	vld.idx.msk [tilespmem:v6+s2+$0x0], $0xffff;
	v14 =	vmax.f32 v12, v9;
	v9 =	vmin.f32 v12, v9;
	v12 =	vmin.f32 v11, v15  }
0x155: {  	v4 =	vld.idx.msk [tilespmem:v4+s2+$0x0], $0xffff;
	v7 =	vmin.f32 v9, v7;
	v9 =	vmax.f32 v3, v5;
	v3 =	vmin.f32 v3, v5  }
0x156: {  	v5 =	vmax.f32 v14, v17;
	v3 =	vmin.f32 v7, v3;
	v7 =	vmin.f32 v13, v16  }
0x157: {  	v5 =	vmax.f32 v5, v9;
	v13 =	vmax.f32 v13, v16;
	v3 =	vmin.f32 v3, v7  }
0x158: {  	v7 =	vmax.f32 v1, v2;
	v5 =	vmax.f32 v5, v13;
	v1 =	vmin.f32 v1, v2  }
0x159: {  	v2 =	vmax.f32 v8, v10;
	v1 =	vmin.f32 v3, v1;
	v3 =	vmin.f32 v8, v10  }
0x15a: {  	v5 =	vmax.f32 v5, v7;
	v1 =	vmin.f32 v1, v3;
	v3 =	vmin.f32 v6, v4  }
0x15b: {  	v4 =	vmax.f32 v6, v4;
	v2 =	vmax.f32 v5, v2;
	v1 =	vmin.f32 v1, v3  }
0x15c: {  	v3 =	vmax.f32 v11, v15;
	v2 =	vmax.f32 v2, v4;
	v1 =	vmin.f32 v1, v12  }
0x15d: {  	[tilespmem:s7+$0xFFFFEDA0] =	vst v0;
	v2 =	vmax.f32 v2, v3;
	v0 =	vsub.f32 v0, v1  }
0x15e: {  	[tilespmem:s7+$0x0] =	vst v2  }
0x15f: {  	s9 =	simm.s32 $0x1B800;
	s7 =	simm.s32 $0x0;
	[tilespmem:s6+$0x1E900] =	vst v0  }
0x160: {  	[hbm4b:s22+s7] =	stream.linear.scatter [tilespmem:s9], [sflag:$0x3], $0x620, $0x38;
	[tilespmem:$0x1F580] =	vst v63  }
0x161: {  	s10 =	rddreg [dreg:$0x1c];
	s8 =	simm.s32 $0x1BE20  }
0x162: {  	[hbm4b:s10+s7] =	stream.linear.scatter [tilespmem:s8], [sflag:$0x3], $0x620, $0x38;
	[tilespmem:$0x1F580] =	vst v63  }
0x163: {  	s11 =	rddreg [dreg:$0x1d];
	s20 =	simm.s32 $0x1C440  }
0x164: {  	[hbm4b:s11+s7] =	stream.linear.scatter [tilespmem:s20], [sflag:$0x3], $0x620, $0x38;
	[tilespmem:$0x1F580] =	vst v63  }
0x165: {  	s21 =	rddreg [dreg:$0x1e];
	s6 =	simm.s32 $0x1CA60  }
0x166: {  	[hbm4b:s21+s7] =	stream.linear.scatter [tilespmem:s6], [sflag:$0x3], $0x620, $0x38;
	[tilespmem:$0x1F580] =	vst v63  }
0x167: {  	s25 =	rddreg [dreg:$0x1f];
	s9 =	simm.s32 $0x1D080  }
0x168: {  	[hbm4b:s25+s7] =	stream.linear.scatter [tilespmem:s9], [sflag:$0x3], $0x620, $0x38;
	[tilespmem:$0x1F580] =	vst v63  }
0x169: {  	s9 =	sld [smem:$0x7F6];
	_ =	sdelay $0x1  }
0x16a: {  	s10 =	simm.s32 $0x1D6A0;
	s11 =	sld [smem:$0x7F7]  }
0x16b: {  	[hbm4b:s9+s7] =	stream.linear.scatter [tilespmem:s10], [sflag:$0x3], $0x620, $0x38;
	[tilespmem:$0x1F580] =	vst v63  }
0x16c: {  	s20 =	sld [smem:$0x7F8]  }
0x16d: {  	[hbm4b:s11+s7] =	stream.linear.scatter [tilespmem:s1], [sflag:$0x3], $0x620, $0x38;
	[tilespmem:$0x1F580] =	vst v63  }
0x16e: {  	s21 =	sld [smem:$0x7F9]  }
0x16f: {  	[hbm4b:s20+s7] =	stream.linear.scatter [tilespmem:s0], [sflag:$0x3], $0x620, $0x38;
	[tilespmem:$0x1F580] =	vst v63  }
0x170: {  	s25 =	sld [smem:$0x7FA]  }
0x171: {  	[hbm4b:s21+s7] =	stream.linear.scatter [tilespmem:s3], [sflag:$0x3], $0x620, $0x38;
	[tilespmem:$0x1F580] =	vst v63  }
0x172: {  	_ = 	snop  }
0x173: {  	[hbm4b:s25+s7] =	stream.linear.scatter [tilespmem:s26], [sflag:$0x3], $0x620, $0x38;
	[tilespmem:$0x1F580] =	vst v63  }
0x174: {  	s9 =	rddreg [dreg:$0xc];
	s10 =	simm.s32 $0x18700  }
0x175: {  	[tilespmem:s10], [sflag:$0x2] =	stream.linear.gather [hbm4b:s9+s7], $0x620, $0x38;
	[tilespmem:$0x1F580] =	vst v63  }
0x176: {  	s11 =	rddreg [dreg:$0xd];
	s20 =	simm.s32 $0x18D20  }
0x177: {  	[tilespmem:s20], [sflag:$0x2] =	stream.linear.gather [hbm4b:s11+s7], $0x620, $0x38;
	[tilespmem:$0x1F580] =	vst v63  }
0x178: {  	s21 =	rddreg [dreg:$0xe];
	s25 =	simm.s32 $0x19340  }
0x179: {  	[tilespmem:s25], [sflag:$0x2] =	stream.linear.gather [hbm4b:s21+s7], $0x620, $0x38;
	[tilespmem:$0x1F580] =	vst v63  }
0x17a: {  	s9 =	rddreg [dreg:$0xf];
	s10 =	simm.s32 $0x19960  }
0x17b: {  	[tilespmem:s10], [sflag:$0x2] =	stream.linear.gather [hbm4b:s9+s7], $0x620, $0x38;
	[tilespmem:$0x1F580] =	vst v63  }
0x17c: {  	s11 =	rddreg [dreg:$0x10];
	s20 =	simm.s32 $0x19F80  }
0x17d: {  	[tilespmem:s20], [sflag:$0x2] =	stream.linear.gather [hbm4b:s11+s7], $0x620, $0x38;
	[tilespmem:$0x1F580] =	vst v63  }
0x17e: {  	s8 =	simm.s32 $0x1A5A0;
	s21 =	rddreg [dreg:$0x11]  }
0x17f: {  	[tilespmem:s8], [sflag:$0x2] =	stream.linear.gather [hbm4b:s21+s7], $0x620, $0x38;
	[tilespmem:$0x1F580] =	vst v63  }
0x180: {  	s25 =	rddreg [dreg:$0x12];
	s10 =	simm.s32 $0x1ABC0  }
0x181: {  	[tilespmem:s10], [sflag:$0x2] =	stream.linear.gather [hbm4b:s25+s7], $0x620, $0x38;
	[tilespmem:$0x1F580] =	vst v63  }
0x182: {  	s11 =	rddreg [dreg:$0x13];
	s20 =	simm.s32 $0x1B1E0  }
0x183: {  	[tilespmem:s20], [sflag:$0x2] =	stream.linear.gather [hbm4b:s11+s7], $0x620, $0x38;
	[tilespmem:$0x1F580] =	vst v63  }
0x184: {  	_ =	swait.ge [sflag:s4], $0x620  }
0x185: {  	[sflag:s4] =	ssyncset.done $0x0  }
0x186: {  	[sflag:s4] =	ssyncadd.s32 $0xFFFFF9E0  }
0x187: {  	_ =	swait.ge [sflag:s4], $0x620  }
0x188: {  	[sflag:s4] =	ssyncset.done $0x0  }
0x189: {  	[sflag:s4] =	ssyncadd.s32 $0xFFFFF9E0  }
0x18a: {  	_ =	swait.ge [sflag:s4], $0x620  }
0x18b: {  	[sflag:s4] =	ssyncset.done $0x0  }
0x18c: {  	[sflag:s4] =	ssyncadd.s32 $0xFFFFF9E0  }
0x18d: {  	_ =	swait.ge [sflag:s4], $0x620  }
0x18e: {  	[sflag:s4] =	ssyncset.done $0x0  }
0x18f: {  	[sflag:s4] =	ssyncadd.s32 $0xFFFFF9E0  }
0x190: {  	_ =	swait.ge [sflag:s4], $0x620  }
0x191: {  	[sflag:s4] =	ssyncset.done $0x0  }
0x192: {  	[sflag:s4] =	ssyncadd.s32 $0xFFFFF9E0  }
0x193: {  	_ =	swait.ge [sflag:s4], $0x620  }
0x194: {  	[sflag:s4] =	ssyncset.done $0x0  }
0x195: {  	[sflag:s4] =	ssyncadd.s32 $0xFFFFF9E0  }
0x196: {  	_ =	swait.ge [sflag:s4], $0x620  }
0x197: {  	[sflag:s4] =	ssyncset.done $0x0  }
0x198: {  	[sflag:s4] =	ssyncadd.s32 $0xFFFFF9E0  }
0x199: {  	_ =	swait.ge [sflag:s4], $0x620  }
0x19a: {  	[sflag:s4] =	ssyncset.done $0x0  }
0x19b: {  	[sflag:s4] =	ssyncadd.s32 $0xFFFFF9E0  }
0x19c: {  	_ =	swait.ge [sflag:s4], $0x620  }
0x19d: {  	[sflag:s4] =	ssyncset.done $0x0  }
0x19e: {  	[sflag:s4] =	ssyncadd.s32 $0xFFFFF9E0  }
0x19f: {  	_ =	swait.ge [sflag:s4], $0x620  }
0x1a0: {  	[sflag:s4] =	ssyncset.done $0x0  }
0x1a1: {  	s21 =	rddreg [dreg:$0x14];
	[sflag:s4] =	ssyncadd.s32 $0xFFFFF9E0  }
0x1a2: {  	[tilespmem:s26], [sflag:$0x2] =	stream.linear.gather [hbm4b:s21+s7], $0x620, $0x38;
	[tilespmem:$0x1F580] =	vst v63  }
0x1a3: {  	_ =	swait.ge [sflag:s23], $0x620  }
0x1a4: {  	[sflag:s23] =	ssyncset.done $0x0  }
0x1a5: {  	[sflag:s23] =	ssyncadd.s32 $0xFFFFF9E0  }
0x1a6: {  	_ =	swait.ge [sflag:s23], $0x620  }
0x1a7: {  	[sflag:s23] =	ssyncset.done $0x0  }
0x1a8: {  	[sflag:s23] =	ssyncadd.s32 $0xFFFFF9E0  }
0x1a9: {  	_ =	swait.ge [sflag:s23], $0x620  }
0x1aa: {  	[sflag:s23] =	ssyncset.done $0x0  }
0x1ab: {  	[sflag:s23] =	ssyncadd.s32 $0xFFFFF9E0  }
0x1ac: {  	_ =	swait.ge [sflag:s23], $0x620  }
0x1ad: {  	[sflag:s23] =	ssyncset.done $0x0  }
0x1ae: {  	[sflag:s23] =	ssyncadd.s32 $0xFFFFF9E0  }
0x1af: {  	_ =	swait.ge [sflag:s23], $0x620  }
0x1b0: {  	[sflag:s23] =	ssyncset.done $0x0  }
0x1b1: {  	[sflag:s23] =	ssyncadd.s32 $0xFFFFF9E0  }
0x1b2: {  	_ =	swait.ge [sflag:s23], $0x620  }
0x1b3: {  	[sflag:s23] =	ssyncset.done $0x0  }
0x1b4: {  	[sflag:s23] =	ssyncadd.s32 $0xFFFFF9E0  }
0x1b5: {  	_ =	swait.ge [sflag:s23], $0x620  }
0x1b6: {  	[sflag:s23] =	ssyncset.done $0x0  }
0x1b7: {  	[sflag:s23] =	ssyncadd.s32 $0xFFFFF9E0  }
0x1b8: {  	_ =	swait.ge [sflag:s23], $0x620  }
0x1b9: {  	[sflag:s23] =	ssyncset.done $0x0  }
0x1ba: {  	[sflag:s23] =	ssyncadd.s32 $0xFFFFF9E0  }
0x1bb: {  	_ =	swait.ge [sflag:s23], $0x620  }
0x1bc: {  	[sflag:s23] =	ssyncset.done $0x0  }
0x1bd: {  	[sflag:s23] =	ssyncadd.s32 $0xFFFFF9E0  }
0x1be: {  	_ =	swait.ge [sflag:s28], $0xC350  }
0x1bf: {  	[sflag:s28] =	ssyncset.done $0x0  }
0x1c0: {  	s25 =	rddreg [dreg:$0x19];
	[sflag:s28] =	ssyncadd.s32 $0xFFFF3CB0  }
0x1c1: {  	[tilespmem:s7], [sflag:$0x1] =	stream.linear.gather [hbm4b:s25+s7], $0xC350, $0x38;
	[tilespmem:$0x1F580] =	vst v63  }
0x1c2: {  	v1 =	vld [tilespmem:s8+$0xFFFFE160];
	_ =	sdelay $0x1  }
0x1c3: {  	v2 =	vld [tilespmem:s8+$0xFFFFEDA0]  }
0x1c4: {  	s7 =	sand.u32 $0x7F0, s7;
	v3 =	vld [tilespmem:s8+$0xFFFFE780]  }
0x1c5: {  	v5 =	vld [tilespmem:s7+$0x19F80]  }
0x1c6: {  	v0 =	vld [tilespmem:s19+$0x0];
	v4 =	vand.u32 $0xFFFF, v1  }
0x1c7: {  	v6 =	vld [tilespmem:s8+$0x620];
	v1 =	vshrl.u32 v1, $0x10  }
0x1c8: {  	v11 =	vld [tilespmem:s8+$0x0];
	v8 =	vshrl.u32 v2, $0x10  }
0x1c9: {  	v15 =	vld [tilespmem:s8+$0xC40];
	v14 =	vshrl.u32 v3, $0x10  }
0x1ca: {  	v17 =	vld [tilespmem:s8+$0xFFFFF3C0];
	v16 =	vand.u32 $0xFFFF, v3  }
0x1cb: {  	v13 =	vand.u32 $0xFFFF, v5;
	v4 =	vld.idx.msk [tilespmem:v4+s24+$0x0], $0xffff  }
0x1cc: {  	v9 =	vshrl.u32 v5, $0x10;
	v7 =	vld.idx.msk [tilespmem:v1+s24+$0x0], $0xffff  }
0x1cd: {  	s31 =	simm.s32 $0x20;
	s29 =	simm.s32 $0x1CA70;
	v2 =	vand.u32 $0xFFFF, v2;
	v12 =	vshrl.u32 v6, $0x10;
	v10 =	vand.u32 $0xFFFF, v6;
	v1 =	vld.idx.msk [tilespmem:v8+s24+$0x0], $0xffff  }
0x1ce: {  	s9 =	sadd.s32 $0x10, s19;
	s10 =	simm.s32 $0x1A5B0;
	s20 =	simm.s32 $0x10;
	v5 =	vand.u32 $0xFFFF, v11;
	v6 =	vshrl.u32 v15, $0x10;
	v8 =	vshrl.u32 v11, $0x10;
	v11 =	vld.idx.msk [tilespmem:v14+s24+$0x0], $0xffff  }
0x1cf: {  	s25 =	simm.s32 $0x1CA70;
	s8 =	simm.s32 $0x1A5B0;
	s7 =	smov.u32 s9;
	v3 =	vand.u32 $0xFFFF, v15;
	v15 =	vshrl.u32 v17, $0x10;
	v14 =	vld.idx.msk [tilespmem:v16+s24+$0x0], $0xffff;
	v16 =	vand.u32 $0xFFFF, v17  }
.LBB2_8:
0x1d0: {  	s9 =	sadd.s32 $0x10, s9;
	s25 =	sadd.s32 $0x10, s25;
	s10 =	sadd.s32 $0x10, s10;
	v13 =	vld.idx.msk [tilespmem:v13+s24+$0x0], $0xffff  }
0x1d1: {  	p0 =	sne.s32 s31, $0x610;
	s21 =	smov.u32 s31;
	s31 =	sadd.s32 $0x10, s31;
	v9 =	vld.idx.msk [tilespmem:v9+s24+$0x0], $0xffff  }
0x1d2: {  	v17 =	vmax.f32 v4, v7;
	v4 =	vmin.f32 v4, v7;
	v7 =	vld.idx.msk [tilespmem:v12+s24+$0x0], $0xffff  }
0x1d3: {  	v10 =	vld.idx.msk [tilespmem:v10+s24+$0x0], $0xffff  }
0x1d4: {  	v2 =	vld.idx.msk [tilespmem:v2+s24+$0x0], $0xffff  }
0x1d5: {  	v12 =	vmax.f32 v14, v11;
	v11 =	vmin.f32 v14, v11;
	v14 =	vld.idx.msk [tilespmem:v16+s24+$0x0], $0xffff  }
0x1d6: {  	v15 =	vld.idx.msk [tilespmem:v15+s24+$0x0], $0xffff  }
0x1d7: {  	v8 =	vld.idx.msk [tilespmem:v8+s24+$0x0], $0xffff  }
0x1d8: {  	v4 =	vmin.f32 v4, v11;
	v5 =	vld.idx.msk [tilespmem:v5+s24+$0x0], $0xffff  }
0x1d9: {  	v11 =	vmax.f32 v17, v12;
	v6 =	vld.idx.msk [tilespmem:v6+s24+$0x0], $0xffff  }
0x1da: {  	v12 =	vmax.f32 v2, v1;
	v1 =	vmin.f32 v2, v1;
	v2 =	vmax.f32 v13, v9;
	v3 =	vld.idx.msk [tilespmem:v3+s24+$0x0], $0xffff  }
0x1db: {  	v11 =	vmax.f32 v11, v12;
	v1 =	vmin.f32 v4, v1;
	[tilespmem:s6+$0xFFFFEDA0] =	vst v0  }
0x1dc: {  	v9 =	vmin.f32 v13, v9;
	v4 =	vmax.f32 v14, v15;
	v12 =	vmin.f32 v14, v15  }
0x1dd: {  	v4 =	vmax.f32 v11, v4;
	v1 =	vmin.f32 v1, v12;
	v11 =	vmin.f32 v10, v7  }
0x1de: {  	v7 =	vmax.f32 v10, v7;
	v1 =	vmin.f32 v1, v9;
	v9 =	vmin.f32 v5, v8  }
0x1df: {  	v2 =	vmax.f32 v4, v2;
	v4 =	vmax.f32 v5, v8;
	v1 =	vmin.f32 v1, v9  }
0x1e0: {  	v2 =	vmax.f32 v2, v4;
	v1 =	vmin.f32 v1, v11;
	v4 =	vmin.f32 v3, v6  }
0x1e1: {  	v2 =	vmax.f32 v2, v7;
	v3 =	vmax.f32 v3, v6;
	v1 =	vmin.f32 v1, v4  }
0x1e2: {  	v2 =	vmax.f32 v2, v3;
	v0 =	vsub.f32 v0, v1  }
0x1e3: {  	[tilespmem:s6+$0x0] =	vst v2  }
0x1e4: {  	[tilespmem:s6+$0x1260] =	vst v0;
	s6 =	smov.u32 s29;
	s29 =	smov.u32 s25  }
0x1e5: {  	v1 =	vld [tilespmem:s8+$0xFFFFE160]  }
0x1e6: {  	v2 =	vld [tilespmem:s8+$0xFFFFE780]  }
0x1e7: {  	s11 =	sand.u32 $0x7F0, s20;
	s20 =	smov.u32 s21;
	v3 =	vld [tilespmem:s8+$0xFFFFEDA0]  }
0x1e8: {  	v4 =	vld [tilespmem:s11+$0x19F80];
	_ =	sdelay $0x1  }
0x1e9: {  	v0 =	vld [tilespmem:s7+$0x0];
	v5 =	vshrl.u32 v1, $0x10;
	v1 =	vand.u32 $0xFFFF, v1;
	s7 =	smov.u32 s9  }
0x1ea: {  	v6 =	vshrl.u32 v2, $0x10;
	v14 =	vand.u32 $0xFFFF, v2;
	v8 =	vld [tilespmem:s8+$0x620]  }
0x1eb: {  	v11 =	vshrl.u32 v3, $0x10;
	v2 =	vand.u32 $0xFFFF, v3;
	v3 =	vld [tilespmem:s8+$0x0]  }
0x1ec: {  	v9 =	vshrl.u32 v4, $0x10;
	v13 =	vand.u32 $0xFFFF, v4;
	v15 =	vld [tilespmem:s8+$0xC40]  }
0x1ed: {  	v16 =	vld [tilespmem:s8+$0xFFFFF3C0];
	s8 =	smov.u32 s10  }
.Ltmp3:
0x1ee: {  	v4 =	vld.idx.msk [tilespmem:v1+s24+$0x0], $0xffff;
	(pc) =	sbr.rel @p0 .LBB2_8-.Ltmp3, $4  }
0x1ef: {  	v7 =	vld.idx.msk [tilespmem:v5+s24+$0x0], $0xffff;
	v12 =	vshrl.u32 v8, $0x10;
	v10 =	vand.u32 $0xFFFF, v8  }
0x1f0: {  	v1 =	vld.idx.msk [tilespmem:v11+s24+$0x0], $0xffff;
	v8 =	vshrl.u32 v3, $0x10;
	v5 =	vand.u32 $0xFFFF, v3  }
0x1f1: {  	v11 =	vld.idx.msk [tilespmem:v6+s24+$0x0], $0xffff;
	v6 =	vshrl.u32 v15, $0x10;
	v3 =	vand.u32 $0xFFFF, v15  }
0x1f2: {  	v14 =	vld.idx.msk [tilespmem:v14+s24+$0x0], $0xffff;
	v15 =	vshrl.u32 v16, $0x10;
	v16 =	vand.u32 $0xFFFF, v16  }
0x1f3: {  	_ =	sdelay $0x3  }
0x1f4: {  	v13 =	vld.idx.msk [tilespmem:v13+s24+$0x0], $0xffff  }
0x1f5: {  	v9 =	vld.idx.msk [tilespmem:v9+s24+$0x0], $0xffff  }
0x1f6: {  	v12 =	vld.idx.msk [tilespmem:v12+s24+$0x0], $0xffff  }
0x1f7: {  	v10 =	vld.idx.msk [tilespmem:v10+s24+$0x0], $0xffff  }
0x1f8: {  	v2 =	vld.idx.msk [tilespmem:v2+s24+$0x0], $0xffff  }
0x1f9: {  	v16 =	vld.idx.msk [tilespmem:v16+s24+$0x0], $0xffff  }
0x1fa: {  	v15 =	vld.idx.msk [tilespmem:v15+s24+$0x0], $0xffff  }
0x1fb: {  	v8 =	vld.idx.msk [tilespmem:v8+s24+$0x0], $0xffff  }
0x1fc: {  	v5 =	vld.idx.msk [tilespmem:v5+s24+$0x0], $0xffff;
	v17 =	vmin.f32 v4, v7;
	v18 =	vmin.f32 v14, v11  }
0x1fd: {  	v4 =	vmax.f32 v4, v7;
	v40 =	vmax.f32 v14, v11;
	v41 =	vmin.f32 v17, v18  }
0x1fe: {  	v6 =	vld.idx.msk [tilespmem:v6+s24+$0x0], $0xffff;
	v4 =	vmax.f32 v4, v40;
	v42 =	vmax.f32 v2, v1;
	v1 =	vmin.f32 v2, v1  }
0x1ff: {  	v3 =	vld.idx.msk [tilespmem:v3+s24+$0x0], $0xffff;
	v2 =	vmax.f32 v13, v9;
	v43 =	vmax.f32 v16, v15;
	v44 =	vmin.f32 v16, v15  }
0x200: {  	v9 =	vmin.f32 v13, v9;
	v45 =	vmin.f32 v10, v12;
	v1 =	vmin.f32 v41, v1  }
0x201: {  	v46 =	vmin.f32 v5, v8;
	v4 =	vmax.f32 v4, v42;
	v1 =	vmin.f32 v1, v44  }
0x202: {  	v10 =	vmax.f32 v10, v12;
	v4 =	vmax.f32 v4, v43;
	v1 =	vmin.f32 v1, v9  }
0x203: {  	v2 =	vmax.f32 v4, v2;
	v4 =	vmax.f32 v5, v8;
	v1 =	vmin.f32 v1, v46  }
0x204: {  	v2 =	vmax.f32 v2, v4;
	v4 =	vmin.f32 v3, v6;
	v1 =	vmin.f32 v1, v45  }
0x205: {  	v3 =	vmax.f32 v3, v6;
	v2 =	vmax.f32 v2, v10;
	v1 =	vmin.f32 v1, v4  }
0x206: {  	[tilespmem:s6+$0xFFFFEDA0] =	vst v0;
	v2 =	vmax.f32 v2, v3;
	v0 =	vsub.f32 v0, v1  }
0x207: {  	[tilespmem:s6+$0x0] =	vst v2  }
0x208: {  	[tilespmem:s6+$0x1260] =	vst v0  }
0x209: {  	v0 =	vld [tilespmem:s8+$0xFFFFE160];
	_ =	sdelay $0x1  }
0x20a: {  	v1 =	vld [tilespmem:s8+$0xFFFFEDA0]  }
0x20b: {  	v2 =	vld [tilespmem:s8+$0xFFFFE780]  }
0x20c: {  	s25 =	sand.u32 $0x7F0, s20  }
0x20d: {  	v3 =	vld [tilespmem:s25+$0x19F80];
	v4 =	vand.u32 $0xFFFF, v0  }
0x20e: {  	v5 =	vld [tilespmem:s8+$0x620];
	v0 =	vshrl.u32 v0, $0x10  }
0x20f: {  	v48 =	vld [tilespmem:s8+$0x0];
	v47 =	vshrl.u32 v1, $0x10  }
0x210: {  	v51 =	vld [tilespmem:s8+$0xFFFFF3C0];
	v49 =	vshrl.u32 v2, $0x10  }
0x211: {  	v50 =	vld [tilespmem:s8+$0xC40];
	v2 =	vand.u32 $0xFFFF, v2  }
0x212: {  	v52 =	vand.u32 $0xFFFF, v3;
	v4 =	vld.idx.msk [tilespmem:v4+s24+$0x0], $0xffff  }
0x213: {  	v3 =	vshrl.u32 v3, $0x10;
	v0 =	vld.idx.msk [tilespmem:v0+s24+$0x0], $0xffff  }
0x214: {  	v1 =	vand.u32 $0xFFFF, v1;
	v6 =	vld.idx.msk [tilespmem:v47+s24+$0x0], $0xffff  }
0x215: {  	v54 =	vand.u32 $0xFFFF, v51;
	v8 =	vld.idx.msk [tilespmem:v49+s24+$0x0], $0xffff  }
0x216: {  	v10 =	vshrl.u32 v51, $0x10;
	v2 =	vld.idx.msk [tilespmem:v2+s24+$0x0], $0xffff  }
0x217: {  	v53 =	vshrl.u32 v5, $0x10;
	v11 =	vld.idx.msk [tilespmem:v52+s24+$0x0], $0xffff  }
0x218: {  	v55 =	vshrl.u32 v48, $0x10;
	v3 =	vld.idx.msk [tilespmem:v3+s24+$0x0], $0xffff  }
0x219: {  	v7 =	vand.u32 $0xFFFF, v48;
	v1 =	vld.idx.msk [tilespmem:v1+s24+$0x0], $0xffff  }
0x21a: {  	v5 =	vand.u32 $0xFFFF, v5;
	v13 =	vld.idx.msk [tilespmem:v54+s24+$0x0], $0xffff  }
0x21b: {  	v9 =	vand.u32 $0xFFFF, v50;
	v10 =	vld.idx.msk [tilespmem:v10+s24+$0x0], $0xffff  }
0x21c: {  	v56 =	vshrl.u32 v50, $0x10;
	v12 =	vld.idx.msk [tilespmem:v53+s24+$0x0], $0xffff  }
0x21d: {  	v14 =	vld.idx.msk [tilespmem:v55+s24+$0x0], $0xffff  }
0x21e: {  	v7 =	vld.idx.msk [tilespmem:v7+s24+$0x0], $0xffff;
	v57 =	vmin.f32 v4, v0;
	v58 =	vmin.f32 v2, v8  }
0x21f: {  	v5 =	vld.idx.msk [tilespmem:v5+s24+$0x0], $0xffff;
	v0 =	vmax.f32 v4, v0;
	v2 =	vmax.f32 v2, v8;
	v59 =	vmax.f32 v1, v6  }
0x220: {  	v9 =	vld.idx.msk [tilespmem:v9+s24+$0x0], $0xffff;
	v1 =	vmin.f32 v1, v6;
	v60 =	vmax.f32 v11, v3;
	v61 =	vmin.f32 v13, v10  }
0x221: {  	v3 =	vmin.f32 v11, v3;
	v4 =	vmin.f32 v57, v58;
	v0 =	vmax.f32 v0, v2;
	v2 =	vld.idx.msk [tilespmem:v56+s24+$0x0], $0xffff  }
0x222: {  	v0 =	vmax.f32 v0, v59;
	v1 =	vmin.f32 v4, v1;
	v4 =	vmax.f32 v13, v10  }
0x223: {  	v62 =	vld [tilespmem:s7+$0x0];
	v63 =	vmax.f32 v7, v14;
	v0 =	vmax.f32 v0, v4;
	v1 =	vmin.f32 v1, v61  }
0x224: {  	v4 =	vmin.f32 v5, v12;
	v1 =	vmin.f32 v1, v3;
	v3 =	vmin.f32 v7, v14  }
0x225: {  	v5 =	vmax.f32 v5, v12;
	v0 =	vmax.f32 v0, v60;
	v1 =	vmin.f32 v1, v3  }
0x226: {  	v0 =	vmax.f32 v0, v63;
	v1 =	vmin.f32 v1, v4;
	v3 =	vmin.f32 v9, v2  }
0x227: {  	v0 =	vmax.f32 v0, v5;
	v2 =	vmax.f32 v9, v2;
	v1 =	vmin.f32 v1, v3  }
0x228: {  	[tilespmem:s29+$0xFFFFEDA0] =	vst v62;
	v0 =	vmax.f32 v0, v2;
	v1 =	vsub.f32 v62, v1  }
0x229: {  	[tilespmem:s29+$0x0] =	vst v0  }
0x22a: {  	[tilespmem:s29+$0x1260] =	vst v1  }
0x22b: {  	_ =	swait.ge [sflag:s28], $0xC350  }
0x22c: {  	s29 =	simm.s32 $0x0;
	[sflag:s28] =	ssyncset.done $0x0  }
0x22d: {  	s6 =	sand.u32 $0x7F0, s29;
	s31 =	rddreg [dreg:$0x1a];
	[sflag:s28] =	ssyncadd.s32 $0xFFFF3CB0  }
0x22e: {  	[tilespmem:s24], [sflag:$0x1] =	stream.linear.gather [hbm4b:s31+s29], $0xC350, $0x38;
	[tilespmem:$0x1F580] =	vst v63  }
0x22f: {  	s10 =	simm.s32 $0x1A5A0;
	v3 =	vld [tilespmem:s6+$0x19F80]  }
0x230: {  	v2 =	vld [tilespmem:s10+$0x0];
	_ =	sdelay $0x1  }
0x231: {  	s20 =	simm.s32 $0x1E2E0;
	s9 =	simm.s32 $0x1A5A0;
	v0 =	vld [tilespmem:s10+$0xFFFFE160]  }
0x232: {  	s25 =	simm.s32 $0x10;
	s8 =	smov.u32 s30;
	s7 =	simm.s32 $0x1E2E0;
	v1 =	vld [tilespmem:s10+$0xFFFFE780]  }
.LBB2_10:
0x233: {  	v4 =	vld [tilespmem:s8+$0x0];
	v5 =	vshrl.u32 v3, $0x10;
	v3 =	vand.u32 $0xFFFF, v3;
	s20 =	sadd.s32 $0x10, s20;
	s8 =	sadd.s32 $0x10, s8;
	s10 =	sadd.s32 $0x10, s10  }
0x234: {  	p0 =	sne.s32 s25, $0x610;
	s11 =	smov.u32 s25;
	s25 =	sadd.s32 $0x10, s25;
	v6 =	vld [tilespmem:s9+$0xFFFFEDA0];
	v7 =	vshrl.u32 v2, $0x10;
	v2 =	vand.u32 $0xFFFF, v2  }
0x235: {  	v8 =	vld [tilespmem:s9+$0xC40]  }
0x236: {  	v9 =	vshrl.u32 v0, $0x10;
	v0 =	vand.u32 $0xFFFF, v0;
	v10 =	vld [tilespmem:s9+$0x620]  }
0x237: {  	v11 =	vshrl.u32 v1, $0x10;
	v1 =	vand.u32 $0xFFFF, v1;
	v12 =	vld [tilespmem:s9+$0xFFFFF3C0];
	s9 =	smov.u32 s10  }
0x238: {  	v5 =	vld.idx.msk [tilespmem:v5+s2+$0x0], $0xffff  }
0x239: {  	v13 =	vshrl.u32 v6, $0x10;
	v3 =	vld.idx.msk [tilespmem:v3+s2+$0x0], $0xffff  }
0x23a: {  	v7 =	vld.idx.msk [tilespmem:v7+s2+$0x0], $0xffff;
	v14 =	vshrl.u32 v8, $0x10;
	v8 =	vand.u32 $0xFFFF, v8  }
0x23b: {  	v6 =	vand.u32 $0xFFFF, v6;
	v0 =	vld.idx.msk [tilespmem:v0+s2+$0x0], $0xffff;
	v15 =	vshrl.u32 v10, $0x10;
	v10 =	vand.u32 $0xFFFF, v10  }
0x23c: {  	v11 =	vld.idx.msk [tilespmem:v11+s2+$0x0], $0xffff;
	v16 =	vshrl.u32 v12, $0x10;
	v12 =	vand.u32 $0xFFFF, v12  }
0x23d: {  	v2 =	vld.idx.msk [tilespmem:v2+s2+$0x0], $0xffff  }
0x23e: {  	v1 =	vld.idx.msk [tilespmem:v1+s2+$0x0], $0xffff  }
0x23f: {  	v17 =	vmax.f32 v3, v5;
	v13 =	vld.idx.msk [tilespmem:v13+s2+$0x0], $0xffff  }
0x240: {  	v9 =	vld.idx.msk [tilespmem:v9+s2+$0x0], $0xffff  }
0x241: {  	s11 =	sand.u32 $0x7F0, s11;
	v6 =	vld.idx.msk [tilespmem:v6+s2+$0x0], $0xffff  }
0x242: {  	v16 =	vld.idx.msk [tilespmem:v16+s2+$0x0], $0xffff  }
0x243: {  	v12 =	vld.idx.msk [tilespmem:v12+s2+$0x0], $0xffff  }
0x244: {  	v18 =	vmax.f32 v1, v11;
	v1 =	vmin.f32 v1, v11;
	v10 =	vld.idx.msk [tilespmem:v10+s2+$0x0], $0xffff  }
0x245: {  	v11 =	vld.idx.msk [tilespmem:v15+s2+$0x0], $0xffff  }
0x246: {  	v15 =	vmax.f32 v0, v9;
	v0 =	vmin.f32 v0, v9;
	v9 =	vld.idx.msk [tilespmem:v14+s2+$0x0], $0xffff  }
0x247: {  	v0 =	vmin.f32 v0, v1;
	v1 =	vmax.f32 v6, v13;
	v6 =	vmin.f32 v6, v13;
	v8 =	vld.idx.msk [tilespmem:v8+s2+$0x0], $0xffff  }
0x248: {  	v3 =	vmin.f32 v3, v5;
	v13 =	vmax.f32 v15, v18;
	v0 =	vmin.f32 v0, v6;
	[tilespmem:s7+$0xFFFFDB40] =	vst v4  }
0x249: {  	v5 =	vmax.f32 v12, v16;
	v6 =	vmin.f32 v12, v16;
	v12 =	vmin.f32 v2, v7  }
0x24a: {  	v1 =	vmax.f32 v13, v1;
	v2 =	vmax.f32 v2, v7;
	v0 =	vmin.f32 v0, v6  }
0x24b: {  	v1 =	vmax.f32 v1, v5;
	v0 =	vmin.f32 v0, v3;
	v3 =	vmax.f32 v10, v11  }
0x24c: {  	v1 =	vmax.f32 v1, v17;
	v5 =	vmin.f32 v10, v11;
	v0 =	vmin.f32 v0, v12  }
0x24d: {  	v1 =	vmax.f32 v1, v2;
	v0 =	vmin.f32 v0, v5;
	v2 =	vmin.f32 v8, v9  }
0x24e: {  	v1 =	vmax.f32 v1, v3;
	v3 =	vmax.f32 v8, v9;
	v0 =	vmin.f32 v0, v2  }
0x24f: {  	v1 =	vmax.f32 v1, v3;
	v0 =	vsub.f32 v4, v0  }
0x250: {  	[tilespmem:s6+$0x1D080] =	vst v1;
	s6 =	smov.u32 s11  }
0x251: {  	[tilespmem:s7+$0x0] =	vst v0;
	s7 =	smov.u32 s20  }
.Ltmp4:
0x252: {  	v3 =	vld [tilespmem:s6+$0x19F80];
	(pc) =	sbr.rel @p0 .LBB2_10-.Ltmp4, $3  }
0x253: {  	v2 =	vld [tilespmem:s10+$0x0];
	_ =	sdelay $0x1  }
0x254: {  	v0 =	vld [tilespmem:s10+$0xFFFFE160]  }
0x255: {  	v1 =	vld [tilespmem:s10+$0xFFFFE780]  }
0x256: {  	v4 =	vshrl.u32 v3, $0x10  }
0x257: {  	v3 =	vand.u32 $0xFFFF, v3;
	v5 =	vld [tilespmem:s9+$0xFFFFEDA0]  }
0x258: {  	v7 =	vld [tilespmem:s9+$0xC40];
	v6 =	vshrl.u32 v2, $0x10  }
0x259: {  	v9 =	vld [tilespmem:s9+$0x620];
	v8 =	vand.u32 $0xFFFF, v0  }
0x25a: {  	v11 =	vld [tilespmem:s9+$0xFFFFF3C0];
	v0 =	vshrl.u32 v0, $0x10  }
0x25b: {  	v10 =	vshrl.u32 v1, $0x10;
	v4 =	vld.idx.msk [tilespmem:v4+s2+$0x0], $0xffff  }
0x25c: {  	v1 =	vand.u32 $0xFFFF, v1;
	v3 =	vld.idx.msk [tilespmem:v3+s2+$0x0], $0xffff  }
0x25d: {  	v12 =	vshrl.u32 v5, $0x10;
	v6 =	vld.idx.msk [tilespmem:v6+s2+$0x0], $0xffff  }
0x25e: {  	v5 =	vand.u32 $0xFFFF, v5;
	v8 =	vld.idx.msk [tilespmem:v8+s2+$0x0], $0xffff  }
0x25f: {  	v13 =	vshrl.u32 v11, $0x10;
	v0 =	vld.idx.msk [tilespmem:v0+s2+$0x0], $0xffff  }
0x260: {  	v11 =	vand.u32 $0xFFFF, v11;
	v10 =	vld.idx.msk [tilespmem:v10+s2+$0x0], $0xffff  }
0x261: {  	v2 =	vand.u32 $0xFFFF, v2;
	v1 =	vld.idx.msk [tilespmem:v1+s2+$0x0], $0xffff  }
0x262: {  	v14 =	vand.u32 $0xFFFF, v9;
	v12 =	vld.idx.msk [tilespmem:v12+s2+$0x0], $0xffff  }
0x263: {  	v9 =	vshrl.u32 v9, $0x10;
	v5 =	vld.idx.msk [tilespmem:v5+s2+$0x0], $0xffff  }
0x264: {  	v15 =	vshrl.u32 v7, $0x10;
	v7 =	vand.u32 $0xFFFF, v7;
	v13 =	vld.idx.msk [tilespmem:v13+s2+$0x0], $0xffff  }
0x265: {  	v11 =	vld.idx.msk [tilespmem:v11+s2+$0x0], $0xffff  }
0x266: {  	v2 =	vld.idx.msk [tilespmem:v2+s2+$0x0], $0xffff  }
0x267: {  	v16 =	vmax.f32 v3, v4;
	v14 =	vld.idx.msk [tilespmem:v14+s2+$0x0], $0xffff;
	v17 =	vmax.f32 v1, v10  }
0x268: {  	v9 =	vld.idx.msk [tilespmem:v9+s2+$0x0], $0xffff;
	v1 =	vmin.f32 v1, v10;
	v10 =	vmax.f32 v8, v0;
	v0 =	vmin.f32 v8, v0  }
0x269: {  	v7 =	vld.idx.msk [tilespmem:v7+s2+$0x0], $0xffff;
	v3 =	vmin.f32 v3, v4;
	v0 =	vmin.f32 v0, v1;
	v1 =	vmax.f32 v5, v12  }
0x26a: {  	v8 =	vld.idx.msk [tilespmem:v15+s2+$0x0], $0xffff;
	v5 =	vmin.f32 v5, v12;
	v10 =	vmax.f32 v10, v17;
	v4 =	vmax.f32 v11, v13  }
0x26b: {  	v0 =	vmin.f32 v0, v5;
	v5 =	vmin.f32 v11, v13;
	v11 =	vmin.f32 v2, v6  }
0x26c: {  	v12 =	vld [tilespmem:s8+$0x0];
	v1 =	vmax.f32 v10, v1;
	v2 =	vmax.f32 v2, v6;
	v0 =	vmin.f32 v0, v5  }
0x26d: {  	v1 =	vmax.f32 v1, v4;
	v4 =	vmin.f32 v14, v9;
	v0 =	vmin.f32 v0, v3  }
0x26e: {  	v3 =	vmax.f32 v14, v9;
	v1 =	vmax.f32 v1, v16;
	v0 =	vmin.f32 v0, v11  }
0x26f: {  	v1 =	vmax.f32 v1, v2;
	v2 =	vmin.f32 v7, v8;
	v0 =	vmin.f32 v0, v4  }
0x270: {  	v1 =	vmax.f32 v1, v3;
	v3 =	vmax.f32 v7, v8;
	v0 =	vmin.f32 v0, v2  }
0x271: {  	[tilespmem:s7+$0xFFFFDB40] =	vst v12;
	v1 =	vmax.f32 v1, v3;
	v0 =	vsub.f32 v12, v0  }
0x272: {  	[tilespmem:s6+$0x1D080] =	vst v1  }
0x273: {  	[tilespmem:s7+$0x0] =	vst v0  }
0x274: {  	_ =	swait.ge [sflag:s28], $0xC350  }
0x275: {  	s31 =	simm.s32 $0x0;
	[sflag:s28] =	ssyncset.done $0x0  }
0x276: {  	s6 =	sand.u32 $0x7F0, s31;
	[sflag:s28] =	ssyncadd.s32 $0xFFFF3CB0  }
0x277: {  	s8 =	simm.s32 $0x1A5A0;
	v0 =	vld [tilespmem:s6+$0x19F80]  }
0x278: {  	v1 =	vld [tilespmem:s8+$0xFFFFEDA0];
	_ =	sdelay $0x1  }
0x279: {  	v2 =	vld [tilespmem:s8+$0xFFFFE780]  }
0x27a: {  	v3 =	vld [tilespmem:s8+$0xC40]  }
0x27b: {  	v4 =	vld [tilespmem:s8+$0xFFFFE160];
	v6 =	vand.u32 $0xFFFF, v0  }
0x27c: {  	v10 =	vld [tilespmem:s8+$0x620];
	v8 =	vand.u32 $0xFFFF, v1  }
0x27d: {  	v17 =	vld [tilespmem:s8+$0x0];
	v16 =	vshrl.u32 v0, $0x10  }
0x27e: {  	v13 =	vld [tilespmem:s8+$0xFFFFF3C0];
	v14 =	vshrl.u32 v2, $0x10  }
0x27f: {  	v0 =	vld [tilespmem:s19+$0x0];
	v15 =	vshrl.u32 v3, $0x10  }
0x280: {  	v5 =	vshrl.u32 v1, $0x10;
	v7 =	vand.u32 $0xFFFF, v2;
	v11 =	vand.u32 $0xFFFF, v3;
	v1 =	vld.idx.msk [tilespmem:v6+s24+$0x0], $0xffff  }
0x281: {  	s9 =	simm.s32 $0x1D6A0;
	v9 =	vshrl.u32 v4, $0x10;
	v12 =	vand.u32 $0xFFFF, v4;
	v4 =	vshrl.u32 v10, $0x10;
	v3 =	vld.idx.msk [tilespmem:v8+s24+$0x0], $0xffff  }
0x282: {  	s10 =	simm.s32 $0x10;
	s20 =	smov.u32 s19;
	s7 =	simm.s32 $0x1D6A0;
	v6 =	vand.u32 $0xFFFF, v10;
	v2 =	vld.idx.msk [tilespmem:v16+s24+$0x0], $0xffff;
	v10 =	vshrl.u32 v17, $0x10;
	v8 =	vand.u32 $0xFFFF, v17  }
.LBB2_12:
0x283: {  	v14 =	vld.idx.msk [tilespmem:v14+s24+$0x0], $0xffff;
	v16 =	vshrl.u32 v13, $0x10;
	v13 =	vand.u32 $0xFFFF, v13;
	s9 =	sadd.s32 $0x10, s9;
	s20 =	sadd.s32 $0x10, s20;
	s8 =	sadd.s32 $0x10, s8  }
0x284: {  	p0 =	sne.s32 s10, $0x610;
	s21 =	smov.u32 s10;
	s10 =	sadd.s32 $0x10, s10;
	v15 =	vld.idx.msk [tilespmem:v15+s24+$0x0], $0xffff  }
0x285: {  	v11 =	vld.idx.msk [tilespmem:v11+s24+$0x0], $0xffff  }
0x286: {  	v7 =	vld.idx.msk [tilespmem:v7+s24+$0x0], $0xffff  }
0x287: {  	v12 =	vld.idx.msk [tilespmem:v12+s24+$0x0], $0xffff  }
0x288: {  	v9 =	vld.idx.msk [tilespmem:v9+s24+$0x0], $0xffff  }
0x289: {  	v5 =	vld.idx.msk [tilespmem:v5+s24+$0x0], $0xffff  }
0x28a: {  	v16 =	vld.idx.msk [tilespmem:v16+s24+$0x0], $0xffff  }
0x28b: {  	v17 =	vmax.f32 v11, v15;
	v11 =	vmin.f32 v11, v15;
	v13 =	vld.idx.msk [tilespmem:v13+s24+$0x0], $0xffff  }
0x28c: {  	v15 =	vmax.f32 v7, v14;
	v7 =	vmin.f32 v7, v14;
	v10 =	vld.idx.msk [tilespmem:v10+s24+$0x0], $0xffff  }
0x28d: {  	v8 =	vld.idx.msk [tilespmem:v8+s24+$0x0], $0xffff  }
0x28e: {  	v6 =	vld.idx.msk [tilespmem:v6+s24+$0x0], $0xffff  }
0x28f: {  	v14 =	vmax.f32 v12, v9;
	v9 =	vmin.f32 v12, v9;
	v12 =	vmax.f32 v3, v5;
	v4 =	vld.idx.msk [tilespmem:v4+s24+$0x0], $0xffff  }
0x290: {  	v14 =	vmax.f32 v14, v15;
	v7 =	vmin.f32 v9, v7;
	v3 =	vmin.f32 v3, v5;
	[tilespmem:s7+$0xFFFFEDA0] =	vst v0  }
0x291: {  	v3 =	vmin.f32 v7, v3;
	v5 =	vmax.f32 v13, v16;
	v7 =	vmin.f32 v13, v16  }
0x292: {  	v9 =	vmax.f32 v14, v12;
	v3 =	vmin.f32 v3, v7;
	v7 =	vmax.f32 v1, v2  }
0x293: {  	v5 =	vmax.f32 v9, v5;
	v1 =	vmin.f32 v1, v2;
	v2 =	vmax.f32 v8, v10  }
0x294: {  	v5 =	vmax.f32 v5, v7;
	v1 =	vmin.f32 v3, v1;
	v3 =	vmin.f32 v8, v10  }
0x295: {  	v1 =	vmin.f32 v1, v3;
	v3 =	vmax.f32 v6, v4;
	v4 =	vmin.f32 v6, v4  }
0x296: {  	v2 =	vmax.f32 v5, v2;
	v1 =	vmin.f32 v1, v4  }
0x297: {  	v2 =	vmax.f32 v2, v3;
	v1 =	vmin.f32 v1, v11  }
0x298: {  	v2 =	vmax.f32 v2, v17;
	v0 =	vsub.f32 v0, v1  }
0x299: {  	s11 =	sand.u32 $0x7F0, s21;
	[tilespmem:s7+$0x0] =	vst v2;
	s7 =	smov.u32 s9  }
0x29a: {  	v1 =	vld [tilespmem:s11+$0x19F80];
	[tilespmem:s6+$0x1E900] =	vst v0;
	s6 =	smov.u32 s11  }
0x29b: {  	v0 =	vld [tilespmem:s8+$0xFFFFEDA0]  }
0x29c: {  	v2 =	vld [tilespmem:s8+$0xFFFFE780]  }
0x29d: {  	v3 =	vld [tilespmem:s8+$0xC40]  }
0x29e: {  	v4 =	vld [tilespmem:s8+$0xFFFFE160]  }
0x29f: {  	v6 =	vand.u32 $0xFFFF, v1  }
0x2a0: {  	v5 =	vshrl.u32 v0, $0x10;
	v8 =	vand.u32 $0xFFFF, v0;
	v10 =	vld [tilespmem:s8+$0x620]  }
0x2a1: {  	v14 =	vshrl.u32 v2, $0x10;
	v7 =	vand.u32 $0xFFFF, v2;
	v2 =	vshrl.u32 v1, $0x10;
	v16 =	vld [tilespmem:s8+$0x0]  }
.Ltmp5:
0x2a2: {  	v13 =	vld [tilespmem:s8+$0xFFFFF3C0];
	v15 =	vshrl.u32 v3, $0x10;
	v11 =	vand.u32 $0xFFFF, v3;
	(pc) =	sbr.rel @p0 .LBB2_12-.Ltmp5, $4  }
0x2a3: {  	v0 =	vld [tilespmem:s20+$0x0];
	v9 =	vshrl.u32 v4, $0x10;
	v12 =	vand.u32 $0xFFFF, v4  }
0x2a4: {  	v1 =	vld.idx.msk [tilespmem:v6+s24+$0x0], $0xffff  }
0x2a5: {  	v3 =	vld.idx.msk [tilespmem:v8+s24+$0x0], $0xffff;
	v4 =	vshrl.u32 v10, $0x10;
	v6 =	vand.u32 $0xFFFF, v10  }
0x2a6: {  	v2 =	vld.idx.msk [tilespmem:v2+s24+$0x0], $0xffff;
	v10 =	vshrl.u32 v16, $0x10;
	v8 =	vand.u32 $0xFFFF, v16  }
0x2a7: {  	_ =	sdelay $0x3  }
0x2a8: {  	v14 =	vld.idx.msk [tilespmem:v14+s24+$0x0], $0xffff  }
0x2a9: {  	v15 =	vld.idx.msk [tilespmem:v15+s24+$0x0], $0xffff  }
0x2aa: {  	v11 =	vld.idx.msk [tilespmem:v11+s24+$0x0], $0xffff  }
0x2ab: {  	v7 =	vld.idx.msk [tilespmem:v7+s24+$0x0], $0xffff  }
0x2ac: {  	v16 =	vshrl.u32 v13, $0x10;
	v12 =	vld.idx.msk [tilespmem:v12+s24+$0x0], $0xffff  }
0x2ad: {  	v50 =	vand.u32 $0xFFFF, v13;
	v9 =	vld.idx.msk [tilespmem:v9+s24+$0x0], $0xffff  }
0x2ae: {  	v5 =	vld.idx.msk [tilespmem:v5+s24+$0x0], $0xffff  }
0x2af: {  	v10 =	vld.idx.msk [tilespmem:v10+s24+$0x0], $0xffff  }
0x2b0: {  	v8 =	vld.idx.msk [tilespmem:v8+s24+$0x0], $0xffff  }
0x2b1: {  	v16 =	vld.idx.msk [tilespmem:v16+s24+$0x0], $0xffff  }
0x2b2: {  	v57 =	vmax.f32 v1, v2;
	v13 =	vld.idx.msk [tilespmem:v50+s24+$0x0], $0xffff  }
0x2b3: {  	v6 =	vld.idx.msk [tilespmem:v6+s24+$0x0], $0xffff;
	v58 =	vmin.f32 v1, v2;
	v17 =	vmax.f32 v7, v14;
	v7 =	vmin.f32 v7, v14  }
0x2b4: {  	v4 =	vld.idx.msk [tilespmem:v4+s24+$0x0], $0xffff;
	v51 =	vmax.f32 v12, v9;
	v9 =	vmin.f32 v12, v9;
	v52 =	vmin.f32 v11, v15  }
0x2b5: {  	v53 =	vmax.f32 v3, v5;
	v54 =	vmin.f32 v3, v5;
	v7 =	vmin.f32 v9, v7  }
0x2b6: {  	v59 =	vmax.f32 v8, v10;
	v55 =	vmax.f32 v51, v17;
	v3 =	vmin.f32 v7, v54  }
0x2b7: {  	v5 =	vmax.f32 v55, v53;
	v56 =	vmin.f32 v13, v16;
	v13 =	vmax.f32 v13, v16  }
0x2b8: {  	v60 =	vmin.f32 v8, v10;
	v3 =	vmin.f32 v3, v56;
	v5 =	vmax.f32 v5, v13  }
0x2b9: {  	v61 =	vmin.f32 v6, v4;
	v1 =	vmin.f32 v3, v58;
	v5 =	vmax.f32 v5, v57  }
0x2ba: {  	v4 =	vmax.f32 v6, v4;
	v1 =	vmin.f32 v1, v60;
	v2 =	vmax.f32 v5, v59  }
0x2bb: {  	v62 =	vmax.f32 v11, v15;
	v1 =	vmin.f32 v1, v61;
	v2 =	vmax.f32 v2, v4  }
0x2bc: {  	[tilespmem:s7+$0xFFFFEDA0] =	vst v0;
	v1 =	vmin.f32 v1, v52;
	v2 =	vmax.f32 v2, v62  }
0x2bd: {  	v63 =	vsub.f32 v0, v1;
	[tilespmem:s7+$0x0] =	vst v2;
	s7 =	sld [smem:$0x7FB];
	_ =	sdelay $0x1  }
0x2be: {  	s8 =	simm.s32 $0x1B800;
	s9 =	sld [smem:$0x7FC];
	[tilespmem:s6+$0x1E900] =	vst v63  }
0x2bf: {  	[hbm4b:s7+s2] =	stream.linear.scatter [tilespmem:s8], [sflag:$0x3], $0x620, $0x38;
	[tilespmem:$0x1F580] =	vst v63  }
0x2c0: {  	s10 =	simm.s32 $0x1BE20;
	s11 =	sld [smem:$0x7FD]  }
0x2c1: {  	[hbm4b:s9+s2] =	stream.linear.scatter [tilespmem:s10], [sflag:$0x3], $0x620, $0x38;
	[tilespmem:$0x1F580] =	vst v63  }
0x2c2: {  	s20 =	simm.s32 $0x1C440  }
0x2c3: {  	[hbm4b:s11+s2] =	stream.linear.scatter [tilespmem:s20], [sflag:$0x3], $0x620, $0x38;
	[tilespmem:$0x1F580] =	vst v63  }
0x2c4: {  	s21 =	simm.s32 $0x1CA60  }
0x2c5: {  	[hbm4b:s12+s2] =	stream.linear.scatter [tilespmem:s21], [sflag:$0x3], $0x620, $0x38;
	[tilespmem:$0x1F580] =	vst v63  }
0x2c6: {  	s25 =	simm.s32 $0x1D080  }
0x2c7: {  	[hbm4b:s13+s2] =	stream.linear.scatter [tilespmem:s25], [sflag:$0x3], $0x620, $0x38;
	[tilespmem:$0x1F580] =	vst v63  }
0x2c8: {  	s29 =	simm.s32 $0x1D6A0  }
0x2c9: {  	[hbm4b:s14+s2] =	stream.linear.scatter [tilespmem:s29], [sflag:$0x3], $0x620, $0x38;
	[tilespmem:$0x1F580] =	vst v63  }
0x2ca: {  	_ = 	snop  }
0x2cb: {  	[hbm4b:s15+s2] =	stream.linear.scatter [tilespmem:s1], [sflag:$0x3], $0x620, $0x38;
	[tilespmem:$0x1F580] =	vst v63  }
0x2cc: {  	_ = 	snop  }
0x2cd: {  	[hbm4b:s16+s2] =	stream.linear.scatter [tilespmem:s0], [sflag:$0x3], $0x620, $0x38;
	[tilespmem:$0x1F580] =	vst v63  }
0x2ce: {  	_ = 	snop  }
0x2cf: {  	[hbm4b:s17+s2] =	stream.linear.scatter [tilespmem:s3], [sflag:$0x3], $0x620, $0x38;
	[tilespmem:$0x1F580] =	vst v63  }
0x2d0: {  	_ = 	snop  }
0x2d1: {  	[hbm4b:s18+s2] =	stream.linear.scatter [tilespmem:s26], [sflag:$0x3], $0x620, $0x38;
	[tilespmem:$0x1F580] =	vst v63  }
0x2d2: {  	_ =	swait.ge [sflag:s4], $0x620  }
0x2d3: {  	[sflag:s4] =	ssyncset.done $0x0  }
0x2d4: {  	[sflag:s4] =	ssyncadd.s32 $0xFFFFF9E0  }
0x2d5: {  	_ =	swait.ge [sflag:s4], $0x620  }
0x2d6: {  	[sflag:s4] =	ssyncset.done $0x0  }
0x2d7: {  	[sflag:s4] =	ssyncadd.s32 $0xFFFFF9E0  }
0x2d8: {  	_ =	swait.ge [sflag:s4], $0x620  }
0x2d9: {  	[sflag:s4] =	ssyncset.done $0x0  }
0x2da: {  	[sflag:s4] =	ssyncadd.s32 $0xFFFFF9E0  }
0x2db: {  	_ =	swait.ge [sflag:s4], $0x620  }
0x2dc: {  	[sflag:s4] =	ssyncset.done $0x0  }
0x2dd: {  	[sflag:s4] =	ssyncadd.s32 $0xFFFFF9E0  }
0x2de: {  	_ =	swait.ge [sflag:s4], $0x620  }
0x2df: {  	[sflag:s4] =	ssyncset.done $0x0  }
0x2e0: {  	[sflag:s4] =	ssyncadd.s32 $0xFFFFF9E0  }
0x2e1: {  	_ =	swait.ge [sflag:s4], $0x620  }
0x2e2: {  	[sflag:s4] =	ssyncset.done $0x0  }
0x2e3: {  	[sflag:s4] =	ssyncadd.s32 $0xFFFFF9E0  }
0x2e4: {  	_ =	swait.ge [sflag:s4], $0x620  }
0x2e5: {  	[sflag:s4] =	ssyncset.done $0x0  }
0x2e6: {  	[sflag:s4] =	ssyncadd.s32 $0xFFFFF9E0  }
0x2e7: {  	_ =	swait.ge [sflag:s4], $0x620  }
0x2e8: {  	[sflag:s4] =	ssyncset.done $0x0  }
0x2e9: {  	[sflag:s4] =	ssyncadd.s32 $0xFFFFF9E0  }
0x2ea: {  	_ =	swait.ge [sflag:s4], $0x620  }
0x2eb: {  	[sflag:s4] =	ssyncset.done $0x0  }
0x2ec: {  	[sflag:s4] =	ssyncadd.s32 $0xFFFFF9E0  }
0x2ed: {  	_ =	swait.ge [sflag:s4], $0x620  }
0x2ee: {  	s5 =	sadd.s32 $0x1, s5;
	s31 =	rddreg [dreg:$0x1b]  }
0x2ef: {  	p0 =	sne.s32 s5, s31  }
.Ltmp6:
0x2f0: {  	_ = 	snop;
	(pc) =	sbr.rel @p0 .LBB2_1-.Ltmp6, $3  }
0x2f1: {  	_ =	sdelay $0x1  }
0x2f2: {  	[sflag:s4] =	ssyncset.done $0x0  }
0x2f3: {  	[sflag:s4] =	ssyncadd.s32 $0xFFFFF9E0  }
0x2f4: {  	_ =	sfence.sel $0x180000  }
0x2f5: {  	[bflag:$0x0] =	sbarrier.arrive $0xFFFF  }
0x2f6: {  	_ =	strace $0x90000047  }
0x2f7: {  	s0 =	stileid.u32;
	[bflag:$0x2] =	sbarrier.arrive $0xFFFF  }
0x2f8: {  	p0 =	sne.s32 s0, $0x0;
	s0 =	rddreg [dreg:$0x2]  }
0x2f9: {  	s0 =	sadd.s32 @!p0 $0x100000, s0  }
0x2fa: {  	[sflag:s0] =	ssyncadd.tile.s32 @!p0 $0x1;
	_ =	shalt  }
.Lfunc_end2:
_tile_overlayer_lowered:
.L_overlay_start_2:
0x2fb: {  	(tag) =	ssettag $0x2  }
0x2fc: {  	s0 =	rddreg [dreg:$0x0];
	s2 =	stileid.u32  }
0x2fd: {  	s1 =	rddreg [dreg:$0x1];
	p0 =	sne.s32 s2, $0x0  }
0x2fe: {  	s3 =	rddreg [dreg:$0x2];
	[bflag:$0x3] =	sbarrier.arrive $0xFFFF;
	s2 =	simm.s32 @!p0 $0x1C04  }
0x2ff: {  	[timem:s3], [sflag:s2] =	dma.local @!p0 [hbm:s0], s1  }
0x300: {  	s0 =	simm.s32 @!p0 $0x4  }
0x301: {  	_ =	swait.ge @!p0 [sflag:s0], s1  }
0x302: {  	s1 =	ssub.s32 @!p0 $0x0, s1;
	[sflag:s0] =	ssyncset.done @!p0 $0x0  }
0x303: {  	[sflag:s0] =	ssyncadd.s32 @!p0 s1  }
0x304: {  	[bflag:$0x3] =	sbarrier.arrive $0xFFFF  }
0x305: {  	_ =	shalt  }

</sc_bundles>
